<compile_context>
chip_gen: v7x
topology: tpu7x:2x2x1
jax: 0.10.2.dev20260603
libtpu: 0.0.44.dev20260713+nightly
codegen_flags: <defaults>
</compile_context>

<pallas_src>
import functools

import jax
import jax.numpy as jnp
from jax import lax
from jax.experimental import pallas as pl
from jax.experimental.pallas import tpu as pltpu
from jax.experimental.pallas import tpu_sc as plsc

BSZ, SEQ, DIM, NT = 16, 4096, 256, 72
NTP = 128
ROWS, COLS = 32, 128
TRASH = SEQ
ACC_ROWS = SEQ + 8
TPT = SEQ // 16
ZROWS = 64


def _tc_body(lab_ref, hid_ref, e_ref, p_ref, seg_ref):
    lab = lab_ref[0]
    is_b = lab == 1
    is_i = lab == 2
    bf = is_b.astype(jnp.float32)

    r128 = lax.broadcasted_iota(jnp.int32, (COLS, COLS), 0)
    c128 = lax.broadcasted_iota(jnp.int32, (COLS, COLS), 1)
    upper = (r128 <= c128).astype(jnp.float32)
    cs_row = jnp.dot(bf, upper, preferred_element_type=jnp.float32)

    r32 = lax.broadcasted_iota(jnp.int32, (ROWS, ROWS), 0)
    c32 = lax.broadcasted_iota(jnp.int32, (ROWS, ROWS), 1)
    strict_lower = (c32 < r32).astype(jnp.float32)
    prev = jnp.dot(
        strict_lower, cs_row[:, COLS - 1 :], preferred_element_type=jnp.float32
    )
    cs = cs_row + prev

    seg = cs.astype(jnp.int32) - 1
    valid = (is_b | is_i) & (seg >= 0)
    seg_ref[0] = jnp.where(valid, seg, TRASH)

    p_ref[0] = jnp.dot(
        hid_ref[0], e_ref[...], preferred_element_type=jnp.float32
    )


_tc_project = pl.pallas_call(
    _tc_body,
    grid=(BSZ,),
    in_specs=[
        pl.BlockSpec((1, ROWS, COLS), lambda b: (b, 0, 0)),
        pl.BlockSpec((1, SEQ, DIM), lambda b: (b, 0, 0)),
        pl.BlockSpec((DIM, NTP), lambda b: (0, 0)),
    ],
    out_specs=[
        pl.BlockSpec((1, SEQ, NTP), lambda b: (b, 0, 0)),
        pl.BlockSpec((1, ROWS, COLS), lambda b: (b, 0, 0)),
    ],
    out_shape=[
        jax.ShapeDtypeStruct((BSZ, SEQ, NTP), jnp.float32),
        jax.ShapeDtypeStruct((BSZ, ROWS, COLS), jnp.int32),
    ],
)


def _sc_body(p_hbm, seg_hbm, out_hbm, idx_v, p_v, zbuf, o_v, sem, acc):
    core = lax.axis_index("c")
    tid = lax.axis_index("s")

    def _zero_row(r, carry):
        for k in range(NTP // 16):
            zbuf[r, pl.ds(k * 16, 16)] = jnp.zeros((16,), jnp.float32)
        return carry

    lax.fori_loop(0, ZROWS, _zero_row, 0)

    lo = tid * TPT

    for k in range(BSZ // 2):
        b = 2 * k + core
        h_idx = pltpu.async_copy(seg_hbm.at[b, pl.ds(tid * 2, 2)], idx_v, sem)
        h_p = pltpu.async_copy(p_hbm.at[b, pl.ds(tid * TPT, TPT)], p_v, sem)
        for z in range(TPT // ZROWS):
            pltpu.sync_copy(zbuf, acc.at[pl.ds(lo + z * ZROWS, ZROWS)])

        plsc.subcore_barrier()
        h_idx.wait()
        h_p.wait()
        for j in range(2):
            pltpu.sync_copy(
                p_v.at[pl.ds(j * COLS, COLS)],
                acc.at[idx_v.at[j]],
                add=True,
            )
        plsc.subcore_barrier()

        pltpu.sync_copy(acc.at[pl.ds(lo, TPT)], p_v)

        def _strip_row(r, carry):
            for kk in range(4):
                o_v[r, pl.ds(kk * 16, 16)] = p_v[r, pl.ds(kk * 16, 16)]
            o_v[r, pl.ds(NT - 16, 16)] = p_v[r, pl.ds(NT - 16, 16)]
            return carry

        lax.fori_loop(0, TPT, _strip_row, 0)
        pltpu.sync_copy(o_v, out_hbm.at[b, pl.ds(lo, TPT)])


@functools.cache
def _sc_segsum():
    return pl.kernel(
        _sc_body,
        out_type=jax.ShapeDtypeStruct((BSZ, SEQ, NT), jnp.float32),
        mesh=plsc.VectorSubcoreMesh(core_axis_name="c", subcore_axis_name="s"),
        scratch_types=[
            pltpu.VMEM((2, COLS), jnp.int32),
            pltpu.VMEM((TPT, NTP), jnp.float32),
            pltpu.VMEM((ZROWS, NTP), jnp.float32),
            pltpu.VMEM((TPT, NT), jnp.float32),
            pltpu.SemaphoreType.DMA,
            pltpu.VMEM_SHARED((ACC_ROWS, NTP), jnp.float32),
        ],
    )


def kernel(hidden_layers, entity_type_embs, binary_predictions):
    labs = binary_predictions.reshape(BSZ, ROWS, COLS)
    e_pad = jnp.pad(entity_type_embs, ((0, 0), (0, NTP - NT)))
    p, seg = _tc_project(labs, hidden_layers, e_pad)
    return _sc_segsum()(p, seg)

# --- scband reference (transcript-rebuilt; emitter-appended) ---
"""Pipeline reference for scband-entity-name-predictor-4406636445857 (READ-ONLY COPY).

The authoritative reference and input builder live on the scoring server;
editing this copy changes nothing except your own understanding.
"""

import jax, jax.numpy as jnp
import numpy as np

BSZ, SEQ, DIM, NTYPES = 16, 4096, 256, 72


def setup_inputs(seed: int = 0) -> dict:
    key = jax.random.key(seed)
    k1, k2, k3 = jax.random.split(key, 3)
    hidden_layers = jax.random.normal(k1, (BSZ, SEQ, DIM), dtype=jnp.float32)
    # BIO labels: 0 = O, 1 = B, 2 = I
    binary_predictions = jax.random.randint(k2, (BSZ, SEQ), 0, 3, dtype=jnp.int32)
    # loaded entity-type embedding table, already transposed to (input_dim, n_types)
    entity_type_embs = jax.random.normal(k3, (DIM, NTYPES), dtype=jnp.float32) * 0.02
    return {
        "hidden_layers": hidden_layers,
        "entity_type_embs": entity_type_embs,
        "binary_predictions": binary_predictions,
    }


def reference(hidden_layers, entity_type_embs, binary_predictions):
    # enc_type == 'sum' branch: each slot feature is the sum of the hidden
    # vectors at its B token and all following I tokens (up to the next B).
    labels = binary_predictions
    is_B = labels == 1
    is_I = labels == 2
    # slot id = index of most recent B token; -1 before the first B
    seg = jnp.cumsum(is_B.astype(jnp.int32), axis=1) - 1
    # tokens contributing to a slot: B tokens and I tokens after the first B.
    # O tokens are skipped (original code gathers only B/I indices), and I
    # tokens preceding any B are dropped, matching the torch loop semantics.
    tok_valid = (is_B | is_I) & (seg >= 0)
    seg_safe = jnp.where(tok_valid, seg, 0)
    masked = hidden_layers * tok_valid[..., None].astype(hidden_layers.dtype)

    def per_sample(h, s):
        return jax.ops.segment_sum(h, s, num_segments=SEQ)

    feats = jax.vmap(per_sample)(masked, seg_safe)  # [BSZ, SEQ, DIM]
    # pred_slotname = feature @ entity_type_embs  (ragged list -> padded tensor)
    pred = jnp.einsum("bsd,dt->bst", feats, entity_type_embs)  # [BSZ, SEQ, NTYPES]
    num_B = jnp.sum(is_B.astype(jnp.int32), axis=1)
    slot_valid = (jnp.arange(SEQ)[None, :] < num_B[:, None]).astype(pred.dtype)
    pred = pred * slot_valid[..., None]
    return pred

if __name__ == "__main__":
    import jax
    _d = setup_inputs()
    print(jax.jit(kernel)(*tuple(_d.values())))

</pallas_src>

<mosaic_0001>
#map = affine_map<(d0, d1) -> (0, 0, 0)>
module attributes {stable_mosaic.version = 14 : i64} {
  func.func @_sc_body(%arg0: i32, %arg1: i32, %arg2: memref<16x4096x128xf32, #tpu.memory_space<hbm>>, %arg3: memref<16x32x128xi32, #tpu.memory_space<hbm>>, %arg4: memref<16x4096x72xf32, #tpu.memory_space<hbm>>, %arg5: memref<2x128xi32, #tpu.memory_space<vmem>>, %arg6: memref<256x128xf32, #tpu.memory_space<vmem>>, %arg7: memref<64x128xf32, #tpu.memory_space<vmem>>, %arg8: memref<256x72xf32, #tpu.memory_space<vmem>>, %arg9: memref<!tpu.dma_semaphore, #tpu.memory_space<semaphore_mem>>, %arg10: memref<4104x128xf32, #tpu.memory_space<vmem_shared>>) attributes {dimension_semantics = [#tpu.dimension_semantics<core_parallel>, #tpu.dimension_semantics<subcore_parallel>], iteration_bounds = array<i64: 2, 16>, scalar_prefetch = 0 : i64, scratch_operands = 6 : i64, tpu.core_type = #tpu.core_type<sc_vector_subcore>, window_params = [{transform_indices = #map}, {transform_indices = #map}, {transform_indices = #map}]} {
    %scan3A = arith.constant 0 : i32
    %scan3A_0 = arith.constant 0 : i32
    %scan3A_1 = arith.constant 64 : i32
    %scan3A_2 = arith.addi %scan3A_0, %scan3A_1 : i32
    %scan3A_3 = arith.constant 1 : i32
    scf.for %scan3A_385 = %scan3A_0 to %scan3A_2 step %scan3A_3  : i32 {
      %broadcast_in_dim3A = arith.constant 0.000000e+00 : f32
      %broadcast_in_dim3A_386 = vector.broadcast %broadcast_in_dim3A : f32 to vector<16xf32>
      %swap3A = arith.index_cast %scan3A_385 : i32 to index
      %swap3A_387 = arith.constant 0 : index
      %swap3A_388 = tpu.vector_load %arg7[%swap3A, %swap3A_387] {strides = array<i32>} : memref<64x128xf32, #tpu.memory_space<vmem>>, vector<1x16xf32>,
      %swap3A_389 = vector.shape_cast %swap3A_388 : vector<1x16xf32> to vector<16xf32>
      %swap3A_390 = vector.shape_cast %broadcast_in_dim3A_386 : vector<16xf32> to vector<1x16xf32>
      tpu.vector_store %arg7[%swap3A, %swap3A_387], %swap3A_390 {strides = array<i32>} : memref<64x128xf32, #tpu.memory_space<vmem>>, vector<1x16xf32>,
      %broadcast_in_dim3A_391 = arith.constant 0.000000e+00 : f32
      %broadcast_in_dim3A_392 = vector.broadcast %broadcast_in_dim3A_391 : f32 to vector<16xf32>
      %swap3A_393 = arith.index_cast %scan3A_385 : i32 to index
      %swap3A_394 = arith.constant 16 : index
      %swap3A_395 = tpu.vector_load %arg7[%swap3A_393, %swap3A_394] {strides = array<i32>} : memref<64x128xf32, #tpu.memory_space<vmem>>, vector<1x16xf32>,
      %swap3A_396 = vector.shape_cast %swap3A_395 : vector<1x16xf32> to vector<16xf32>
      %swap3A_397 = vector.shape_cast %broadcast_in_dim3A_392 : vector<16xf32> to vector<1x16xf32>
      tpu.vector_store %arg7[%swap3A_393, %swap3A_394], %swap3A_397 {strides = array<i32>} : memref<64x128xf32, #tpu.memory_space<vmem>>, vector<1x16xf32>,
      %broadcast_in_dim3A_398 = arith.constant 0.000000e+00 : f32
      %broadcast_in_dim3A_399 = vector.broadcast %broadcast_in_dim3A_398 : f32 to vector<16xf32>
      %swap3A_400 = arith.index_cast %scan3A_385 : i32 to index
      %swap3A_401 = arith.constant 32 : index
      %swap3A_402 = tpu.vector_load %arg7[%swap3A_400, %swap3A_401] {strides = array<i32>} : memref<64x128xf32, #tpu.memory_space<vmem>>, vector<1x16xf32>,
      %swap3A_403 = vector.shape_cast %swap3A_402 : vector<1x16xf32> to vector<16xf32>
      %swap3A_404 = vector.shape_cast %broadcast_in_dim3A_399 : vector<16xf32> to vector<1x16xf32>
      tpu.vector_store %arg7[%swap3A_400, %swap3A_401], %swap3A_404 {strides = array<i32>} : memref<64x128xf32, #tpu.memory_space<vmem>>, vector<1x16xf32>,
      %broadcast_in_dim3A_405 = arith.constant 0.000000e+00 : f32
      %broadcast_in_dim3A_406 = vector.broadcast %broadcast_in_dim3A_405 : f32 to vector<16xf32>
      %swap3A_407 = arith.index_cast %scan3A_385 : i32 to index
      %swap3A_408 = arith.constant 48 : index
      %swap3A_409 = tpu.vector_load %arg7[%swap3A_407, %swap3A_408] {strides = array<i32>} : memref<64x128xf32, #tpu.memory_space<vmem>>, vector<1x16xf32>,
      %swap3A_410 = vector.shape_cast %swap3A_409 : vector<1x16xf32> to vector<16xf32>
      %swap3A_411 = vector.shape_cast %broadcast_in_dim3A_406 : vector<16xf32> to vector<1x16xf32>
      tpu.vector_store %arg7[%swap3A_407, %swap3A_408], %swap3A_411 {strides = array<i32>} : memref<64x128xf32, #tpu.memory_space<vmem>>, vector<1x16xf32>,
      %broadcast_in_dim3A_412 = arith.constant 0.000000e+00 : f32
      %broadcast_in_dim3A_413 = vector.broadcast %broadcast_in_dim3A_412 : f32 to vector<16xf32>
      %swap3A_414 = arith.index_cast %scan3A_385 : i32 to index
      %swap3A_415 = arith.constant 64 : index
      %swap3A_416 = tpu.vector_load %arg7[%swap3A_414, %swap3A_415] {strides = array<i32>} : memref<64x128xf32, #tpu.memory_space<vmem>>, vector<1x16xf32>,
      %swap3A_417 = vector.shape_cast %swap3A_416 : vector<1x16xf32> to vector<16xf32>
      %swap3A_418 = vector.shape_cast %broadcast_in_dim3A_413 : vector<16xf32> to vector<1x16xf32>
      tpu.vector_store %arg7[%swap3A_414, %swap3A_415], %swap3A_418 {strides = array<i32>} : memref<64x128xf32, #tpu.memory_space<vmem>>, vector<1x16xf32>,
      %broadcast_in_dim3A_419 = arith.constant 0.000000e+00 : f32
      %broadcast_in_dim3A_420 = vector.broadcast %broadcast_in_dim3A_419 : f32 to vector<16xf32>
      %swap3A_421 = arith.index_cast %scan3A_385 : i32 to index
      %swap3A_422 = arith.constant 80 : index
      %swap3A_423 = tpu.vector_load %arg7[%swap3A_421, %swap3A_422] {strides = array<i32>} : memref<64x128xf32, #tpu.memory_space<vmem>>, vector<1x16xf32>,
      %swap3A_424 = vector.shape_cast %swap3A_423 : vector<1x16xf32> to vector<16xf32>
      %swap3A_425 = vector.shape_cast %broadcast_in_dim3A_420 : vector<16xf32> to vector<1x16xf32>
      tpu.vector_store %arg7[%swap3A_421, %swap3A_422], %swap3A_425 {strides = array<i32>} : memref<64x128xf32, #tpu.memory_space<vmem>>, vector<1x16xf32>,
      %broadcast_in_dim3A_426 = arith.constant 0.000000e+00 : f32
      %broadcast_in_dim3A_427 = vector.broadcast %broadcast_in_dim3A_426 : f32 to vector<16xf32>
      %swap3A_428 = arith.index_cast %scan3A_385 : i32 to index
      %swap3A_429 = arith.constant 96 : index
      %swap3A_430 = tpu.vector_load %arg7[%swap3A_428, %swap3A_429] {strides = array<i32>} : memref<64x128xf32, #tpu.memory_space<vmem>>, vector<1x16xf32>,
      %swap3A_431 = vector.shape_cast %swap3A_430 : vector<1x16xf32> to vector<16xf32>
      %swap3A_432 = vector.shape_cast %broadcast_in_dim3A_427 : vector<16xf32> to vector<1x16xf32>
      tpu.vector_store %arg7[%swap3A_428, %swap3A_429], %swap3A_432 {strides = array<i32>} : memref<64x128xf32, #tpu.memory_space<vmem>>, vector<1x16xf32>,
      %broadcast_in_dim3A_433 = arith.constant 0.000000e+00 : f32
      %broadcast_in_dim3A_434 = vector.broadcast %broadcast_in_dim3A_433 : f32 to vector<16xf32>
      %swap3A_435 = arith.index_cast %scan3A_385 : i32 to index
      %swap3A_436 = arith.constant 112 : index
      %swap3A_437 = tpu.vector_load %arg7[%swap3A_435, %swap3A_436] {strides = array<i32>} : memref<64x128xf32, #tpu.memory_space<vmem>>, vector<1x16xf32>,
      %swap3A_438 = vector.shape_cast %swap3A_437 : vector<1x16xf32> to vector<16xf32>
      %swap3A_439 = vector.shape_cast %broadcast_in_dim3A_434 : vector<16xf32> to vector<1x16xf32>
      tpu.vector_store %arg7[%swap3A_435, %swap3A_436], %swap3A_439 {strides = array<i32>} : memref<64x128xf32, #tpu.memory_space<vmem>>, vector<1x16xf32>,
    }
    %scan3A_4 = arith.constant 64 : i32
    %mul3A = arith.constant 256 : i32
    %mul3A_5 = arith.muli %arg1, %mul3A : i32
    %add3A = arith.constant 0 : i32
    %add3A_6 = arith.addi %add3A, %arg0 : i32
    %mul3A_7 = arith.constant 2 : i32
    %mul3A_8 = arith.muli %arg1, %mul3A_7 : i32
    %dma_start3A = arith.constant 0 : i32
    %dma_start3A_9 = tpu.memref_slice %arg3[%add3A_6, %mul3A_8, %dma_start3A] : memref<16x32x128xi32, #tpu.memory_space<hbm>> -> memref<1x2x128xi32, #tpu.memory_space<hbm>>
    %dma_start3A_10 = tpu.memref_squeeze %dma_start3A_9 : memref<1x2x128xi32, #tpu.memory_space<hbm>> -> memref<2x128xi32, #tpu.memory_space<hbm>>
    %dma_start3A_11 = arith.constant 0 : i32
    %dma_start3A_12 = tpu.memref_slice %arg3[%add3A_6, %mul3A_8, %dma_start3A_11] : memref<16x32x128xi32, #tpu.memory_space<hbm>> -> memref<1x2x128xi32, #tpu.memory_space<hbm>>
    %dma_start3A_13 = tpu.memref_squeeze %dma_start3A_12 : memref<1x2x128xi32, #tpu.memory_space<hbm>> -> memref<2x128xi32, #tpu.memory_space<hbm>>
    tpu.enqueue_dma source(%dma_start3A_13 : memref<2x128xi32, #tpu.memory_space<hbm>>) target(%arg5 : memref<2x128xi32, #tpu.memory_space<vmem>>) target_semaphore(%arg9 : memref<!tpu.dma_semaphore, #tpu.memory_space<semaphore_mem>>)
    %mul3A_14 = arith.constant 256 : i32
    %mul3A_15 = arith.muli %arg1, %mul3A_14 : i32
    %dma_start3A_16 = arith.constant 0 : i32
    %dma_start3A_17 = tpu.memref_slice %arg2[%add3A_6, %mul3A_15, %dma_start3A_16] : memref<16x4096x128xf32, #tpu.memory_space<hbm>> -> memref<1x256x128xf32, #tpu.memory_space<hbm>>
    %dma_start3A_18 = tpu.memref_squeeze %dma_start3A_17 : memref<1x256x128xf32, #tpu.memory_space<hbm>> -> memref<256x128xf32, #tpu.memory_space<hbm>>
    %dma_start3A_19 = arith.constant 0 : i32
    %dma_start3A_20 = tpu.memref_slice %arg2[%add3A_6, %mul3A_15, %dma_start3A_19] : memref<16x4096x128xf32, #tpu.memory_space<hbm>> -> memref<1x256x128xf32, #tpu.memory_space<hbm>>
    %dma_start3A_21 = tpu.memref_squeeze %dma_start3A_20 : memref<1x256x128xf32, #tpu.memory_space<hbm>> -> memref<256x128xf32, #tpu.memory_space<hbm>>
    tpu.enqueue_dma source(%dma_start3A_21 : memref<256x128xf32, #tpu.memory_space<hbm>>) target(%arg6 : memref<256x128xf32, #tpu.memory_space<vmem>>) target_semaphore(%arg9 : memref<!tpu.dma_semaphore, #tpu.memory_space<semaphore_mem>>)
    %add3A_22 = arith.constant 0 : i32
    %add3A_23 = arith.addi %mul3A_5, %add3A_22 : i32
    "tpu.region"() ({
      %run_scoped3A_385 = tpu.sem_alloc : memref<!tpu.dma_semaphore, #tpu.memory_space<semaphore_mem>>
      %dma_start3A_386 = arith.constant 0 : i32
      %dma_start3A_387 = tpu.memref_slice %arg10[%add3A_23, %dma_start3A_386] : memref<4104x128xf32, #tpu.memory_space<vmem_shared>> -> memref<64x128xf32, #tpu.memory_space<vmem_shared>>
      %dma_start3A_388 = arith.constant 0 : i32
      %dma_start3A_389 = tpu.memref_slice %arg10[%add3A_23, %dma_start3A_388] : memref<4104x128xf32, #tpu.memory_space<vmem_shared>> -> memref<64x128xf32, #tpu.memory_space<vmem_shared>>
      tpu.enqueue_dma source(%arg7 : memref<64x128xf32, #tpu.memory_space<vmem>>) target(%dma_start3A_389 : memref<64x128xf32, #tpu.memory_space<vmem_shared>>) target_semaphore(%run_scoped3A_385 : memref<!tpu.dma_semaphore, #tpu.memory_space<semaphore_mem>>)
      %dma_wait3A_390 = arith.constant 0 : i32
      %dma_wait3A_391 = tpu.memref_slice %arg10[%add3A_23, %dma_wait3A_390] : memref<4104x128xf32, #tpu.memory_space<vmem_shared>> -> memref<64x128xf32, #tpu.memory_space<vmem_shared>>
      %dma_wait3A_392 = arith.constant 0 : i32
      %dma_wait3A_393 = tpu.memref_slice %arg10[%add3A_23, %dma_wait3A_392] : memref<4104x128xf32, #tpu.memory_space<vmem_shared>> -> memref<64x128xf32, #tpu.memory_space<vmem_shared>>
      tpu.wait_dma2 semaphore(%run_scoped3A_385 : memref<!tpu.dma_semaphore, #tpu.memory_space<semaphore_mem>>) src(%arg7 : memref<64x128xf32, #tpu.memory_space<vmem>>) dst(%dma_wait3A_393 : memref<64x128xf32, #tpu.memory_space<vmem_shared>>)
      tpu.yield
    }) : () -> ()
    %add3A_24 = arith.constant 64 : i32
    %add3A_25 = arith.addi %mul3A_5, %add3A_24 : i32
    "tpu.region"() ({
      %run_scoped3A_385 = tpu.sem_alloc : memref<!tpu.dma_semaphore, #tpu.memory_space<semaphore_mem>>
      %dma_start3A_386 = arith.constant 0 : i32
      %dma_start3A_387 = tpu.memref_slice %arg10[%add3A_25, %dma_start3A_386] : memref<4104x128xf32, #tpu.memory_space<vmem_shared>> -> memref<64x128xf32, #tpu.memory_space<vmem_shared>>
      %dma_start3A_388 = arith.constant 0 : i32
      %dma_start3A_389 = tpu.memref_slice %arg10[%add3A_25, %dma_start3A_388] : memref<4104x128xf32, #tpu.memory_space<vmem_shared>> -> memref<64x128xf32, #tpu.memory_space<vmem_shared>>
      tpu.enqueue_dma source(%arg7 : memref<64x128xf32, #tpu.memory_space<vmem>>) target(%dma_start3A_389 : memref<64x128xf32, #tpu.memory_space<vmem_shared>>) target_semaphore(%run_scoped3A_385 : memref<!tpu.dma_semaphore, #tpu.memory_space<semaphore_mem>>)
      %dma_wait3A_390 = arith.constant 0 : i32
      %dma_wait3A_391 = tpu.memref_slice %arg10[%add3A_25, %dma_wait3A_390] : memref<4104x128xf32, #tpu.memory_space<vmem_shared>> -> memref<64x128xf32, #tpu.memory_space<vmem_shared>>
      %dma_wait3A_392 = arith.constant 0 : i32
      %dma_wait3A_393 = tpu.memref_slice %arg10[%add3A_25, %dma_wait3A_392] : memref<4104x128xf32, #tpu.memory_space<vmem_shared>> -> memref<64x128xf32, #tpu.memory_space<vmem_shared>>
      tpu.wait_dma2 semaphore(%run_scoped3A_385 : memref<!tpu.dma_semaphore, #tpu.memory_space<semaphore_mem>>) src(%arg7 : memref<64x128xf32, #tpu.memory_space<vmem>>) dst(%dma_wait3A_393 : memref<64x128xf32, #tpu.memory_space<vmem_shared>>)
      tpu.yield
    }) : () -> ()
    %add3A_26 = arith.constant 128 : i32
    %add3A_27 = arith.addi %mul3A_5, %add3A_26 : i32
    "tpu.region"() ({
      %run_scoped3A_385 = tpu.sem_alloc : memref<!tpu.dma_semaphore, #tpu.memory_space<semaphore_mem>>
      %dma_start3A_386 = arith.constant 0 : i32
      %dma_start3A_387 = tpu.memref_slice %arg10[%add3A_27, %dma_start3A_386] : memref<4104x128xf32, #tpu.memory_space<vmem_shared>> -> memref<64x128xf32, #tpu.memory_space<vmem_shared>>
      %dma_start3A_388 = arith.constant 0 : i32
      %dma_start3A_389 = tpu.memref_slice %arg10[%add3A_27, %dma_start3A_388] : memref<4104x128xf32, #tpu.memory_space<vmem_shared>> -> memref<64x128xf32, #tpu.memory_space<vmem_shared>>
      tpu.enqueue_dma source(%arg7 : memref<64x128xf32, #tpu.memory_space<vmem>>) target(%dma_start3A_389 : memref<64x128xf32, #tpu.memory_space<vmem_shared>>) target_semaphore(%run_scoped3A_385 : memref<!tpu.dma_semaphore, #tpu.memory_space<semaphore_mem>>)
      %dma_wait3A_390 = arith.constant 0 : i32
      %dma_wait3A_391 = tpu.memref_slice %arg10[%add3A_27, %dma_wait3A_390] : memref<4104x128xf32, #tpu.memory_space<vmem_shared>> -> memref<64x128xf32, #tpu.memory_space<vmem_shared>>
      %dma_wait3A_392 = arith.constant 0 : i32
      %dma_wait3A_393 = tpu.memref_slice %arg10[%add3A_27, %dma_wait3A_392] : memref<4104x128xf32, #tpu.memory_space<vmem_shared>> -> memref<64x128xf32, #tpu.memory_space<vmem_shared>>
      tpu.wait_dma2 semaphore(%run_scoped3A_385 : memref<!tpu.dma_semaphore, #tpu.memory_space<semaphore_mem>>) src(%arg7 : memref<64x128xf32, #tpu.memory_space<vmem>>) dst(%dma_wait3A_393 : memref<64x128xf32, #tpu.memory_space<vmem_shared>>)
      tpu.yield
    }) : () -> ()
    %add3A_28 = arith.constant 192 : i32
    %add3A_29 = arith.addi %mul3A_5, %add3A_28 : i32
    "tpu.region"() ({
      %run_scoped3A_385 = tpu.sem_alloc : memref<!tpu.dma_semaphore, #tpu.memory_space<semaphore_mem>>
      %dma_start3A_386 = arith.constant 0 : i32
      %dma_start3A_387 = tpu.memref_slice %arg10[%add3A_29, %dma_start3A_386] : memref<4104x128xf32, #tpu.memory_space<vmem_shared>> -> memref<64x128xf32, #tpu.memory_space<vmem_shared>>
      %dma_start3A_388 = arith.constant 0 : i32
      %dma_start3A_389 = tpu.memref_slice %arg10[%add3A_29, %dma_start3A_388] : memref<4104x128xf32, #tpu.memory_space<vmem_shared>> -> memref<64x128xf32, #tpu.memory_space<vmem_shared>>
      tpu.enqueue_dma source(%arg7 : memref<64x128xf32, #tpu.memory_space<vmem>>) target(%dma_start3A_389 : memref<64x128xf32, #tpu.memory_space<vmem_shared>>) target_semaphore(%run_scoped3A_385 : memref<!tpu.dma_semaphore, #tpu.memory_space<semaphore_mem>>)
      %dma_wait3A_390 = arith.constant 0 : i32
      %dma_wait3A_391 = tpu.memref_slice %arg10[%add3A_29, %dma_wait3A_390] : memref<4104x128xf32, #tpu.memory_space<vmem_shared>> -> memref<64x128xf32, #tpu.memory_space<vmem_shared>>
      %dma_wait3A_392 = arith.constant 0 : i32
      %dma_wait3A_393 = tpu.memref_slice %arg10[%add3A_29, %dma_wait3A_392] : memref<4104x128xf32, #tpu.memory_space<vmem_shared>> -> memref<64x128xf32, #tpu.memory_space<vmem_shared>>
      tpu.wait_dma2 semaphore(%run_scoped3A_385 : memref<!tpu.dma_semaphore, #tpu.memory_space<semaphore_mem>>) src(%arg7 : memref<64x128xf32, #tpu.memory_space<vmem>>) dst(%dma_wait3A_393 : memref<64x128xf32, #tpu.memory_space<vmem_shared>>)
      tpu.yield
    }) : () -> ()
    %barrier3A = arith.constant 0 : index
    tpu.barrier barrier_id(%barrier3A)
    %dma_wait3A = arith.constant 0 : i32
    %dma_wait3A_30 = tpu.memref_slice %arg3[%add3A_6, %mul3A_8, %dma_wait3A] : memref<16x32x128xi32, #tpu.memory_space<hbm>> -> memref<1x2x128xi32, #tpu.memory_space<hbm>>
    %dma_wait3A_31 = tpu.memref_squeeze %dma_wait3A_30 : memref<1x2x128xi32, #tpu.memory_space<hbm>> -> memref<2x128xi32, #tpu.memory_space<hbm>>
    %dma_wait3A_32 = arith.constant 0 : i32
    %dma_wait3A_33 = tpu.memref_slice %arg3[%add3A_6, %mul3A_8, %dma_wait3A_32] : memref<16x32x128xi32, #tpu.memory_space<hbm>> -> memref<1x2x128xi32, #tpu.memory_space<hbm>>
    %dma_wait3A_34 = tpu.memref_squeeze %dma_wait3A_33 : memref<1x2x128xi32, #tpu.memory_space<hbm>> -> memref<2x128xi32, #tpu.memory_space<hbm>>
    tpu.wait_dma2 semaphore(%arg9 : memref<!tpu.dma_semaphore, #tpu.memory_space<semaphore_mem>>) src(%dma_wait3A_34 : memref<2x128xi32, #tpu.memory_space<hbm>>) dst(%arg5 : memref<2x128xi32, #tpu.memory_space<vmem>>)
    %dma_wait3A_35 = arith.constant 0 : i32
    %dma_wait3A_36 = tpu.memref_slice %arg2[%add3A_6, %mul3A_15, %dma_wait3A_35] : memref<16x4096x128xf32, #tpu.memory_space<hbm>> -> memref<1x256x128xf32, #tpu.memory_space<hbm>>
    %dma_wait3A_37 = tpu.memref_squeeze %dma_wait3A_36 : memref<1x256x128xf32, #tpu.memory_space<hbm>> -> memref<256x128xf32, #tpu.memory_space<hbm>>
    %dma_wait3A_38 = arith.constant 0 : i32
    %dma_wait3A_39 = tpu.memref_slice %arg2[%add3A_6, %mul3A_15, %dma_wait3A_38] : memref<16x4096x128xf32, #tpu.memory_space<hbm>> -> memref<1x256x128xf32, #tpu.memory_space<hbm>>
    %dma_wait3A_40 = tpu.memref_squeeze %dma_wait3A_39 : memref<1x256x128xf32, #tpu.memory_space<hbm>> -> memref<256x128xf32, #tpu.memory_space<hbm>>
    tpu.wait_dma2 semaphore(%arg9 : memref<!tpu.dma_semaphore, #tpu.memory_space<semaphore_mem>>) src(%dma_wait3A_40 : memref<256x128xf32, #tpu.memory_space<hbm>>) dst(%arg6 : memref<256x128xf32, #tpu.memory_space<vmem>>)
    %run_scoped3A = arith.constant 0 : i32
    "tpu.region"() ({
      %run_scoped3A_385 = tpu.sem_alloc : memref<!tpu.dma_semaphore, #tpu.memory_space<semaphore_mem>>
      %dma_start3A_386 = arith.constant 0 : i32
      %dma_start3A_387 = arith.constant 0 : i32
      %dma_start3A_388 = tpu.memref_slice %arg6[%dma_start3A_386, %dma_start3A_387] : memref<256x128xf32, #tpu.memory_space<vmem>> -> memref<128x128xf32, #tpu.memory_space<vmem>>
      %dma_start3A_389 = arith.constant 0 : i32
      %dma_start3A_390 = tpu.memref_slice %arg5[%run_scoped3A, %dma_start3A_389] : memref<2x128xi32, #tpu.memory_space<vmem>> -> memref<1x128xi32, #tpu.memory_space<vmem>>
      %dma_start3A_391 = tpu.memref_squeeze %dma_start3A_390 : memref<1x128xi32, #tpu.memory_space<vmem>> -> memref<128xi32, #tpu.memory_space<vmem>>
      %dma_start3A_392 = arith.constant 0 : i32
      %dma_start3A_393 = arith.constant 0 : i32
      %dma_start3A_394 = tpu.memref_slice %arg10[%dma_start3A_392, %dma_start3A_393] : memref<4104x128xf32, #tpu.memory_space<vmem_shared>> -> memref<4104x128xf32, #tpu.memory_space<vmem_shared>>
      tpu.enqueue_indirect_dma source(%dma_start3A_388 : memref<128x128xf32, #tpu.memory_space<vmem>>) target(%dma_start3A_394 : memref<4104x128xf32, #tpu.memory_space<vmem_shared>>) offsets(%dma_start3A_391 : memref<128xi32, #tpu.memory_space<vmem>>) semaphore(%run_scoped3A_385 : memref<!tpu.dma_semaphore, #tpu.memory_space<semaphore_mem>>) {add = true}
      %dma_wait3A_395 = arith.constant 0 : i32
      %dma_wait3A_396 = arith.constant 0 : i32
      %dma_wait3A_397 = tpu.memref_slice %arg6[%dma_wait3A_395, %dma_wait3A_396] : memref<256x128xf32, #tpu.memory_space<vmem>> -> memref<128x128xf32, #tpu.memory_space<vmem>>
      %dma_wait3A_398 = arith.constant 0 : i32
      %dma_wait3A_399 = tpu.memref_slice %arg5[%run_scoped3A, %dma_wait3A_398] : memref<2x128xi32, #tpu.memory_space<vmem>> -> memref<1x128xi32, #tpu.memory_space<vmem>>
      %dma_wait3A_400 = tpu.memref_squeeze %dma_wait3A_399 : memref<1x128xi32, #tpu.memory_space<vmem>> -> memref<128xi32, #tpu.memory_space<vmem>>
      %dma_wait3A_401 = arith.constant 0 : i32
      %dma_wait3A_402 = arith.constant 0 : i32
      %dma_wait3A_403 = tpu.memref_slice %arg10[%dma_wait3A_401, %dma_wait3A_402] : memref<4104x128xf32, #tpu.memory_space<vmem_shared>> -> memref<4104x128xf32, #tpu.memory_space<vmem_shared>>
      tpu.wait_indirect_dma semaphore(%run_scoped3A_385 : memref<!tpu.dma_semaphore, #tpu.memory_space<semaphore_mem>>) src(%dma_wait3A_397 : memref<128x128xf32, #tpu.memory_space<vmem>>) dst(%dma_wait3A_403 : memref<4104x128xf32, #tpu.memory_space<vmem_shared>>)
      tpu.yield
    }) : () -> ()
    %run_scoped3A_41 = arith.constant 1 : i32
    "tpu.region"() ({
      %run_scoped3A_385 = tpu.sem_alloc : memref<!tpu.dma_semaphore, #tpu.memory_space<semaphore_mem>>
      %dma_start3A_386 = arith.constant 128 : i32
      %dma_start3A_387 = arith.constant 0 : i32
      %dma_start3A_388 = tpu.memref_slice %arg6[%dma_start3A_386, %dma_start3A_387] : memref<256x128xf32, #tpu.memory_space<vmem>> -> memref<128x128xf32, #tpu.memory_space<vmem>>
      %dma_start3A_389 = arith.constant 0 : i32
      %dma_start3A_390 = tpu.memref_slice %arg5[%run_scoped3A_41, %dma_start3A_389] : memref<2x128xi32, #tpu.memory_space<vmem>> -> memref<1x128xi32, #tpu.memory_space<vmem>>
      %dma_start3A_391 = tpu.memref_squeeze %dma_start3A_390 : memref<1x128xi32, #tpu.memory_space<vmem>> -> memref<128xi32, #tpu.memory_space<vmem>>
      %dma_start3A_392 = arith.constant 0 : i32
      %dma_start3A_393 = arith.constant 0 : i32
      %dma_start3A_394 = tpu.memref_slice %arg10[%dma_start3A_392, %dma_start3A_393] : memref<4104x128xf32, #tpu.memory_space<vmem_shared>> -> memref<4104x128xf32, #tpu.memory_space<vmem_shared>>
      tpu.enqueue_indirect_dma source(%dma_start3A_388 : memref<128x128xf32, #tpu.memory_space<vmem>>) target(%dma_start3A_394 : memref<4104x128xf32, #tpu.memory_space<vmem_shared>>) offsets(%dma_start3A_391 : memref<128xi32, #tpu.memory_space<vmem>>) semaphore(%run_scoped3A_385 : memref<!tpu.dma_semaphore, #tpu.memory_space<semaphore_mem>>) {add = true}
      %dma_wait3A_395 = arith.constant 128 : i32
      %dma_wait3A_396 = arith.constant 0 : i32
      %dma_wait3A_397 = tpu.memref_slice %arg6[%dma_wait3A_395, %dma_wait3A_396] : memref<256x128xf32, #tpu.memory_space<vmem>> -> memref<128x128xf32, #tpu.memory_space<vmem>>
      %dma_wait3A_398 = arith.constant 0 : i32
      %dma_wait3A_399 = tpu.memref_slice %arg5[%run_scoped3A_41, %dma_wait3A_398] : memref<2x128xi32, #tpu.memory_space<vmem>> -> memref<1x128xi32, #tpu.memory_space<vmem>>
      %dma_wait3A_400 = tpu.memref_squeeze %dma_wait3A_399 : memref<1x128xi32, #tpu.memory_space<vmem>> -> memref<128xi32, #tpu.memory_space<vmem>>
      %dma_wait3A_401 = arith.constant 0 : i32
      %dma_wait3A_402 = arith.constant 0 : i32
      %dma_wait3A_403 = tpu.memref_slice %arg10[%dma_wait3A_401, %dma_wait3A_402] : memref<4104x128xf32, #tpu.memory_space<vmem_shared>> -> memref<4104x128xf32, #tpu.memory_space<vmem_shared>>
      tpu.wait_indirect_dma semaphore(%run_scoped3A_385 : memref<!tpu.dma_semaphore, #tpu.memory_space<semaphore_mem>>) src(%dma_wait3A_397 : memref<128x128xf32, #tpu.memory_space<vmem>>) dst(%dma_wait3A_403 : memref<4104x128xf32, #tpu.memory_space<vmem_shared>>)
      tpu.yield
    }) : () -> ()
    %barrier3A_42 = arith.constant 0 : index
    tpu.barrier barrier_id(%barrier3A_42)
    "tpu.region"() ({
      %run_scoped3A_385 = tpu.sem_alloc : memref<!tpu.dma_semaphore, #tpu.memory_space<semaphore_mem>>
      %dma_start3A_386 = arith.constant 0 : i32
      %dma_start3A_387 = tpu.memref_slice %arg10[%mul3A_5, %dma_start3A_386] : memref<4104x128xf32, #tpu.memory_space<vmem_shared>> -> memref<256x128xf32, #tpu.memory_space<vmem_shared>>
      %dma_start3A_388 = arith.constant 0 : i32
      %dma_start3A_389 = tpu.memref_slice %arg10[%mul3A_5, %dma_start3A_388] : memref<4104x128xf32, #tpu.memory_space<vmem_shared>> -> memref<256x128xf32, #tpu.memory_space<vmem_shared>>
      tpu.enqueue_dma source(%dma_start3A_389 : memref<256x128xf32, #tpu.memory_space<vmem_shared>>) target(%arg6 : memref<256x128xf32, #tpu.memory_space<vmem>>) target_semaphore(%run_scoped3A_385 : memref<!tpu.dma_semaphore, #tpu.memory_space<semaphore_mem>>)
      %dma_wait3A_390 = arith.constant 0 : i32
      %dma_wait3A_391 = tpu.memref_slice %arg10[%mul3A_5, %dma_wait3A_390] : memref<4104x128xf32, #tpu.memory_space<vmem_shared>> -> memref<256x128xf32, #tpu.memory_space<vmem_shared>>
      %dma_wait3A_392 = arith.constant 0 : i32
      %dma_wait3A_393 = tpu.memref_slice %arg10[%mul3A_5, %dma_wait3A_392] : memref<4104x128xf32, #tpu.memory_space<vmem_shared>> -> memref<256x128xf32, #tpu.memory_space<vmem_shared>>
      tpu.wait_dma2 semaphore(%run_scoped3A_385 : memref<!tpu.dma_semaphore, #tpu.memory_space<semaphore_mem>>) src(%dma_wait3A_393 : memref<256x128xf32, #tpu.memory_space<vmem_shared>>) dst(%arg6 : memref<256x128xf32, #tpu.memory_space<vmem>>)
      tpu.yield
    }) : () -> ()
    %scan3A_43 = arith.constant 0 : i32
    %scan3A_44 = arith.constant 0 : i32
    %scan3A_45 = arith.constant 256 : i32
    %scan3A_46 = arith.addi %scan3A_44, %scan3A_45 : i32
    %scan3A_47 = arith.constant 1 : i32
    scf.for %scan3A_385 = %scan3A_44 to %scan3A_46 step %scan3A_47  : i32 {
      %get3A = arith.index_cast %scan3A_385 : i32 to index
      %get3A_386 = arith.constant 0 : index
      %get3A_387 = tpu.vector_load %arg6[%get3A, %get3A_386] {strides = array<i32>} : memref<256x128xf32, #tpu.memory_space<vmem>>, vector<1x16xf32>,
      %get3A_388 = vector.shape_cast %get3A_387 : vector<1x16xf32> to vector<16xf32>
      %swap3A = arith.index_cast %scan3A_385 : i32 to index
      %swap3A_389 = arith.constant 0 : index
      %swap3A_390 = tpu.vector_load %arg8[%swap3A, %swap3A_389] {strides = array<i32>} : memref<256x72xf32, #tpu.memory_space<vmem>>, vector<1x16xf32>,
      %swap3A_391 = vector.shape_cast %swap3A_390 : vector<1x16xf32> to vector<16xf32>
      %swap3A_392 = vector.shape_cast %get3A_388 : vector<16xf32> to vector<1x16xf32>
      tpu.vector_store %arg8[%swap3A, %swap3A_389], %swap3A_392 {strides = array<i32>} : memref<256x72xf32, #tpu.memory_space<vmem>>, vector<1x16xf32>,
      %get3A_393 = arith.index_cast %scan3A_385 : i32 to index
      %get3A_394 = arith.constant 16 : index
      %get3A_395 = tpu.vector_load %arg6[%get3A_393, %get3A_394] {strides = array<i32>} : memref<256x128xf32, #tpu.memory_space<vmem>>, vector<1x16xf32>,
      %get3A_396 = vector.shape_cast %get3A_395 : vector<1x16xf32> to vector<16xf32>
      %swap3A_397 = arith.index_cast %scan3A_385 : i32 to index
      %swap3A_398 = arith.constant 16 : index
      %swap3A_399 = tpu.vector_load %arg8[%swap3A_397, %swap3A_398] {strides = array<i32>} : memref<256x72xf32, #tpu.memory_space<vmem>>, vector<1x16xf32>,
      %swap3A_400 = vector.shape_cast %swap3A_399 : vector<1x16xf32> to vector<16xf32>
      %swap3A_401 = vector.shape_cast %get3A_396 : vector<16xf32> to vector<1x16xf32>
      tpu.vector_store %arg8[%swap3A_397, %swap3A_398], %swap3A_401 {strides = array<i32>} : memref<256x72xf32, #tpu.memory_space<vmem>>, vector<1x16xf32>,
      %get3A_402 = arith.index_cast %scan3A_385 : i32 to index
      %get3A_403 = arith.constant 32 : index
      %get3A_404 = tpu.vector_load %arg6[%get3A_402, %get3A_403] {strides = array<i32>} : memref<256x128xf32, #tpu.memory_space<vmem>>, vector<1x16xf32>,
      %get3A_405 = vector.shape_cast %get3A_404 : vector<1x16xf32> to vector<16xf32>
      %swap3A_406 = arith.index_cast %scan3A_385 : i32 to index
      %swap3A_407 = arith.constant 32 : index
      %swap3A_408 = tpu.vector_load %arg8[%swap3A_406, %swap3A_407] {strides = array<i32>} : memref<256x72xf32, #tpu.memory_space<vmem>>, vector<1x16xf32>,
      %swap3A_409 = vector.shape_cast %swap3A_408 : vector<1x16xf32> to vector<16xf32>
      %swap3A_410 = vector.shape_cast %get3A_405 : vector<16xf32> to vector<1x16xf32>
      tpu.vector_store %arg8[%swap3A_406, %swap3A_407], %swap3A_410 {strides = array<i32>} : memref<256x72xf32, #tpu.memory_space<vmem>>, vector<1x16xf32>,
      %get3A_411 = arith.index_cast %scan3A_385 : i32 to index
      %get3A_412 = arith.constant 48 : index
      %get3A_413 = tpu.vector_load %arg6[%get3A_411, %get3A_412] {strides = array<i32>} : memref<256x128xf32, #tpu.memory_space<vmem>>, vector<1x16xf32>,
      %get3A_414 = vector.shape_cast %get3A_413 : vector<1x16xf32> to vector<16xf32>
      %swap3A_415 = arith.index_cast %scan3A_385 : i32 to index
      %swap3A_416 = arith.constant 48 : index
      %swap3A_417 = tpu.vector_load %arg8[%swap3A_415, %swap3A_416] {strides = array<i32>} : memref<256x72xf32, #tpu.memory_space<vmem>>, vector<1x16xf32>,
      %swap3A_418 = vector.shape_cast %swap3A_417 : vector<1x16xf32> to vector<16xf32>
      %swap3A_419 = vector.shape_cast %get3A_414 : vector<16xf32> to vector<1x16xf32>
      tpu.vector_store %arg8[%swap3A_415, %swap3A_416], %swap3A_419 {strides = array<i32>} : memref<256x72xf32, #tpu.memory_space<vmem>>, vector<1x16xf32>,
      %get3A_420 = arith.index_cast %scan3A_385 : i32 to index
      %get3A_421 = arith.constant 56 : index
      %get3A_422 = tpu.vector_load %arg6[%get3A_420, %get3A_421] {strides = array<i32>} : memref<256x128xf32, #tpu.memory_space<vmem>>, vector<1x16xf32>,
      %get3A_423 = vector.shape_cast %get3A_422 : vector<1x16xf32> to vector<16xf32>
      %swap3A_424 = arith.index_cast %scan3A_385 : i32 to index
      %swap3A_425 = arith.constant 56 : index
      %swap3A_426 = tpu.vector_load %arg8[%swap3A_424, %swap3A_425] {strides = array<i32>} : memref<256x72xf32, #tpu.memory_space<vmem>>, vector<1x16xf32>,
      %swap3A_427 = vector.shape_cast %swap3A_426 : vector<1x16xf32> to vector<16xf32>
      %swap3A_428 = vector.shape_cast %get3A_423 : vector<16xf32> to vector<1x16xf32>
      tpu.vector_store %arg8[%swap3A_424, %swap3A_425], %swap3A_428 {strides = array<i32>} : memref<256x72xf32, #tpu.memory_space<vmem>>, vector<1x16xf32>,
    }
    %scan3A_48 = arith.constant 256 : i32
    "tpu.region"() ({
      %run_scoped3A_385 = tpu.sem_alloc : memref<!tpu.dma_semaphore, #tpu.memory_space<semaphore_mem>>
      %dma_start3A_386 = arith.constant 0 : i32
      %dma_start3A_387 = tpu.memref_slice %arg4[%add3A_6, %mul3A_5, %dma_start3A_386] : memref<16x4096x72xf32, #tpu.memory_space<hbm>> -> memref<1x256x72xf32, #tpu.memory_space<hbm>>
      %dma_start3A_388 = tpu.memref_squeeze %dma_start3A_387 : memref<1x256x72xf32, #tpu.memory_space<hbm>> -> memref<256x72xf32, #tpu.memory_space<hbm>>
      %dma_start3A_389 = arith.constant 0 : i32
      %dma_start3A_390 = tpu.memref_slice %arg4[%add3A_6, %mul3A_5, %dma_start3A_389] : memref<16x4096x72xf32, #tpu.memory_space<hbm>> -> memref<1x256x72xf32, #tpu.memory_space<hbm>>
      %dma_start3A_391 = tpu.memref_squeeze %dma_start3A_390 : memref<1x256x72xf32, #tpu.memory_space<hbm>> -> memref<256x72xf32, #tpu.memory_space<hbm>>
      tpu.enqueue_dma source(%arg8 : memref<256x72xf32, #tpu.memory_space<vmem>>) target(%dma_start3A_391 : memref<256x72xf32, #tpu.memory_space<hbm>>) target_semaphore(%run_scoped3A_385 : memref<!tpu.dma_semaphore, #tpu.memory_space<semaphore_mem>>)
      %dma_wait3A_392 = arith.constant 0 : i32
      %dma_wait3A_393 = tpu.memref_slice %arg4[%add3A_6, %mul3A_5, %dma_wait3A_392] : memref<16x4096x72xf32, #tpu.memory_space<hbm>> -> memref<1x256x72xf32, #tpu.memory_space<hbm>>
      %dma_wait3A_394 = tpu.memref_squeeze %dma_wait3A_393 : memref<1x256x72xf32, #tpu.memory_space<hbm>> -> memref<256x72xf32, #tpu.memory_space<hbm>>
      %dma_wait3A_395 = arith.constant 0 : i32
      %dma_wait3A_396 = tpu.memref_slice %arg4[%add3A_6, %mul3A_5, %dma_wait3A_395] : memref<16x4096x72xf32, #tpu.memory_space<hbm>> -> memref<1x256x72xf32, #tpu.memory_space<hbm>>
      %dma_wait3A_397 = tpu.memref_squeeze %dma_wait3A_396 : memref<1x256x72xf32, #tpu.memory_space<hbm>> -> memref<256x72xf32, #tpu.memory_space<hbm>>
      tpu.wait_dma2 semaphore(%run_scoped3A_385 : memref<!tpu.dma_semaphore, #tpu.memory_space<semaphore_mem>>) src(%arg8 : memref<256x72xf32, #tpu.memory_space<vmem>>) dst(%dma_wait3A_397 : memref<256x72xf32, #tpu.memory_space<hbm>>)
      tpu.yield
    }) : () -> ()
    %add3A_49 = arith.constant 2 : i32
    %add3A_50 = arith.addi %add3A_49, %arg0 : i32
    %mul3A_51 = arith.constant 2 : i32
    %mul3A_52 = arith.muli %arg1, %mul3A_51 : i32
    %dma_start3A_53 = arith.constant 0 : i32
    %dma_start3A_54 = tpu.memref_slice %arg3[%add3A_50, %mul3A_52, %dma_start3A_53] : memref<16x32x128xi32, #tpu.memory_space<hbm>> -> memref<1x2x128xi32, #tpu.memory_space<hbm>>
    %dma_start3A_55 = tpu.memref_squeeze %dma_start3A_54 : memref<1x2x128xi32, #tpu.memory_space<hbm>> -> memref<2x128xi32, #tpu.memory_space<hbm>>
    %dma_start3A_56 = arith.constant 0 : i32
    %dma_start3A_57 = tpu.memref_slice %arg3[%add3A_50, %mul3A_52, %dma_start3A_56] : memref<16x32x128xi32, #tpu.memory_space<hbm>> -> memref<1x2x128xi32, #tpu.memory_space<hbm>>
    %dma_start3A_58 = tpu.memref_squeeze %dma_start3A_57 : memref<1x2x128xi32, #tpu.memory_space<hbm>> -> memref<2x128xi32, #tpu.memory_space<hbm>>
    tpu.enqueue_dma source(%dma_start3A_58 : memref<2x128xi32, #tpu.memory_space<hbm>>) target(%arg5 : memref<2x128xi32, #tpu.memory_space<vmem>>) target_semaphore(%arg9 : memref<!tpu.dma_semaphore, #tpu.memory_space<semaphore_mem>>)
    %mul3A_59 = arith.constant 256 : i32
    %mul3A_60 = arith.muli %arg1, %mul3A_59 : i32
    %dma_start3A_61 = arith.constant 0 : i32
    %dma_start3A_62 = tpu.memref_slice %arg2[%add3A_50, %mul3A_60, %dma_start3A_61] : memref<16x4096x128xf32, #tpu.memory_space<hbm>> -> memref<1x256x128xf32, #tpu.memory_space<hbm>>
    %dma_start3A_63 = tpu.memref_squeeze %dma_start3A_62 : memref<1x256x128xf32, #tpu.memory_space<hbm>> -> memref<256x128xf32, #tpu.memory_space<hbm>>
    %dma_start3A_64 = arith.constant 0 : i32
    %dma_start3A_65 = tpu.memref_slice %arg2[%add3A_50, %mul3A_60, %dma_start3A_64] : memref<16x4096x128xf32, #tpu.memory_space<hbm>> -> memref<1x256x128xf32, #tpu.memory_space<hbm>>
    %dma_start3A_66 = tpu.memref_squeeze %dma_start3A_65 : memref<1x256x128xf32, #tpu.memory_space<hbm>> -> memref<256x128xf32, #tpu.memory_space<hbm>>
    tpu.enqueue_dma source(%dma_start3A_66 : memref<256x128xf32, #tpu.memory_space<hbm>>) target(%arg6 : memref<256x128xf32, #tpu.memory_space<vmem>>) target_semaphore(%arg9 : memref<!tpu.dma_semaphore, #tpu.memory_space<semaphore_mem>>)
    %add3A_67 = arith.constant 0 : i32
    %add3A_68 = arith.addi %mul3A_5, %add3A_67 : i32
    "tpu.region"() ({
      %run_scoped3A_385 = tpu.sem_alloc : memref<!tpu.dma_semaphore, #tpu.memory_space<semaphore_mem>>
      %dma_start3A_386 = arith.constant 0 : i32
      %dma_start3A_387 = tpu.memref_slice %arg10[%add3A_68, %dma_start3A_386] : memref<4104x128xf32, #tpu.memory_space<vmem_shared>> -> memref<64x128xf32, #tpu.memory_space<vmem_shared>>
      %dma_start3A_388 = arith.constant 0 : i32
      %dma_start3A_389 = tpu.memref_slice %arg10[%add3A_68, %dma_start3A_388] : memref<4104x128xf32, #tpu.memory_space<vmem_shared>> -> memref<64x128xf32, #tpu.memory_space<vmem_shared>>
      tpu.enqueue_dma source(%arg7 : memref<64x128xf32, #tpu.memory_space<vmem>>) target(%dma_start3A_389 : memref<64x128xf32, #tpu.memory_space<vmem_shared>>) target_semaphore(%run_scoped3A_385 : memref<!tpu.dma_semaphore, #tpu.memory_space<semaphore_mem>>)
      %dma_wait3A_390 = arith.constant 0 : i32
      %dma_wait3A_391 = tpu.memref_slice %arg10[%add3A_68, %dma_wait3A_390] : memref<4104x128xf32, #tpu.memory_space<vmem_shared>> -> memref<64x128xf32, #tpu.memory_space<vmem_shared>>
      %dma_wait3A_392 = arith.constant 0 : i32
      %dma_wait3A_393 = tpu.memref_slice %arg10[%add3A_68, %dma_wait3A_392] : memref<4104x128xf32, #tpu.memory_space<vmem_shared>> -> memref<64x128xf32, #tpu.memory_space<vmem_shared>>
      tpu.wait_dma2 semaphore(%run_scoped3A_385 : memref<!tpu.dma_semaphore, #tpu.memory_space<semaphore_mem>>) src(%arg7 : memref<64x128xf32, #tpu.memory_space<vmem>>) dst(%dma_wait3A_393 : memref<64x128xf32, #tpu.memory_space<vmem_shared>>)
      tpu.yield
    }) : () -> ()
    %add3A_69 = arith.constant 64 : i32
    %add3A_70 = arith.addi %mul3A_5, %add3A_69 : i32
    "tpu.region"() ({
      %run_scoped3A_385 = tpu.sem_alloc : memref<!tpu.dma_semaphore, #tpu.memory_space<semaphore_mem>>
      %dma_start3A_386 = arith.constant 0 : i32
      %dma_start3A_387 = tpu.memref_slice %arg10[%add3A_70, %dma_start3A_386] : memref<4104x128xf32, #tpu.memory_space<vmem_shared>> -> memref<64x128xf32, #tpu.memory_space<vmem_shared>>
      %dma_start3A_388 = arith.constant 0 : i32
      %dma_start3A_389 = tpu.memref_slice %arg10[%add3A_70, %dma_start3A_388] : memref<4104x128xf32, #tpu.memory_space<vmem_shared>> -> memref<64x128xf32, #tpu.memory_space<vmem_shared>>
      tpu.enqueue_dma source(%arg7 : memref<64x128xf32, #tpu.memory_space<vmem>>) target(%dma_start3A_389 : memref<64x128xf32, #tpu.memory_space<vmem_shared>>) target_semaphore(%run_scoped3A_385 : memref<!tpu.dma_semaphore, #tpu.memory_space<semaphore_mem>>)
      %dma_wait3A_390 = arith.constant 0 : i32
      %dma_wait3A_391 = tpu.memref_slice %arg10[%add3A_70, %dma_wait3A_390] : memref<4104x128xf32, #tpu.memory_space<vmem_shared>> -> memref<64x128xf32, #tpu.memory_space<vmem_shared>>
      %dma_wait3A_392 = arith.constant 0 : i32
      %dma_wait3A_393 = tpu.memref_slice %arg10[%add3A_70, %dma_wait3A_392] : memref<4104x128xf32, #tpu.memory_space<vmem_shared>> -> memref<64x128xf32, #tpu.memory_space<vmem_shared>>
      tpu.wait_dma2 semaphore(%run_scoped3A_385 : memref<!tpu.dma_semaphore, #tpu.memory_space<semaphore_mem>>) src(%arg7 : memref<64x128xf32, #tpu.memory_space<vmem>>) dst(%dma_wait3A_393 : memref<64x128xf32, #tpu.memory_space<vmem_shared>>)
      tpu.yield
    }) : () -> ()
    %add3A_71 = arith.constant 128 : i32
    %add3A_72 = arith.addi %mul3A_5, %add3A_71 : i32
    "tpu.region"() ({
      %run_scoped3A_385 = tpu.sem_alloc : memref<!tpu.dma_semaphore, #tpu.memory_space<semaphore_mem>>
      %dma_start3A_386 = arith.constant 0 : i32
      %dma_start3A_387 = tpu.memref_slice %arg10[%add3A_72, %dma_start3A_386] : memref<4104x128xf32, #tpu.memory_space<vmem_shared>> -> memref<64x128xf32, #tpu.memory_space<vmem_shared>>
      %dma_start3A_388 = arith.constant 0 : i32
      %dma_start3A_389 = tpu.memref_slice %arg10[%add3A_72, %dma_start3A_388] : memref<4104x128xf32, #tpu.memory_space<vmem_shared>> -> memref<64x128xf32, #tpu.memory_space<vmem_shared>>
      tpu.enqueue_dma source(%arg7 : memref<64x128xf32, #tpu.memory_space<vmem>>) target(%dma_start3A_389 : memref<64x128xf32, #tpu.memory_space<vmem_shared>>) target_semaphore(%run_scoped3A_385 : memref<!tpu.dma_semaphore, #tpu.memory_space<semaphore_mem>>)
      %dma_wait3A_390 = arith.constant 0 : i32
      %dma_wait3A_391 = tpu.memref_slice %arg10[%add3A_72, %dma_wait3A_390] : memref<4104x128xf32, #tpu.memory_space<vmem_shared>> -> memref<64x128xf32, #tpu.memory_space<vmem_shared>>
      %dma_wait3A_392 = arith.constant 0 : i32
      %dma_wait3A_393 = tpu.memref_slice %arg10[%add3A_72, %dma_wait3A_392] : memref<4104x128xf32, #tpu.memory_space<vmem_shared>> -> memref<64x128xf32, #tpu.memory_space<vmem_shared>>
      tpu.wait_dma2 semaphore(%run_scoped3A_385 : memref<!tpu.dma_semaphore, #tpu.memory_space<semaphore_mem>>) src(%arg7 : memref<64x128xf32, #tpu.memory_space<vmem>>) dst(%dma_wait3A_393 : memref<64x128xf32, #tpu.memory_space<vmem_shared>>)
      tpu.yield
    }) : () -> ()
    %add3A_73 = arith.constant 192 : i32
    %add3A_74 = arith.addi %mul3A_5, %add3A_73 : i32
    "tpu.region"() ({
      %run_scoped3A_385 = tpu.sem_alloc : memref<!tpu.dma_semaphore, #tpu.memory_space<semaphore_mem>>
      %dma_start3A_386 = arith.constant 0 : i32
      %dma_start3A_387 = tpu.memref_slice %arg10[%add3A_74, %dma_start3A_386] : memref<4104x128xf32, #tpu.memory_space<vmem_shared>> -> memref<64x128xf32, #tpu.memory_space<vmem_shared>>
      %dma_start3A_388 = arith.constant 0 : i32
      %dma_start3A_389 = tpu.memref_slice %arg10[%add3A_74, %dma_start3A_388] : memref<4104x128xf32, #tpu.memory_space<vmem_shared>> -> memref<64x128xf32, #tpu.memory_space<vmem_shared>>
      tpu.enqueue_dma source(%arg7 : memref<64x128xf32, #tpu.memory_space<vmem>>) target(%dma_start3A_389 : memref<64x128xf32, #tpu.memory_space<vmem_shared>>) target_semaphore(%run_scoped3A_385 : memref<!tpu.dma_semaphore, #tpu.memory_space<semaphore_mem>>)
      %dma_wait3A_390 = arith.constant 0 : i32
      %dma_wait3A_391 = tpu.memref_slice %arg10[%add3A_74, %dma_wait3A_390] : memref<4104x128xf32, #tpu.memory_space<vmem_shared>> -> memref<64x128xf32, #tpu.memory_space<vmem_shared>>
      %dma_wait3A_392 = arith.constant 0 : i32
      %dma_wait3A_393 = tpu.memref_slice %arg10[%add3A_74, %dma_wait3A_392] : memref<4104x128xf32, #tpu.memory_space<vmem_shared>> -> memref<64x128xf32, #tpu.memory_space<vmem_shared>>
      tpu.wait_dma2 semaphore(%run_scoped3A_385 : memref<!tpu.dma_semaphore, #tpu.memory_space<semaphore_mem>>) src(%arg7 : memref<64x128xf32, #tpu.memory_space<vmem>>) dst(%dma_wait3A_393 : memref<64x128xf32, #tpu.memory_space<vmem_shared>>)
      tpu.yield
    }) : () -> ()
    %barrier3A_75 = arith.constant 0 : index
    tpu.barrier barrier_id(%barrier3A_75)
    %dma_wait3A_76 = arith.constant 0 : i32
    %dma_wait3A_77 = tpu.memref_slice %arg3[%add3A_50, %mul3A_52, %dma_wait3A_76] : memref<16x32x128xi32, #tpu.memory_space<hbm>> -> memref<1x2x128xi32, #tpu.memory_space<hbm>>
    %dma_wait3A_78 = tpu.memref_squeeze %dma_wait3A_77 : memref<1x2x128xi32, #tpu.memory_space<hbm>> -> memref<2x128xi32, #tpu.memory_space<hbm>>
    %dma_wait3A_79 = arith.constant 0 : i32
    %dma_wait3A_80 = tpu.memref_slice %arg3[%add3A_50, %mul3A_52, %dma_wait3A_79] : memref<16x32x128xi32, #tpu.memory_space<hbm>> -> memref<1x2x128xi32, #tpu.memory_space<hbm>>
    %dma_wait3A_81 = tpu.memref_squeeze %dma_wait3A_80 : memref<1x2x128xi32, #tpu.memory_space<hbm>> -> memref<2x128xi32, #tpu.memory_space<hbm>>
    tpu.wait_dma2 semaphore(%arg9 : memref<!tpu.dma_semaphore, #tpu.memory_space<semaphore_mem>>) src(%dma_wait3A_81 : memref<2x128xi32, #tpu.memory_space<hbm>>) dst(%arg5 : memref<2x128xi32, #tpu.memory_space<vmem>>)
    %dma_wait3A_82 = arith.constant 0 : i32
    %dma_wait3A_83 = tpu.memref_slice %arg2[%add3A_50, %mul3A_60, %dma_wait3A_82] : memref<16x4096x128xf32, #tpu.memory_space<hbm>> -> memref<1x256x128xf32, #tpu.memory_space<hbm>>
    %dma_wait3A_84 = tpu.memref_squeeze %dma_wait3A_83 : memref<1x256x128xf32, #tpu.memory_space<hbm>> -> memref<256x128xf32, #tpu.memory_space<hbm>>
    %dma_wait3A_85 = arith.constant 0 : i32
    %dma_wait3A_86 = tpu.memref_slice %arg2[%add3A_50, %mul3A_60, %dma_wait3A_85] : memref<16x4096x128xf32, #tpu.memory_space<hbm>> -> memref<1x256x128xf32, #tpu.memory_space<hbm>>
    %dma_wait3A_87 = tpu.memref_squeeze %dma_wait3A_86 : memref<1x256x128xf32, #tpu.memory_space<hbm>> -> memref<256x128xf32, #tpu.memory_space<hbm>>
    tpu.wait_dma2 semaphore(%arg9 : memref<!tpu.dma_semaphore, #tpu.memory_space<semaphore_mem>>) src(%dma_wait3A_87 : memref<256x128xf32, #tpu.memory_space<hbm>>) dst(%arg6 : memref<256x128xf32, #tpu.memory_space<vmem>>)
    %run_scoped3A_88 = arith.constant 0 : i32
    "tpu.region"() ({
      %run_scoped3A_385 = tpu.sem_alloc : memref<!tpu.dma_semaphore, #tpu.memory_space<semaphore_mem>>
      %dma_start3A_386 = arith.constant 0 : i32
      %dma_start3A_387 = arith.constant 0 : i32
      %dma_start3A_388 = tpu.memref_slice %arg6[%dma_start3A_386, %dma_start3A_387] : memref<256x128xf32, #tpu.memory_space<vmem>> -> memref<128x128xf32, #tpu.memory_space<vmem>>
      %dma_start3A_389 = arith.constant 0 : i32
      %dma_start3A_390 = tpu.memref_slice %arg5[%run_scoped3A_88, %dma_start3A_389] : memref<2x128xi32, #tpu.memory_space<vmem>> -> memref<1x128xi32, #tpu.memory_space<vmem>>
      %dma_start3A_391 = tpu.memref_squeeze %dma_start3A_390 : memref<1x128xi32, #tpu.memory_space<vmem>> -> memref<128xi32, #tpu.memory_space<vmem>>
      %dma_start3A_392 = arith.constant 0 : i32
      %dma_start3A_393 = arith.constant 0 : i32
      %dma_start3A_394 = tpu.memref_slice %arg10[%dma_start3A_392, %dma_start3A_393] : memref<4104x128xf32, #tpu.memory_space<vmem_shared>> -> memref<4104x128xf32, #tpu.memory_space<vmem_shared>>
      tpu.enqueue_indirect_dma source(%dma_start3A_388 : memref<128x128xf32, #tpu.memory_space<vmem>>) target(%dma_start3A_394 : memref<4104x128xf32, #tpu.memory_space<vmem_shared>>) offsets(%dma_start3A_391 : memref<128xi32, #tpu.memory_space<vmem>>) semaphore(%run_scoped3A_385 : memref<!tpu.dma_semaphore, #tpu.memory_space<semaphore_mem>>) {add = true}
      %dma_wait3A_395 = arith.constant 0 : i32
      %dma_wait3A_396 = arith.constant 0 : i32
      %dma_wait3A_397 = tpu.memref_slice %arg6[%dma_wait3A_395, %dma_wait3A_396] : memref<256x128xf32, #tpu.memory_space<vmem>> -> memref<128x128xf32, #tpu.memory_space<vmem>>
      %dma_wait3A_398 = arith.constant 0 : i32
      %dma_wait3A_399 = tpu.memref_slice %arg5[%run_scoped3A_88, %dma_wait3A_398] : memref<2x128xi32, #tpu.memory_space<vmem>> -> memref<1x128xi32, #tpu.memory_space<vmem>>
      %dma_wait3A_400 = tpu.memref_squeeze %dma_wait3A_399 : memref<1x128xi32, #tpu.memory_space<vmem>> -> memref<128xi32, #tpu.memory_space<vmem>>
      %dma_wait3A_401 = arith.constant 0 : i32
      %dma_wait3A_402 = arith.constant 0 : i32
      %dma_wait3A_403 = tpu.memref_slice %arg10[%dma_wait3A_401, %dma_wait3A_402] : memref<4104x128xf32, #tpu.memory_space<vmem_shared>> -> memref<4104x128xf32, #tpu.memory_space<vmem_shared>>
      tpu.wait_indirect_dma semaphore(%run_scoped3A_385 : memref<!tpu.dma_semaphore, #tpu.memory_space<semaphore_mem>>) src(%dma_wait3A_397 : memref<128x128xf32, #tpu.memory_space<vmem>>) dst(%dma_wait3A_403 : memref<4104x128xf32, #tpu.memory_space<vmem_shared>>)
      tpu.yield
    }) : () -> ()
    %run_scoped3A_89 = arith.constant 1 : i32
    "tpu.region"() ({
      %run_scoped3A_385 = tpu.sem_alloc : memref<!tpu.dma_semaphore, #tpu.memory_space<semaphore_mem>>
      %dma_start3A_386 = arith.constant 128 : i32
      %dma_start3A_387 = arith.constant 0 : i32
      %dma_start3A_388 = tpu.memref_slice %arg6[%dma_start3A_386, %dma_start3A_387] : memref<256x128xf32, #tpu.memory_space<vmem>> -> memref<128x128xf32, #tpu.memory_space<vmem>>
      %dma_start3A_389 = arith.constant 0 : i32
      %dma_start3A_390 = tpu.memref_slice %arg5[%run_scoped3A_89, %dma_start3A_389] : memref<2x128xi32, #tpu.memory_space<vmem>> -> memref<1x128xi32, #tpu.memory_space<vmem>>
      %dma_start3A_391 = tpu.memref_squeeze %dma_start3A_390 : memref<1x128xi32, #tpu.memory_space<vmem>> -> memref<128xi32, #tpu.memory_space<vmem>>
      %dma_start3A_392 = arith.constant 0 : i32
      %dma_start3A_393 = arith.constant 0 : i32
      %dma_start3A_394 = tpu.memref_slice %arg10[%dma_start3A_392, %dma_start3A_393] : memref<4104x128xf32, #tpu.memory_space<vmem_shared>> -> memref<4104x128xf32, #tpu.memory_space<vmem_shared>>
      tpu.enqueue_indirect_dma source(%dma_start3A_388 : memref<128x128xf32, #tpu.memory_space<vmem>>) target(%dma_start3A_394 : memref<4104x128xf32, #tpu.memory_space<vmem_shared>>) offsets(%dma_start3A_391 : memref<128xi32, #tpu.memory_space<vmem>>) semaphore(%run_scoped3A_385 : memref<!tpu.dma_semaphore, #tpu.memory_space<semaphore_mem>>) {add = true}
      %dma_wait3A_395 = arith.constant 128 : i32
      %dma_wait3A_396 = arith.constant 0 : i32
      %dma_wait3A_397 = tpu.memref_slice %arg6[%dma_wait3A_395, %dma_wait3A_396] : memref<256x128xf32, #tpu.memory_space<vmem>> -> memref<128x128xf32, #tpu.memory_space<vmem>>
      %dma_wait3A_398 = arith.constant 0 : i32
      %dma_wait3A_399 = tpu.memref_slice %arg5[%run_scoped3A_89, %dma_wait3A_398] : memref<2x128xi32, #tpu.memory_space<vmem>> -> memref<1x128xi32, #tpu.memory_space<vmem>>
      %dma_wait3A_400 = tpu.memref_squeeze %dma_wait3A_399 : memref<1x128xi32, #tpu.memory_space<vmem>> -> memref<128xi32, #tpu.memory_space<vmem>>
      %dma_wait3A_401 = arith.constant 0 : i32
      %dma_wait3A_402 = arith.constant 0 : i32
      %dma_wait3A_403 = tpu.memref_slice %arg10[%dma_wait3A_401, %dma_wait3A_402] : memref<4104x128xf32, #tpu.memory_space<vmem_shared>> -> memref<4104x128xf32, #tpu.memory_space<vmem_shared>>
      tpu.wait_indirect_dma semaphore(%run_scoped3A_385 : memref<!tpu.dma_semaphore, #tpu.memory_space<semaphore_mem>>) src(%dma_wait3A_397 : memref<128x128xf32, #tpu.memory_space<vmem>>) dst(%dma_wait3A_403 : memref<4104x128xf32, #tpu.memory_space<vmem_shared>>)
      tpu.yield
    }) : () -> ()
    %barrier3A_90 = arith.constant 0 : index
    tpu.barrier barrier_id(%barrier3A_90)
    "tpu.region"() ({
      %run_scoped3A_385 = tpu.sem_alloc : memref<!tpu.dma_semaphore, #tpu.memory_space<semaphore_mem>>
      %dma_start3A_386 = arith.constant 0 : i32
      %dma_start3A_387 = tpu.memref_slice %arg10[%mul3A_5, %dma_start3A_386] : memref<4104x128xf32, #tpu.memory_space<vmem_shared>> -> memref<256x128xf32, #tpu.memory_space<vmem_shared>>
      %dma_start3A_388 = arith.constant 0 : i32
      %dma_start3A_389 = tpu.memref_slice %arg10[%mul3A_5, %dma_start3A_388] : memref<4104x128xf32, #tpu.memory_space<vmem_shared>> -> memref<256x128xf32, #tpu.memory_space<vmem_shared>>
      tpu.enqueue_dma source(%dma_start3A_389 : memref<256x128xf32, #tpu.memory_space<vmem_shared>>) target(%arg6 : memref<256x128xf32, #tpu.memory_space<vmem>>) target_semaphore(%run_scoped3A_385 : memref<!tpu.dma_semaphore, #tpu.memory_space<semaphore_mem>>)
      %dma_wait3A_390 = arith.constant 0 : i32
      %dma_wait3A_391 = tpu.memref_slice %arg10[%mul3A_5, %dma_wait3A_390] : memref<4104x128xf32, #tpu.memory_space<vmem_shared>> -> memref<256x128xf32, #tpu.memory_space<vmem_shared>>
      %dma_wait3A_392 = arith.constant 0 : i32
      %dma_wait3A_393 = tpu.memref_slice %arg10[%mul3A_5, %dma_wait3A_392] : memref<4104x128xf32, #tpu.memory_space<vmem_shared>> -> memref<256x128xf32, #tpu.memory_space<vmem_shared>>
      tpu.wait_dma2 semaphore(%run_scoped3A_385 : memref<!tpu.dma_semaphore, #tpu.memory_space<semaphore_mem>>) src(%dma_wait3A_393 : memref<256x128xf32, #tpu.memory_space<vmem_shared>>) dst(%arg6 : memref<256x128xf32, #tpu.memory_space<vmem>>)
      tpu.yield
    }) : () -> ()
    %scan3A_91 = arith.constant 0 : i32
    %scan3A_92 = arith.constant 0 : i32
    %scan3A_93 = arith.constant 256 : i32
    %scan3A_94 = arith.addi %scan3A_92, %scan3A_93 : i32
    %scan3A_95 = arith.constant 1 : i32
    scf.for %scan3A_385 = %scan3A_92 to %scan3A_94 step %scan3A_95  : i32 {
      %get3A = arith.index_cast %scan3A_385 : i32 to index
      %get3A_386 = arith.constant 0 : index
      %get3A_387 = tpu.vector_load %arg6[%get3A, %get3A_386] {strides = array<i32>} : memref<256x128xf32, #tpu.memory_space<vmem>>, vector<1x16xf32>,
      %get3A_388 = vector.shape_cast %get3A_387 : vector<1x16xf32> to vector<16xf32>
      %swap3A = arith.index_cast %scan3A_385 : i32 to index
      %swap3A_389 = arith.constant 0 : index
      %swap3A_390 = tpu.vector_load %arg8[%swap3A, %swap3A_389] {strides = array<i32>} : memref<256x72xf32, #tpu.memory_space<vmem>>, vector<1x16xf32>,
      %swap3A_391 = vector.shape_cast %swap3A_390 : vector<1x16xf32> to vector<16xf32>
      %swap3A_392 = vector.shape_cast %get3A_388 : vector<16xf32> to vector<1x16xf32>
      tpu.vector_store %arg8[%swap3A, %swap3A_389], %swap3A_392 {strides = array<i32>} : memref<256x72xf32, #tpu.memory_space<vmem>>, vector<1x16xf32>,
      %get3A_393 = arith.index_cast %scan3A_385 : i32 to index
      %get3A_394 = arith.constant 16 : index
      %get3A_395 = tpu.vector_load %arg6[%get3A_393, %get3A_394] {strides = array<i32>} : memref<256x128xf32, #tpu.memory_space<vmem>>, vector<1x16xf32>,
      %get3A_396 = vector.shape_cast %get3A_395 : vector<1x16xf32> to vector<16xf32>
      %swap3A_397 = arith.index_cast %scan3A_385 : i32 to index
      %swap3A_398 = arith.constant 16 : index
      %swap3A_399 = tpu.vector_load %arg8[%swap3A_397, %swap3A_398] {strides = array<i32>} : memref<256x72xf32, #tpu.memory_space<vmem>>, vector<1x16xf32>,
      %swap3A_400 = vector.shape_cast %swap3A_399 : vector<1x16xf32> to vector<16xf32>
      %swap3A_401 = vector.shape_cast %get3A_396 : vector<16xf32> to vector<1x16xf32>
      tpu.vector_store %arg8[%swap3A_397, %swap3A_398], %swap3A_401 {strides = array<i32>} : memref<256x72xf32, #tpu.memory_space<vmem>>, vector<1x16xf32>,
      %get3A_402 = arith.index_cast %scan3A_385 : i32 to index
      %get3A_403 = arith.constant 32 : index
      %get3A_404 = tpu.vector_load %arg6[%get3A_402, %get3A_403] {strides = array<i32>} : memref<256x128xf32, #tpu.memory_space<vmem>>, vector<1x16xf32>,
      %get3A_405 = vector.shape_cast %get3A_404 : vector<1x16xf32> to vector<16xf32>
      %swap3A_406 = arith.index_cast %scan3A_385 : i32 to index
      %swap3A_407 = arith.constant 32 : index
      %swap3A_408 = tpu.vector_load %arg8[%swap3A_406, %swap3A_407] {strides = array<i32>} : memref<256x72xf32, #tpu.memory_space<vmem>>, vector<1x16xf32>,
      %swap3A_409 = vector.shape_cast %swap3A_408 : vector<1x16xf32> to vector<16xf32>
      %swap3A_410 = vector.shape_cast %get3A_405 : vector<16xf32> to vector<1x16xf32>
      tpu.vector_store %arg8[%swap3A_406, %swap3A_407], %swap3A_410 {strides = array<i32>} : memref<256x72xf32, #tpu.memory_space<vmem>>, vector<1x16xf32>,
      %get3A_411 = arith.index_cast %scan3A_385 : i32 to index
      %get3A_412 = arith.constant 48 : index
      %get3A_413 = tpu.vector_load %arg6[%get3A_411, %get3A_412] {strides = array<i32>} : memref<256x128xf32, #tpu.memory_space<vmem>>, vector<1x16xf32>,
      %get3A_414 = vector.shape_cast %get3A_413 : vector<1x16xf32> to vector<16xf32>
      %swap3A_415 = arith.index_cast %scan3A_385 : i32 to index
      %swap3A_416 = arith.constant 48 : index
      %swap3A_417 = tpu.vector_load %arg8[%swap3A_415, %swap3A_416] {strides = array<i32>} : memref<256x72xf32, #tpu.memory_space<vmem>>, vector<1x16xf32>,
      %swap3A_418 = vector.shape_cast %swap3A_417 : vector<1x16xf32> to vector<16xf32>
      %swap3A_419 = vector.shape_cast %get3A_414 : vector<16xf32> to vector<1x16xf32>
      tpu.vector_store %arg8[%swap3A_415, %swap3A_416], %swap3A_419 {strides = array<i32>} : memref<256x72xf32, #tpu.memory_space<vmem>>, vector<1x16xf32>,
      %get3A_420 = arith.index_cast %scan3A_385 : i32 to index
      %get3A_421 = arith.constant 56 : index
      %get3A_422 = tpu.vector_load %arg6[%get3A_420, %get3A_421] {strides = array<i32>} : memref<256x128xf32, #tpu.memory_space<vmem>>, vector<1x16xf32>,
      %get3A_423 = vector.shape_cast %get3A_422 : vector<1x16xf32> to vector<16xf32>
      %swap3A_424 = arith.index_cast %scan3A_385 : i32 to index
      %swap3A_425 = arith.constant 56 : index
      %swap3A_426 = tpu.vector_load %arg8[%swap3A_424, %swap3A_425] {strides = array<i32>} : memref<256x72xf32, #tpu.memory_space<vmem>>, vector<1x16xf32>,
      %swap3A_427 = vector.shape_cast %swap3A_426 : vector<1x16xf32> to vector<16xf32>
      %swap3A_428 = vector.shape_cast %get3A_423 : vector<16xf32> to vector<1x16xf32>
      tpu.vector_store %arg8[%swap3A_424, %swap3A_425], %swap3A_428 {strides = array<i32>} : memref<256x72xf32, #tpu.memory_space<vmem>>, vector<1x16xf32>,
    }
    %scan3A_96 = arith.constant 256 : i32
    "tpu.region"() ({
      %run_scoped3A_385 = tpu.sem_alloc : memref<!tpu.dma_semaphore, #tpu.memory_space<semaphore_mem>>
      %dma_start3A_386 = arith.constant 0 : i32
      %dma_start3A_387 = tpu.memref_slice %arg4[%add3A_50, %mul3A_5, %dma_start3A_386] : memref<16x4096x72xf32, #tpu.memory_space<hbm>> -> memref<1x256x72xf32, #tpu.memory_space<hbm>>
      %dma_start3A_388 = tpu.memref_squeeze %dma_start3A_387 : memref<1x256x72xf32, #tpu.memory_space<hbm>> -> memref<256x72xf32, #tpu.memory_space<hbm>>
      %dma_start3A_389 = arith.constant 0 : i32
      %dma_start3A_390 = tpu.memref_slice %arg4[%add3A_50, %mul3A_5, %dma_start3A_389] : memref<16x4096x72xf32, #tpu.memory_space<hbm>> -> memref<1x256x72xf32, #tpu.memory_space<hbm>>
      %dma_start3A_391 = tpu.memref_squeeze %dma_start3A_390 : memref<1x256x72xf32, #tpu.memory_space<hbm>> -> memref<256x72xf32, #tpu.memory_space<hbm>>
      tpu.enqueue_dma source(%arg8 : memref<256x72xf32, #tpu.memory_space<vmem>>) target(%dma_start3A_391 : memref<256x72xf32, #tpu.memory_space<hbm>>) target_semaphore(%run_scoped3A_385 : memref<!tpu.dma_semaphore, #tpu.memory_space<semaphore_mem>>)
      %dma_wait3A_392 = arith.constant 0 : i32
      %dma_wait3A_393 = tpu.memref_slice %arg4[%add3A_50, %mul3A_5, %dma_wait3A_392] : memref<16x4096x72xf32, #tpu.memory_space<hbm>> -> memref<1x256x72xf32, #tpu.memory_space<hbm>>
      %dma_wait3A_394 = tpu.memref_squeeze %dma_wait3A_393 : memref<1x256x72xf32, #tpu.memory_space<hbm>> -> memref<256x72xf32, #tpu.memory_space<hbm>>
      %dma_wait3A_395 = arith.constant 0 : i32
      %dma_wait3A_396 = tpu.memref_slice %arg4[%add3A_50, %mul3A_5, %dma_wait3A_395] : memref<16x4096x72xf32, #tpu.memory_space<hbm>> -> memref<1x256x72xf32, #tpu.memory_space<hbm>>
      %dma_wait3A_397 = tpu.memref_squeeze %dma_wait3A_396 : memref<1x256x72xf32, #tpu.memory_space<hbm>> -> memref<256x72xf32, #tpu.memory_space<hbm>>
      tpu.wait_dma2 semaphore(%run_scoped3A_385 : memref<!tpu.dma_semaphore, #tpu.memory_space<semaphore_mem>>) src(%arg8 : memref<256x72xf32, #tpu.memory_space<vmem>>) dst(%dma_wait3A_397 : memref<256x72xf32, #tpu.memory_space<hbm>>)
      tpu.yield
    }) : () -> ()
    %add3A_97 = arith.constant 4 : i32
    %add3A_98 = arith.addi %add3A_97, %arg0 : i32
    %mul3A_99 = arith.constant 2 : i32
    %mul3A_100 = arith.muli %arg1, %mul3A_99 : i32
    %dma_start3A_101 = arith.constant 0 : i32
    %dma_start3A_102 = tpu.memref_slice %arg3[%add3A_98, %mul3A_100, %dma_start3A_101] : memref<16x32x128xi32, #tpu.memory_space<hbm>> -> memref<1x2x128xi32, #tpu.memory_space<hbm>>
    %dma_start3A_103 = tpu.memref_squeeze %dma_start3A_102 : memref<1x2x128xi32, #tpu.memory_space<hbm>> -> memref<2x128xi32, #tpu.memory_space<hbm>>
    %dma_start3A_104 = arith.constant 0 : i32
    %dma_start3A_105 = tpu.memref_slice %arg3[%add3A_98, %mul3A_100, %dma_start3A_104] : memref<16x32x128xi32, #tpu.memory_space<hbm>> -> memref<1x2x128xi32, #tpu.memory_space<hbm>>
    %dma_start3A_106 = tpu.memref_squeeze %dma_start3A_105 : memref<1x2x128xi32, #tpu.memory_space<hbm>> -> memref<2x128xi32, #tpu.memory_space<hbm>>
    tpu.enqueue_dma source(%dma_start3A_106 : memref<2x128xi32, #tpu.memory_space<hbm>>) target(%arg5 : memref<2x128xi32, #tpu.memory_space<vmem>>) target_semaphore(%arg9 : memref<!tpu.dma_semaphore, #tpu.memory_space<semaphore_mem>>)
    %mul3A_107 = arith.constant 256 : i32
    %mul3A_108 = arith.muli %arg1, %mul3A_107 : i32
    %dma_start3A_109 = arith.constant 0 : i32
    %dma_start3A_110 = tpu.memref_slice %arg2[%add3A_98, %mul3A_108, %dma_start3A_109] : memref<16x4096x128xf32, #tpu.memory_space<hbm>> -> memref<1x256x128xf32, #tpu.memory_space<hbm>>
    %dma_start3A_111 = tpu.memref_squeeze %dma_start3A_110 : memref<1x256x128xf32, #tpu.memory_space<hbm>> -> memref<256x128xf32, #tpu.memory_space<hbm>>
    %dma_start3A_112 = arith.constant 0 : i32
    %dma_start3A_113 = tpu.memref_slice %arg2[%add3A_98, %mul3A_108, %dma_start3A_112] : memref<16x4096x128xf32, #tpu.memory_space<hbm>> -> memref<1x256x128xf32, #tpu.memory_space<hbm>>
    %dma_start3A_114 = tpu.memref_squeeze %dma_start3A_113 : memref<1x256x128xf32, #tpu.memory_space<hbm>> -> memref<256x128xf32, #tpu.memory_space<hbm>>
    tpu.enqueue_dma source(%dma_start3A_114 : memref<256x128xf32, #tpu.memory_space<hbm>>) target(%arg6 : memref<256x128xf32, #tpu.memory_space<vmem>>) target_semaphore(%arg9 : memref<!tpu.dma_semaphore, #tpu.memory_space<semaphore_mem>>)
    %add3A_115 = arith.constant 0 : i32
    %add3A_116 = arith.addi %mul3A_5, %add3A_115 : i32
    "tpu.region"() ({
      %run_scoped3A_385 = tpu.sem_alloc : memref<!tpu.dma_semaphore, #tpu.memory_space<semaphore_mem>>
      %dma_start3A_386 = arith.constant 0 : i32
      %dma_start3A_387 = tpu.memref_slice %arg10[%add3A_116, %dma_start3A_386] : memref<4104x128xf32, #tpu.memory_space<vmem_shared>> -> memref<64x128xf32, #tpu.memory_space<vmem_shared>>
      %dma_start3A_388 = arith.constant 0 : i32
      %dma_start3A_389 = tpu.memref_slice %arg10[%add3A_116, %dma_start3A_388] : memref<4104x128xf32, #tpu.memory_space<vmem_shared>> -> memref<64x128xf32, #tpu.memory_space<vmem_shared>>
      tpu.enqueue_dma source(%arg7 : memref<64x128xf32, #tpu.memory_space<vmem>>) target(%dma_start3A_389 : memref<64x128xf32, #tpu.memory_space<vmem_shared>>) target_semaphore(%run_scoped3A_385 : memref<!tpu.dma_semaphore, #tpu.memory_space<semaphore_mem>>)
      %dma_wait3A_390 = arith.constant 0 : i32
      %dma_wait3A_391 = tpu.memref_slice %arg10[%add3A_116, %dma_wait3A_390] : memref<4104x128xf32, #tpu.memory_space<vmem_shared>> -> memref<64x128xf32, #tpu.memory_space<vmem_shared>>
      %dma_wait3A_392 = arith.constant 0 : i32
      %dma_wait3A_393 = tpu.memref_slice %arg10[%add3A_116, %dma_wait3A_392] : memref<4104x128xf32, #tpu.memory_space<vmem_shared>> -> memref<64x128xf32, #tpu.memory_space<vmem_shared>>
      tpu.wait_dma2 semaphore(%run_scoped3A_385 : memref<!tpu.dma_semaphore, #tpu.memory_space<semaphore_mem>>) src(%arg7 : memref<64x128xf32, #tpu.memory_space<vmem>>) dst(%dma_wait3A_393 : memref<64x128xf32, #tpu.memory_space<vmem_shared>>)
      tpu.yield
    }) : () -> ()
    %add3A_117 = arith.constant 64 : i32
    %add3A_118 = arith.addi %mul3A_5, %add3A_117 : i32
    "tpu.region"() ({
      %run_scoped3A_385 = tpu.sem_alloc : memref<!tpu.dma_semaphore, #tpu.memory_space<semaphore_mem>>
      %dma_start3A_386 = arith.constant 0 : i32
      %dma_start3A_387 = tpu.memref_slice %arg10[%add3A_118, %dma_start3A_386] : memref<4104x128xf32, #tpu.memory_space<vmem_shared>> -> memref<64x128xf32, #tpu.memory_space<vmem_shared>>
      %dma_start3A_388 = arith.constant 0 : i32
      %dma_start3A_389 = tpu.memref_slice %arg10[%add3A_118, %dma_start3A_388] : memref<4104x128xf32, #tpu.memory_space<vmem_shared>> -> memref<64x128xf32, #tpu.memory_space<vmem_shared>>
      tpu.enqueue_dma source(%arg7 : memref<64x128xf32, #tpu.memory_space<vmem>>) target(%dma_start3A_389 : memref<64x128xf32, #tpu.memory_space<vmem_shared>>) target_semaphore(%run_scoped3A_385 : memref<!tpu.dma_semaphore, #tpu.memory_space<semaphore_mem>>)
      %dma_wait3A_390 = arith.constant 0 : i32
      %dma_wait3A_391 = tpu.memref_slice %arg10[%add3A_118, %dma_wait3A_390] : memref<4104x128xf32, #tpu.memory_space<vmem_shared>> -> memref<64x128xf32, #tpu.memory_space<vmem_shared>>
      %dma_wait3A_392 = arith.constant 0 : i32
      %dma_wait3A_393 = tpu.memref_slice %arg10[%add3A_118, %dma_wait3A_392] : memref<4104x128xf32, #tpu.memory_space<vmem_shared>> -> memref<64x128xf32, #tpu.memory_space<vmem_shared>>
      tpu.wait_dma2 semaphore(%run_scoped3A_385 : memref<!tpu.dma_semaphore, #tpu.memory_space<semaphore_mem>>) src(%arg7 : memref<64x128xf32, #tpu.memory_space<vmem>>) dst(%dma_wait3A_393 : memref<64x128xf32, #tpu.memory_space<vmem_shared>>)
      tpu.yield
    }) : () -> ()
    %add3A_119 = arith.constant 128 : i32
    %add3A_120 = arith.addi %mul3A_5, %add3A_119 : i32
    "tpu.region"() ({
      %run_scoped3A_385 = tpu.sem_alloc : memref<!tpu.dma_semaphore, #tpu.memory_space<semaphore_mem>>
      %dma_start3A_386 = arith.constant 0 : i32
      %dma_start3A_387 = tpu.memref_slice %arg10[%add3A_120, %dma_start3A_386] : memref<4104x128xf32, #tpu.memory_space<vmem_shared>> -> memref<64x128xf32, #tpu.memory_space<vmem_shared>>
      %dma_start3A_388 = arith.constant 0 : i32
      %dma_start3A_389 = tpu.memref_slice %arg10[%add3A_120, %dma_start3A_388] : memref<4104x128xf32, #tpu.memory_space<vmem_shared>> -> memref<64x128xf32, #tpu.memory_space<vmem_shared>>
      tpu.enqueue_dma source(%arg7 : memref<64x128xf32, #tpu.memory_space<vmem>>) target(%dma_start3A_389 : memref<64x128xf32, #tpu.memory_space<vmem_shared>>) target_semaphore(%run_scoped3A_385 : memref<!tpu.dma_semaphore, #tpu.memory_space<semaphore_mem>>)
      %dma_wait3A_390 = arith.constant 0 : i32
      %dma_wait3A_391 = tpu.memref_slice %arg10[%add3A_120, %dma_wait3A_390] : memref<4104x128xf32, #tpu.memory_space<vmem_shared>> -> memref<64x128xf32, #tpu.memory_space<vmem_shared>>
      %dma_wait3A_392 = arith.constant 0 : i32
      %dma_wait3A_393 = tpu.memref_slice %arg10[%add3A_120, %dma_wait3A_392] : memref<4104x128xf32, #tpu.memory_space<vmem_shared>> -> memref<64x128xf32, #tpu.memory_space<vmem_shared>>
      tpu.wait_dma2 semaphore(%run_scoped3A_385 : memref<!tpu.dma_semaphore, #tpu.memory_space<semaphore_mem>>) src(%arg7 : memref<64x128xf32, #tpu.memory_space<vmem>>) dst(%dma_wait3A_393 : memref<64x128xf32, #tpu.memory_space<vmem_shared>>)
      tpu.yield
    }) : () -> ()
    %add3A_121 = arith.constant 192 : i32
    %add3A_122 = arith.addi %mul3A_5, %add3A_121 : i32
    "tpu.region"() ({
      %run_scoped3A_385 = tpu.sem_alloc : memref<!tpu.dma_semaphore, #tpu.memory_space<semaphore_mem>>
      %dma_start3A_386 = arith.constant 0 : i32
      %dma_start3A_387 = tpu.memref_slice %arg10[%add3A_122, %dma_start3A_386] : memref<4104x128xf32, #tpu.memory_space<vmem_shared>> -> memref<64x128xf32, #tpu.memory_space<vmem_shared>>
      %dma_start3A_388 = arith.constant 0 : i32
      %dma_start3A_389 = tpu.memref_slice %arg10[%add3A_122, %dma_start3A_388] : memref<4104x128xf32, #tpu.memory_space<vmem_shared>> -> memref<64x128xf32, #tpu.memory_space<vmem_shared>>
      tpu.enqueue_dma source(%arg7 : memref<64x128xf32, #tpu.memory_space<vmem>>) target(%dma_start3A_389 : memref<64x128xf32, #tpu.memory_space<vmem_shared>>) target_semaphore(%run_scoped3A_385 : memref<!tpu.dma_semaphore, #tpu.memory_space<semaphore_mem>>)
      %dma_wait3A_390 = arith.constant 0 : i32
      %dma_wait3A_391 = tpu.memref_slice %arg10[%add3A_122, %dma_wait3A_390] : memref<4104x128xf32, #tpu.memory_space<vmem_shared>> -> memref<64x128xf32, #tpu.memory_space<vmem_shared>>
      %dma_wait3A_392 = arith.constant 0 : i32
      %dma_wait3A_393 = tpu.memref_slice %arg10[%add3A_122, %dma_wait3A_392] : memref<4104x128xf32, #tpu.memory_space<vmem_shared>> -> memref<64x128xf32, #tpu.memory_space<vmem_shared>>
      tpu.wait_dma2 semaphore(%run_scoped3A_385 : memref<!tpu.dma_semaphore, #tpu.memory_space<semaphore_mem>>) src(%arg7 : memref<64x128xf32, #tpu.memory_space<vmem>>) dst(%dma_wait3A_393 : memref<64x128xf32, #tpu.memory_space<vmem_shared>>)
      tpu.yield
    }) : () -> ()
    %barrier3A_123 = arith.constant 0 : index
    tpu.barrier barrier_id(%barrier3A_123)
    %dma_wait3A_124 = arith.constant 0 : i32
    %dma_wait3A_125 = tpu.memref_slice %arg3[%add3A_98, %mul3A_100, %dma_wait3A_124] : memref<16x32x128xi32, #tpu.memory_space<hbm>> -> memref<1x2x128xi32, #tpu.memory_space<hbm>>
    %dma_wait3A_126 = tpu.memref_squeeze %dma_wait3A_125 : memref<1x2x128xi32, #tpu.memory_space<hbm>> -> memref<2x128xi32, #tpu.memory_space<hbm>>
    %dma_wait3A_127 = arith.constant 0 : i32
    %dma_wait3A_128 = tpu.memref_slice %arg3[%add3A_98, %mul3A_100, %dma_wait3A_127] : memref<16x32x128xi32, #tpu.memory_space<hbm>> -> memref<1x2x128xi32, #tpu.memory_space<hbm>>
    %dma_wait3A_129 = tpu.memref_squeeze %dma_wait3A_128 : memref<1x2x128xi32, #tpu.memory_space<hbm>> -> memref<2x128xi32, #tpu.memory_space<hbm>>
    tpu.wait_dma2 semaphore(%arg9 : memref<!tpu.dma_semaphore, #tpu.memory_space<semaphore_mem>>) src(%dma_wait3A_129 : memref<2x128xi32, #tpu.memory_space<hbm>>) dst(%arg5 : memref<2x128xi32, #tpu.memory_space<vmem>>)
    %dma_wait3A_130 = arith.constant 0 : i32
    %dma_wait3A_131 = tpu.memref_slice %arg2[%add3A_98, %mul3A_108, %dma_wait3A_130] : memref<16x4096x128xf32, #tpu.memory_space<hbm>> -> memref<1x256x128xf32, #tpu.memory_space<hbm>>
    %dma_wait3A_132 = tpu.memref_squeeze %dma_wait3A_131 : memref<1x256x128xf32, #tpu.memory_space<hbm>> -> memref<256x128xf32, #tpu.memory_space<hbm>>
    %dma_wait3A_133 = arith.constant 0 : i32
    %dma_wait3A_134 = tpu.memref_slice %arg2[%add3A_98, %mul3A_108, %dma_wait3A_133] : memref<16x4096x128xf32, #tpu.memory_space<hbm>> -> memref<1x256x128xf32, #tpu.memory_space<hbm>>
    %dma_wait3A_135 = tpu.memref_squeeze %dma_wait3A_134 : memref<1x256x128xf32, #tpu.memory_space<hbm>> -> memref<256x128xf32, #tpu.memory_space<hbm>>
    tpu.wait_dma2 semaphore(%arg9 : memref<!tpu.dma_semaphore, #tpu.memory_space<semaphore_mem>>) src(%dma_wait3A_135 : memref<256x128xf32, #tpu.memory_space<hbm>>) dst(%arg6 : memref<256x128xf32, #tpu.memory_space<vmem>>)
    %run_scoped3A_136 = arith.constant 0 : i32
    "tpu.region"() ({
      %run_scoped3A_385 = tpu.sem_alloc : memref<!tpu.dma_semaphore, #tpu.memory_space<semaphore_mem>>
      %dma_start3A_386 = arith.constant 0 : i32
      %dma_start3A_387 = arith.constant 0 : i32
      %dma_start3A_388 = tpu.memref_slice %arg6[%dma_start3A_386, %dma_start3A_387] : memref<256x128xf32, #tpu.memory_space<vmem>> -> memref<128x128xf32, #tpu.memory_space<vmem>>
      %dma_start3A_389 = arith.constant 0 : i32
      %dma_start3A_390 = tpu.memref_slice %arg5[%run_scoped3A_136, %dma_start3A_389] : memref<2x128xi32, #tpu.memory_space<vmem>> -> memref<1x128xi32, #tpu.memory_space<vmem>>
      %dma_start3A_391 = tpu.memref_squeeze %dma_start3A_390 : memref<1x128xi32, #tpu.memory_space<vmem>> -> memref<128xi32, #tpu.memory_space<vmem>>
      %dma_start3A_392 = arith.constant 0 : i32
      %dma_start3A_393 = arith.constant 0 : i32
      %dma_start3A_394 = tpu.memref_slice %arg10[%dma_start3A_392, %dma_start3A_393] : memref<4104x128xf32, #tpu.memory_space<vmem_shared>> -> memref<4104x128xf32, #tpu.memory_space<vmem_shared>>
      tpu.enqueue_indirect_dma source(%dma_start3A_388 : memref<128x128xf32, #tpu.memory_space<vmem>>) target(%dma_start3A_394 : memref<4104x128xf32, #tpu.memory_space<vmem_shared>>) offsets(%dma_start3A_391 : memref<128xi32, #tpu.memory_space<vmem>>) semaphore(%run_scoped3A_385 : memref<!tpu.dma_semaphore, #tpu.memory_space<semaphore_mem>>) {add = true}
      %dma_wait3A_395 = arith.constant 0 : i32
      %dma_wait3A_396 = arith.constant 0 : i32
      %dma_wait3A_397 = tpu.memref_slice %arg6[%dma_wait3A_395, %dma_wait3A_396] : memref<256x128xf32, #tpu.memory_space<vmem>> -> memref<128x128xf32, #tpu.memory_space<vmem>>
      %dma_wait3A_398 = arith.constant 0 : i32
      %dma_wait3A_399 = tpu.memref_slice %arg5[%run_scoped3A_136, %dma_wait3A_398] : memref<2x128xi32, #tpu.memory_space<vmem>> -> memref<1x128xi32, #tpu.memory_space<vmem>>
      %dma_wait3A_400 = tpu.memref_squeeze %dma_wait3A_399 : memref<1x128xi32, #tpu.memory_space<vmem>> -> memref<128xi32, #tpu.memory_space<vmem>>
      %dma_wait3A_401 = arith.constant 0 : i32
      %dma_wait3A_402 = arith.constant 0 : i32
      %dma_wait3A_403 = tpu.memref_slice %arg10[%dma_wait3A_401, %dma_wait3A_402] : memref<4104x128xf32, #tpu.memory_space<vmem_shared>> -> memref<4104x128xf32, #tpu.memory_space<vmem_shared>>
      tpu.wait_indirect_dma semaphore(%run_scoped3A_385 : memref<!tpu.dma_semaphore, #tpu.memory_space<semaphore_mem>>) src(%dma_wait3A_397 : memref<128x128xf32, #tpu.memory_space<vmem>>) dst(%dma_wait3A_403 : memref<4104x128xf32, #tpu.memory_space<vmem_shared>>)
      tpu.yield
    }) : () -> ()
    %run_scoped3A_137 = arith.constant 1 : i32
    "tpu.region"() ({
      %run_scoped3A_385 = tpu.sem_alloc : memref<!tpu.dma_semaphore, #tpu.memory_space<semaphore_mem>>
      %dma_start3A_386 = arith.constant 128 : i32
      %dma_start3A_387 = arith.constant 0 : i32
      %dma_start3A_388 = tpu.memref_slice %arg6[%dma_start3A_386, %dma_start3A_387] : memref<256x128xf32, #tpu.memory_space<vmem>> -> memref<128x128xf32, #tpu.memory_space<vmem>>
      %dma_start3A_389 = arith.constant 0 : i32
      %dma_start3A_390 = tpu.memref_slice %arg5[%run_scoped3A_137, %dma_start3A_389] : memref<2x128xi32, #tpu.memory_space<vmem>> -> memref<1x128xi32, #tpu.memory_space<vmem>>
      %dma_start3A_391 = tpu.memref_squeeze %dma_start3A_390 : memref<1x128xi32, #tpu.memory_space<vmem>> -> memref<128xi32, #tpu.memory_space<vmem>>
      %dma_start3A_392 = arith.constant 0 : i32
      %dma_start3A_393 = arith.constant 0 : i32
      %dma_start3A_394 = tpu.memref_slice %arg10[%dma_start3A_392, %dma_start3A_393] : memref<4104x128xf32, #tpu.memory_space<vmem_shared>> -> memref<4104x128xf32, #tpu.memory_space<vmem_shared>>
      tpu.enqueue_indirect_dma source(%dma_start3A_388 : memref<128x128xf32, #tpu.memory_space<vmem>>) target(%dma_start3A_394 : memref<4104x128xf32, #tpu.memory_space<vmem_shared>>) offsets(%dma_start3A_391 : memref<128xi32, #tpu.memory_space<vmem>>) semaphore(%run_scoped3A_385 : memref<!tpu.dma_semaphore, #tpu.memory_space<semaphore_mem>>) {add = true}
      %dma_wait3A_395 = arith.constant 128 : i32
      %dma_wait3A_396 = arith.constant 0 : i32
      %dma_wait3A_397 = tpu.memref_slice %arg6[%dma_wait3A_395, %dma_wait3A_396] : memref<256x128xf32, #tpu.memory_space<vmem>> -> memref<128x128xf32, #tpu.memory_space<vmem>>
      %dma_wait3A_398 = arith.constant 0 : i32
      %dma_wait3A_399 = tpu.memref_slice %arg5[%run_scoped3A_137, %dma_wait3A_398] : memref<2x128xi32, #tpu.memory_space<vmem>> -> memref<1x128xi32, #tpu.memory_space<vmem>>
      %dma_wait3A_400 = tpu.memref_squeeze %dma_wait3A_399 : memref<1x128xi32, #tpu.memory_space<vmem>> -> memref<128xi32, #tpu.memory_space<vmem>>
      %dma_wait3A_401 = arith.constant 0 : i32
      %dma_wait3A_402 = arith.constant 0 : i32
      %dma_wait3A_403 = tpu.memref_slice %arg10[%dma_wait3A_401, %dma_wait3A_402] : memref<4104x128xf32, #tpu.memory_space<vmem_shared>> -> memref<4104x128xf32, #tpu.memory_space<vmem_shared>>
      tpu.wait_indirect_dma semaphore(%run_scoped3A_385 : memref<!tpu.dma_semaphore, #tpu.memory_space<semaphore_mem>>) src(%dma_wait3A_397 : memref<128x128xf32, #tpu.memory_space<vmem>>) dst(%dma_wait3A_403 : memref<4104x128xf32, #tpu.memory_space<vmem_shared>>)
      tpu.yield
    }) : () -> ()
    %barrier3A_138 = arith.constant 0 : index
    tpu.barrier barrier_id(%barrier3A_138)
    "tpu.region"() ({
      %run_scoped3A_385 = tpu.sem_alloc : memref<!tpu.dma_semaphore, #tpu.memory_space<semaphore_mem>>
      %dma_start3A_386 = arith.constant 0 : i32
      %dma_start3A_387 = tpu.memref_slice %arg10[%mul3A_5, %dma_start3A_386] : memref<4104x128xf32, #tpu.memory_space<vmem_shared>> -> memref<256x128xf32, #tpu.memory_space<vmem_shared>>
      %dma_start3A_388 = arith.constant 0 : i32
      %dma_start3A_389 = tpu.memref_slice %arg10[%mul3A_5, %dma_start3A_388] : memref<4104x128xf32, #tpu.memory_space<vmem_shared>> -> memref<256x128xf32, #tpu.memory_space<vmem_shared>>
      tpu.enqueue_dma source(%dma_start3A_389 : memref<256x128xf32, #tpu.memory_space<vmem_shared>>) target(%arg6 : memref<256x128xf32, #tpu.memory_space<vmem>>) target_semaphore(%run_scoped3A_385 : memref<!tpu.dma_semaphore, #tpu.memory_space<semaphore_mem>>)
      %dma_wait3A_390 = arith.constant 0 : i32
      %dma_wait3A_391 = tpu.memref_slice %arg10[%mul3A_5, %dma_wait3A_390] : memref<4104x128xf32, #tpu.memory_space<vmem_shared>> -> memref<256x128xf32, #tpu.memory_space<vmem_shared>>
      %dma_wait3A_392 = arith.constant 0 : i32
      %dma_wait3A_393 = tpu.memref_slice %arg10[%mul3A_5, %dma_wait3A_392] : memref<4104x128xf32, #tpu.memory_space<vmem_shared>> -> memref<256x128xf32, #tpu.memory_space<vmem_shared>>
      tpu.wait_dma2 semaphore(%run_scoped3A_385 : memref<!tpu.dma_semaphore, #tpu.memory_space<semaphore_mem>>) src(%dma_wait3A_393 : memref<256x128xf32, #tpu.memory_space<vmem_shared>>) dst(%arg6 : memref<256x128xf32, #tpu.memory_space<vmem>>)
      tpu.yield
    }) : () -> ()
    %scan3A_139 = arith.constant 0 : i32
    %scan3A_140 = arith.constant 0 : i32
    %scan3A_141 = arith.constant 256 : i32
    %scan3A_142 = arith.addi %scan3A_140, %scan3A_141 : i32
    %scan3A_143 = arith.constant 1 : i32
    scf.for %scan3A_385 = %scan3A_140 to %scan3A_142 step %scan3A_143  : i32 {
      %get3A = arith.index_cast %scan3A_385 : i32 to index
      %get3A_386 = arith.constant 0 : index
      %get3A_387 = tpu.vector_load %arg6[%get3A, %get3A_386] {strides = array<i32>} : memref<256x128xf32, #tpu.memory_space<vmem>>, vector<1x16xf32>,
      %get3A_388 = vector.shape_cast %get3A_387 : vector<1x16xf32> to vector<16xf32>
      %swap3A = arith.index_cast %scan3A_385 : i32 to index
      %swap3A_389 = arith.constant 0 : index
      %swap3A_390 = tpu.vector_load %arg8[%swap3A, %swap3A_389] {strides = array<i32>} : memref<256x72xf32, #tpu.memory_space<vmem>>, vector<1x16xf32>,
      %swap3A_391 = vector.shape_cast %swap3A_390 : vector<1x16xf32> to vector<16xf32>
      %swap3A_392 = vector.shape_cast %get3A_388 : vector<16xf32> to vector<1x16xf32>
      tpu.vector_store %arg8[%swap3A, %swap3A_389], %swap3A_392 {strides = array<i32>} : memref<256x72xf32, #tpu.memory_space<vmem>>, vector<1x16xf32>,
      %get3A_393 = arith.index_cast %scan3A_385 : i32 to index
      %get3A_394 = arith.constant 16 : index
      %get3A_395 = tpu.vector_load %arg6[%get3A_393, %get3A_394] {strides = array<i32>} : memref<256x128xf32, #tpu.memory_space<vmem>>, vector<1x16xf32>,
      %get3A_396 = vector.shape_cast %get3A_395 : vector<1x16xf32> to vector<16xf32>
      %swap3A_397 = arith.index_cast %scan3A_385 : i32 to index
      %swap3A_398 = arith.constant 16 : index
      %swap3A_399 = tpu.vector_load %arg8[%swap3A_397, %swap3A_398] {strides = array<i32>} : memref<256x72xf32, #tpu.memory_space<vmem>>, vector<1x16xf32>,
      %swap3A_400 = vector.shape_cast %swap3A_399 : vector<1x16xf32> to vector<16xf32>
      %swap3A_401 = vector.shape_cast %get3A_396 : vector<16xf32> to vector<1x16xf32>
      tpu.vector_store %arg8[%swap3A_397, %swap3A_398], %swap3A_401 {strides = array<i32>} : memref<256x72xf32, #tpu.memory_space<vmem>>, vector<1x16xf32>,
      %get3A_402 = arith.index_cast %scan3A_385 : i32 to index
      %get3A_403 = arith.constant 32 : index
      %get3A_404 = tpu.vector_load %arg6[%get3A_402, %get3A_403] {strides = array<i32>} : memref<256x128xf32, #tpu.memory_space<vmem>>, vector<1x16xf32>,
      %get3A_405 = vector.shape_cast %get3A_404 : vector<1x16xf32> to vector<16xf32>
      %swap3A_406 = arith.index_cast %scan3A_385 : i32 to index
      %swap3A_407 = arith.constant 32 : index
      %swap3A_408 = tpu.vector_load %arg8[%swap3A_406, %swap3A_407] {strides = array<i32>} : memref<256x72xf32, #tpu.memory_space<vmem>>, vector<1x16xf32>,
      %swap3A_409 = vector.shape_cast %swap3A_408 : vector<1x16xf32> to vector<16xf32>
      %swap3A_410 = vector.shape_cast %get3A_405 : vector<16xf32> to vector<1x16xf32>
      tpu.vector_store %arg8[%swap3A_406, %swap3A_407], %swap3A_410 {strides = array<i32>} : memref<256x72xf32, #tpu.memory_space<vmem>>, vector<1x16xf32>,
      %get3A_411 = arith.index_cast %scan3A_385 : i32 to index
      %get3A_412 = arith.constant 48 : index
      %get3A_413 = tpu.vector_load %arg6[%get3A_411, %get3A_412] {strides = array<i32>} : memref<256x128xf32, #tpu.memory_space<vmem>>, vector<1x16xf32>,
      %get3A_414 = vector.shape_cast %get3A_413 : vector<1x16xf32> to vector<16xf32>
      %swap3A_415 = arith.index_cast %scan3A_385 : i32 to index
      %swap3A_416 = arith.constant 48 : index
      %swap3A_417 = tpu.vector_load %arg8[%swap3A_415, %swap3A_416] {strides = array<i32>} : memref<256x72xf32, #tpu.memory_space<vmem>>, vector<1x16xf32>,
      %swap3A_418 = vector.shape_cast %swap3A_417 : vector<1x16xf32> to vector<16xf32>
      %swap3A_419 = vector.shape_cast %get3A_414 : vector<16xf32> to vector<1x16xf32>
      tpu.vector_store %arg8[%swap3A_415, %swap3A_416], %swap3A_419 {strides = array<i32>} : memref<256x72xf32, #tpu.memory_space<vmem>>, vector<1x16xf32>,
      %get3A_420 = arith.index_cast %scan3A_385 : i32 to index
      %get3A_421 = arith.constant 56 : index
      %get3A_422 = tpu.vector_load %arg6[%get3A_420, %get3A_421] {strides = array<i32>} : memref<256x128xf32, #tpu.memory_space<vmem>>, vector<1x16xf32>,
      %get3A_423 = vector.shape_cast %get3A_422 : vector<1x16xf32> to vector<16xf32>
      %swap3A_424 = arith.index_cast %scan3A_385 : i32 to index
      %swap3A_425 = arith.constant 56 : index
      %swap3A_426 = tpu.vector_load %arg8[%swap3A_424, %swap3A_425] {strides = array<i32>} : memref<256x72xf32, #tpu.memory_space<vmem>>, vector<1x16xf32>,
      %swap3A_427 = vector.shape_cast %swap3A_426 : vector<1x16xf32> to vector<16xf32>
      %swap3A_428 = vector.shape_cast %get3A_423 : vector<16xf32> to vector<1x16xf32>
      tpu.vector_store %arg8[%swap3A_424, %swap3A_425], %swap3A_428 {strides = array<i32>} : memref<256x72xf32, #tpu.memory_space<vmem>>, vector<1x16xf32>,
    }
    %scan3A_144 = arith.constant 256 : i32
    "tpu.region"() ({
      %run_scoped3A_385 = tpu.sem_alloc : memref<!tpu.dma_semaphore, #tpu.memory_space<semaphore_mem>>
      %dma_start3A_386 = arith.constant 0 : i32
      %dma_start3A_387 = tpu.memref_slice %arg4[%add3A_98, %mul3A_5, %dma_start3A_386] : memref<16x4096x72xf32, #tpu.memory_space<hbm>> -> memref<1x256x72xf32, #tpu.memory_space<hbm>>
      %dma_start3A_388 = tpu.memref_squeeze %dma_start3A_387 : memref<1x256x72xf32, #tpu.memory_space<hbm>> -> memref<256x72xf32, #tpu.memory_space<hbm>>
      %dma_start3A_389 = arith.constant 0 : i32
      %dma_start3A_390 = tpu.memref_slice %arg4[%add3A_98, %mul3A_5, %dma_start3A_389] : memref<16x4096x72xf32, #tpu.memory_space<hbm>> -> memref<1x256x72xf32, #tpu.memory_space<hbm>>
      %dma_start3A_391 = tpu.memref_squeeze %dma_start3A_390 : memref<1x256x72xf32, #tpu.memory_space<hbm>> -> memref<256x72xf32, #tpu.memory_space<hbm>>
      tpu.enqueue_dma source(%arg8 : memref<256x72xf32, #tpu.memory_space<vmem>>) target(%dma_start3A_391 : memref<256x72xf32, #tpu.memory_space<hbm>>) target_semaphore(%run_scoped3A_385 : memref<!tpu.dma_semaphore, #tpu.memory_space<semaphore_mem>>)
      %dma_wait3A_392 = arith.constant 0 : i32
      %dma_wait3A_393 = tpu.memref_slice %arg4[%add3A_98, %mul3A_5, %dma_wait3A_392] : memref<16x4096x72xf32, #tpu.memory_space<hbm>> -> memref<1x256x72xf32, #tpu.memory_space<hbm>>
      %dma_wait3A_394 = tpu.memref_squeeze %dma_wait3A_393 : memref<1x256x72xf32, #tpu.memory_space<hbm>> -> memref<256x72xf32, #tpu.memory_space<hbm>>
      %dma_wait3A_395 = arith.constant 0 : i32
      %dma_wait3A_396 = tpu.memref_slice %arg4[%add3A_98, %mul3A_5, %dma_wait3A_395] : memref<16x4096x72xf32, #tpu.memory_space<hbm>> -> memref<1x256x72xf32, #tpu.memory_space<hbm>>
      %dma_wait3A_397 = tpu.memref_squeeze %dma_wait3A_396 : memref<1x256x72xf32, #tpu.memory_space<hbm>> -> memref<256x72xf32, #tpu.memory_space<hbm>>
      tpu.wait_dma2 semaphore(%run_scoped3A_385 : memref<!tpu.dma_semaphore, #tpu.memory_space<semaphore_mem>>) src(%arg8 : memref<256x72xf32, #tpu.memory_space<vmem>>) dst(%dma_wait3A_397 : memref<256x72xf32, #tpu.memory_space<hbm>>)
      tpu.yield
    }) : () -> ()
    %add3A_145 = arith.constant 6 : i32
    %add3A_146 = arith.addi %add3A_145, %arg0 : i32
    %mul3A_147 = arith.constant 2 : i32
    %mul3A_148 = arith.muli %arg1, %mul3A_147 : i32
    %dma_start3A_149 = arith.constant 0 : i32
    %dma_start3A_150 = tpu.memref_slice %arg3[%add3A_146, %mul3A_148, %dma_start3A_149] : memref<16x32x128xi32, #tpu.memory_space<hbm>> -> memref<1x2x128xi32, #tpu.memory_space<hbm>>
    %dma_start3A_151 = tpu.memref_squeeze %dma_start3A_150 : memref<1x2x128xi32, #tpu.memory_space<hbm>> -> memref<2x128xi32, #tpu.memory_space<hbm>>
    %dma_start3A_152 = arith.constant 0 : i32
    %dma_start3A_153 = tpu.memref_slice %arg3[%add3A_146, %mul3A_148, %dma_start3A_152] : memref<16x32x128xi32, #tpu.memory_space<hbm>> -> memref<1x2x128xi32, #tpu.memory_space<hbm>>
    %dma_start3A_154 = tpu.memref_squeeze %dma_start3A_153 : memref<1x2x128xi32, #tpu.memory_space<hbm>> -> memref<2x128xi32, #tpu.memory_space<hbm>>
    tpu.enqueue_dma source(%dma_start3A_154 : memref<2x128xi32, #tpu.memory_space<hbm>>) target(%arg5 : memref<2x128xi32, #tpu.memory_space<vmem>>) target_semaphore(%arg9 : memref<!tpu.dma_semaphore, #tpu.memory_space<semaphore_mem>>)
    %mul3A_155 = arith.constant 256 : i32
    %mul3A_156 = arith.muli %arg1, %mul3A_155 : i32
    %dma_start3A_157 = arith.constant 0 : i32
    %dma_start3A_158 = tpu.memref_slice %arg2[%add3A_146, %mul3A_156, %dma_start3A_157] : memref<16x4096x128xf32, #tpu.memory_space<hbm>> -> memref<1x256x128xf32, #tpu.memory_space<hbm>>
    %dma_start3A_159 = tpu.memref_squeeze %dma_start3A_158 : memref<1x256x128xf32, #tpu.memory_space<hbm>> -> memref<256x128xf32, #tpu.memory_space<hbm>>
    %dma_start3A_160 = arith.constant 0 : i32
    %dma_start3A_161 = tpu.memref_slice %arg2[%add3A_146, %mul3A_156, %dma_start3A_160] : memref<16x4096x128xf32, #tpu.memory_space<hbm>> -> memref<1x256x128xf32, #tpu.memory_space<hbm>>
    %dma_start3A_162 = tpu.memref_squeeze %dma_start3A_161 : memref<1x256x128xf32, #tpu.memory_space<hbm>> -> memref<256x128xf32, #tpu.memory_space<hbm>>
    tpu.enqueue_dma source(%dma_start3A_162 : memref<256x128xf32, #tpu.memory_space<hbm>>) target(%arg6 : memref<256x128xf32, #tpu.memory_space<vmem>>) target_semaphore(%arg9 : memref<!tpu.dma_semaphore, #tpu.memory_space<semaphore_mem>>)
    %add3A_163 = arith.constant 0 : i32
    %add3A_164 = arith.addi %mul3A_5, %add3A_163 : i32
    "tpu.region"() ({
      %run_scoped3A_385 = tpu.sem_alloc : memref<!tpu.dma_semaphore, #tpu.memory_space<semaphore_mem>>
      %dma_start3A_386 = arith.constant 0 : i32
      %dma_start3A_387 = tpu.memref_slice %arg10[%add3A_164, %dma_start3A_386] : memref<4104x128xf32, #tpu.memory_space<vmem_shared>> -> memref<64x128xf32, #tpu.memory_space<vmem_shared>>
      %dma_start3A_388 = arith.constant 0 : i32
      %dma_start3A_389 = tpu.memref_slice %arg10[%add3A_164, %dma_start3A_388] : memref<4104x128xf32, #tpu.memory_space<vmem_shared>> -> memref<64x128xf32, #tpu.memory_space<vmem_shared>>
      tpu.enqueue_dma source(%arg7 : memref<64x128xf32, #tpu.memory_space<vmem>>) target(%dma_start3A_389 : memref<64x128xf32, #tpu.memory_space<vmem_shared>>) target_semaphore(%run_scoped3A_385 : memref<!tpu.dma_semaphore, #tpu.memory_space<semaphore_mem>>)
      %dma_wait3A_390 = arith.constant 0 : i32
      %dma_wait3A_391 = tpu.memref_slice %arg10[%add3A_164, %dma_wait3A_390] : memref<4104x128xf32, #tpu.memory_space<vmem_shared>> -> memref<64x128xf32, #tpu.memory_space<vmem_shared>>
      %dma_wait3A_392 = arith.constant 0 : i32
      %dma_wait3A_393 = tpu.memref_slice %arg10[%add3A_164, %dma_wait3A_392] : memref<4104x128xf32, #tpu.memory_space<vmem_shared>> -> memref<64x128xf32, #tpu.memory_space<vmem_shared>>
      tpu.wait_dma2 semaphore(%run_scoped3A_385 : memref<!tpu.dma_semaphore, #tpu.memory_space<semaphore_mem>>) src(%arg7 : memref<64x128xf32, #tpu.memory_space<vmem>>) dst(%dma_wait3A_393 : memref<64x128xf32, #tpu.memory_space<vmem_shared>>)
      tpu.yield
    }) : () -> ()
    %add3A_165 = arith.constant 64 : i32
    %add3A_166 = arith.addi %mul3A_5, %add3A_165 : i32
    "tpu.region"() ({
      %run_scoped3A_385 = tpu.sem_alloc : memref<!tpu.dma_semaphore, #tpu.memory_space<semaphore_mem>>
      %dma_start3A_386 = arith.constant 0 : i32
      %dma_start3A_387 = tpu.memref_slice %arg10[%add3A_166, %dma_start3A_386] : memref<4104x128xf32, #tpu.memory_space<vmem_shared>> -> memref<64x128xf32, #tpu.memory_space<vmem_shared>>
      %dma_start3A_388 = arith.constant 0 : i32
      %dma_start3A_389 = tpu.memref_slice %arg10[%add3A_166, %dma_start3A_388] : memref<4104x128xf32, #tpu.memory_space<vmem_shared>> -> memref<64x128xf32, #tpu.memory_space<vmem_shared>>
      tpu.enqueue_dma source(%arg7 : memref<64x128xf32, #tpu.memory_space<vmem>>) target(%dma_start3A_389 : memref<64x128xf32, #tpu.memory_space<vmem_shared>>) target_semaphore(%run_scoped3A_385 : memref<!tpu.dma_semaphore, #tpu.memory_space<semaphore_mem>>)
      %dma_wait3A_390 = arith.constant 0 : i32
      %dma_wait3A_391 = tpu.memref_slice %arg10[%add3A_166, %dma_wait3A_390] : memref<4104x128xf32, #tpu.memory_space<vmem_shared>> -> memref<64x128xf32, #tpu.memory_space<vmem_shared>>
      %dma_wait3A_392 = arith.constant 0 : i32
      %dma_wait3A_393 = tpu.memref_slice %arg10[%add3A_166, %dma_wait3A_392] : memref<4104x128xf32, #tpu.memory_space<vmem_shared>> -> memref<64x128xf32, #tpu.memory_space<vmem_shared>>
      tpu.wait_dma2 semaphore(%run_scoped3A_385 : memref<!tpu.dma_semaphore, #tpu.memory_space<semaphore_mem>>) src(%arg7 : memref<64x128xf32, #tpu.memory_space<vmem>>) dst(%dma_wait3A_393 : memref<64x128xf32, #tpu.memory_space<vmem_shared>>)
      tpu.yield
    }) : () -> ()
    %add3A_167 = arith.constant 128 : i32
    %add3A_168 = arith.addi %mul3A_5, %add3A_167 : i32
    "tpu.region"() ({
      %run_scoped3A_385 = tpu.sem_alloc : memref<!tpu.dma_semaphore, #tpu.memory_space<semaphore_mem>>
      %dma_start3A_386 = arith.constant 0 : i32
      %dma_start3A_387 = tpu.memref_slice %arg10[%add3A_168, %dma_start3A_386] : memref<4104x128xf32, #tpu.memory_space<vmem_shared>> -> memref<64x128xf32, #tpu.memory_space<vmem_shared>>
      %dma_start3A_388 = arith.constant 0 : i32
      %dma_start3A_389 = tpu.memref_slice %arg10[%add3A_168, %dma_start3A_388] : memref<4104x128xf32, #tpu.memory_space<vmem_shared>> -> memref<64x128xf32, #tpu.memory_space<vmem_shared>>
      tpu.enqueue_dma source(%arg7 : memref<64x128xf32, #tpu.memory_space<vmem>>) target(%dma_start3A_389 : memref<64x128xf32, #tpu.memory_space<vmem_shared>>) target_semaphore(%run_scoped3A_385 : memref<!tpu.dma_semaphore, #tpu.memory_space<semaphore_mem>>)
      %dma_wait3A_390 = arith.constant 0 : i32
      %dma_wait3A_391 = tpu.memref_slice %arg10[%add3A_168, %dma_wait3A_390] : memref<4104x128xf32, #tpu.memory_space<vmem_shared>> -> memref<64x128xf32, #tpu.memory_space<vmem_shared>>
      %dma_wait3A_392 = arith.constant 0 : i32
      %dma_wait3A_393 = tpu.memref_slice %arg10[%add3A_168, %dma_wait3A_392] : memref<4104x128xf32, #tpu.memory_space<vmem_shared>> -> memref<64x128xf32, #tpu.memory_space<vmem_shared>>
      tpu.wait_dma2 semaphore(%run_scoped3A_385 : memref<!tpu.dma_semaphore, #tpu.memory_space<semaphore_mem>>) src(%arg7 : memref<64x128xf32, #tpu.memory_space<vmem>>) dst(%dma_wait3A_393 : memref<64x128xf32, #tpu.memory_space<vmem_shared>>)
      tpu.yield
    }) : () -> ()
    %add3A_169 = arith.constant 192 : i32
    %add3A_170 = arith.addi %mul3A_5, %add3A_169 : i32
    "tpu.region"() ({
      %run_scoped3A_385 = tpu.sem_alloc : memref<!tpu.dma_semaphore, #tpu.memory_space<semaphore_mem>>
      %dma_start3A_386 = arith.constant 0 : i32
      %dma_start3A_387 = tpu.memref_slice %arg10[%add3A_170, %dma_start3A_386] : memref<4104x128xf32, #tpu.memory_space<vmem_shared>> -> memref<64x128xf32, #tpu.memory_space<vmem_shared>>
      %dma_start3A_388 = arith.constant 0 : i32
      %dma_start3A_389 = tpu.memref_slice %arg10[%add3A_170, %dma_start3A_388] : memref<4104x128xf32, #tpu.memory_space<vmem_shared>> -> memref<64x128xf32, #tpu.memory_space<vmem_shared>>
      tpu.enqueue_dma source(%arg7 : memref<64x128xf32, #tpu.memory_space<vmem>>) target(%dma_start3A_389 : memref<64x128xf32, #tpu.memory_space<vmem_shared>>) target_semaphore(%run_scoped3A_385 : memref<!tpu.dma_semaphore, #tpu.memory_space<semaphore_mem>>)
      %dma_wait3A_390 = arith.constant 0 : i32
      %dma_wait3A_391 = tpu.memref_slice %arg10[%add3A_170, %dma_wait3A_390] : memref<4104x128xf32, #tpu.memory_space<vmem_shared>> -> memref<64x128xf32, #tpu.memory_space<vmem_shared>>
      %dma_wait3A_392 = arith.constant 0 : i32
      %dma_wait3A_393 = tpu.memref_slice %arg10[%add3A_170, %dma_wait3A_392] : memref<4104x128xf32, #tpu.memory_space<vmem_shared>> -> memref<64x128xf32, #tpu.memory_space<vmem_shared>>
      tpu.wait_dma2 semaphore(%run_scoped3A_385 : memref<!tpu.dma_semaphore, #tpu.memory_space<semaphore_mem>>) src(%arg7 : memref<64x128xf32, #tpu.memory_space<vmem>>) dst(%dma_wait3A_393 : memref<64x128xf32, #tpu.memory_space<vmem_shared>>)
      tpu.yield
    }) : () -> ()
    %barrier3A_171 = arith.constant 0 : index
    tpu.barrier barrier_id(%barrier3A_171)
    %dma_wait3A_172 = arith.constant 0 : i32
    %dma_wait3A_173 = tpu.memref_slice %arg3[%add3A_146, %mul3A_148, %dma_wait3A_172] : memref<16x32x128xi32, #tpu.memory_space<hbm>> -> memref<1x2x128xi32, #tpu.memory_space<hbm>>
    %dma_wait3A_174 = tpu.memref_squeeze %dma_wait3A_173 : memref<1x2x128xi32, #tpu.memory_space<hbm>> -> memref<2x128xi32, #tpu.memory_space<hbm>>
    %dma_wait3A_175 = arith.constant 0 : i32
    %dma_wait3A_176 = tpu.memref_slice %arg3[%add3A_146, %mul3A_148, %dma_wait3A_175] : memref<16x32x128xi32, #tpu.memory_space<hbm>> -> memref<1x2x128xi32, #tpu.memory_space<hbm>>
    %dma_wait3A_177 = tpu.memref_squeeze %dma_wait3A_176 : memref<1x2x128xi32, #tpu.memory_space<hbm>> -> memref<2x128xi32, #tpu.memory_space<hbm>>
    tpu.wait_dma2 semaphore(%arg9 : memref<!tpu.dma_semaphore, #tpu.memory_space<semaphore_mem>>) src(%dma_wait3A_177 : memref<2x128xi32, #tpu.memory_space<hbm>>) dst(%arg5 : memref<2x128xi32, #tpu.memory_space<vmem>>)
    %dma_wait3A_178 = arith.constant 0 : i32
    %dma_wait3A_179 = tpu.memref_slice %arg2[%add3A_146, %mul3A_156, %dma_wait3A_178] : memref<16x4096x128xf32, #tpu.memory_space<hbm>> -> memref<1x256x128xf32, #tpu.memory_space<hbm>>
    %dma_wait3A_180 = tpu.memref_squeeze %dma_wait3A_179 : memref<1x256x128xf32, #tpu.memory_space<hbm>> -> memref<256x128xf32, #tpu.memory_space<hbm>>
    %dma_wait3A_181 = arith.constant 0 : i32
    %dma_wait3A_182 = tpu.memref_slice %arg2[%add3A_146, %mul3A_156, %dma_wait3A_181] : memref<16x4096x128xf32, #tpu.memory_space<hbm>> -> memref<1x256x128xf32, #tpu.memory_space<hbm>>
    %dma_wait3A_183 = tpu.memref_squeeze %dma_wait3A_182 : memref<1x256x128xf32, #tpu.memory_space<hbm>> -> memref<256x128xf32, #tpu.memory_space<hbm>>
    tpu.wait_dma2 semaphore(%arg9 : memref<!tpu.dma_semaphore, #tpu.memory_space<semaphore_mem>>) src(%dma_wait3A_183 : memref<256x128xf32, #tpu.memory_space<hbm>>) dst(%arg6 : memref<256x128xf32, #tpu.memory_space<vmem>>)
    %run_scoped3A_184 = arith.constant 0 : i32
    "tpu.region"() ({
      %run_scoped3A_385 = tpu.sem_alloc : memref<!tpu.dma_semaphore, #tpu.memory_space<semaphore_mem>>
      %dma_start3A_386 = arith.constant 0 : i32
      %dma_start3A_387 = arith.constant 0 : i32
      %dma_start3A_388 = tpu.memref_slice %arg6[%dma_start3A_386, %dma_start3A_387] : memref<256x128xf32, #tpu.memory_space<vmem>> -> memref<128x128xf32, #tpu.memory_space<vmem>>
      %dma_start3A_389 = arith.constant 0 : i32
      %dma_start3A_390 = tpu.memref_slice %arg5[%run_scoped3A_184, %dma_start3A_389] : memref<2x128xi32, #tpu.memory_space<vmem>> -> memref<1x128xi32, #tpu.memory_space<vmem>>
      %dma_start3A_391 = tpu.memref_squeeze %dma_start3A_390 : memref<1x128xi32, #tpu.memory_space<vmem>> -> memref<128xi32, #tpu.memory_space<vmem>>
      %dma_start3A_392 = arith.constant 0 : i32
      %dma_start3A_393 = arith.constant 0 : i32
      %dma_start3A_394 = tpu.memref_slice %arg10[%dma_start3A_392, %dma_start3A_393] : memref<4104x128xf32, #tpu.memory_space<vmem_shared>> -> memref<4104x128xf32, #tpu.memory_space<vmem_shared>>
      tpu.enqueue_indirect_dma source(%dma_start3A_388 : memref<128x128xf32, #tpu.memory_space<vmem>>) target(%dma_start3A_394 : memref<4104x128xf32, #tpu.memory_space<vmem_shared>>) offsets(%dma_start3A_391 : memref<128xi32, #tpu.memory_space<vmem>>) semaphore(%run_scoped3A_385 : memref<!tpu.dma_semaphore, #tpu.memory_space<semaphore_mem>>) {add = true}
      %dma_wait3A_395 = arith.constant 0 : i32
      %dma_wait3A_396 = arith.constant 0 : i32
      %dma_wait3A_397 = tpu.memref_slice %arg6[%dma_wait3A_395, %dma_wait3A_396] : memref<256x128xf32, #tpu.memory_space<vmem>> -> memref<128x128xf32, #tpu.memory_space<vmem>>
      %dma_wait3A_398 = arith.constant 0 : i32
      %dma_wait3A_399 = tpu.memref_slice %arg5[%run_scoped3A_184, %dma_wait3A_398] : memref<2x128xi32, #tpu.memory_space<vmem>> -> memref<1x128xi32, #tpu.memory_space<vmem>>
      %dma_wait3A_400 = tpu.memref_squeeze %dma_wait3A_399 : memref<1x128xi32, #tpu.memory_space<vmem>> -> memref<128xi32, #tpu.memory_space<vmem>>
      %dma_wait3A_401 = arith.constant 0 : i32
      %dma_wait3A_402 = arith.constant 0 : i32
      %dma_wait3A_403 = tpu.memref_slice %arg10[%dma_wait3A_401, %dma_wait3A_402] : memref<4104x128xf32, #tpu.memory_space<vmem_shared>> -> memref<4104x128xf32, #tpu.memory_space<vmem_shared>>
      tpu.wait_indirect_dma semaphore(%run_scoped3A_385 : memref<!tpu.dma_semaphore, #tpu.memory_space<semaphore_mem>>) src(%dma_wait3A_397 : memref<128x128xf32, #tpu.memory_space<vmem>>) dst(%dma_wait3A_403 : memref<4104x128xf32, #tpu.memory_space<vmem_shared>>)
      tpu.yield
    }) : () -> ()
    %run_scoped3A_185 = arith.constant 1 : i32
    "tpu.region"() ({
      %run_scoped3A_385 = tpu.sem_alloc : memref<!tpu.dma_semaphore, #tpu.memory_space<semaphore_mem>>
      %dma_start3A_386 = arith.constant 128 : i32
      %dma_start3A_387 = arith.constant 0 : i32
      %dma_start3A_388 = tpu.memref_slice %arg6[%dma_start3A_386, %dma_start3A_387] : memref<256x128xf32, #tpu.memory_space<vmem>> -> memref<128x128xf32, #tpu.memory_space<vmem>>
      %dma_start3A_389 = arith.constant 0 : i32
      %dma_start3A_390 = tpu.memref_slice %arg5[%run_scoped3A_185, %dma_start3A_389] : memref<2x128xi32, #tpu.memory_space<vmem>> -> memref<1x128xi32, #tpu.memory_space<vmem>>
      %dma_start3A_391 = tpu.memref_squeeze %dma_start3A_390 : memref<1x128xi32, #tpu.memory_space<vmem>> -> memref<128xi32, #tpu.memory_space<vmem>>
      %dma_start3A_392 = arith.constant 0 : i32
      %dma_start3A_393 = arith.constant 0 : i32
      %dma_start3A_394 = tpu.memref_slice %arg10[%dma_start3A_392, %dma_start3A_393] : memref<4104x128xf32, #tpu.memory_space<vmem_shared>> -> memref<4104x128xf32, #tpu.memory_space<vmem_shared>>
      tpu.enqueue_indirect_dma source(%dma_start3A_388 : memref<128x128xf32, #tpu.memory_space<vmem>>) target(%dma_start3A_394 : memref<4104x128xf32, #tpu.memory_space<vmem_shared>>) offsets(%dma_start3A_391 : memref<128xi32, #tpu.memory_space<vmem>>) semaphore(%run_scoped3A_385 : memref<!tpu.dma_semaphore, #tpu.memory_space<semaphore_mem>>) {add = true}
      %dma_wait3A_395 = arith.constant 128 : i32
      %dma_wait3A_396 = arith.constant 0 : i32
      %dma_wait3A_397 = tpu.memref_slice %arg6[%dma_wait3A_395, %dma_wait3A_396] : memref<256x128xf32, #tpu.memory_space<vmem>> -> memref<128x128xf32, #tpu.memory_space<vmem>>
      %dma_wait3A_398 = arith.constant 0 : i32
      %dma_wait3A_399 = tpu.memref_slice %arg5[%run_scoped3A_185, %dma_wait3A_398] : memref<2x128xi32, #tpu.memory_space<vmem>> -> memref<1x128xi32, #tpu.memory_space<vmem>>
      %dma_wait3A_400 = tpu.memref_squeeze %dma_wait3A_399 : memref<1x128xi32, #tpu.memory_space<vmem>> -> memref<128xi32, #tpu.memory_space<vmem>>
      %dma_wait3A_401 = arith.constant 0 : i32
      %dma_wait3A_402 = arith.constant 0 : i32
      %dma_wait3A_403 = tpu.memref_slice %arg10[%dma_wait3A_401, %dma_wait3A_402] : memref<4104x128xf32, #tpu.memory_space<vmem_shared>> -> memref<4104x128xf32, #tpu.memory_space<vmem_shared>>
      tpu.wait_indirect_dma semaphore(%run_scoped3A_385 : memref<!tpu.dma_semaphore, #tpu.memory_space<semaphore_mem>>) src(%dma_wait3A_397 : memref<128x128xf32, #tpu.memory_space<vmem>>) dst(%dma_wait3A_403 : memref<4104x128xf32, #tpu.memory_space<vmem_shared>>)
      tpu.yield
    }) : () -> ()
    %barrier3A_186 = arith.constant 0 : index
    tpu.barrier barrier_id(%barrier3A_186)
    "tpu.region"() ({
      %run_scoped3A_385 = tpu.sem_alloc : memref<!tpu.dma_semaphore, #tpu.memory_space<semaphore_mem>>
      %dma_start3A_386 = arith.constant 0 : i32
      %dma_start3A_387 = tpu.memref_slice %arg10[%mul3A_5, %dma_start3A_386] : memref<4104x128xf32, #tpu.memory_space<vmem_shared>> -> memref<256x128xf32, #tpu.memory_space<vmem_shared>>
      %dma_start3A_388 = arith.constant 0 : i32
      %dma_start3A_389 = tpu.memref_slice %arg10[%mul3A_5, %dma_start3A_388] : memref<4104x128xf32, #tpu.memory_space<vmem_shared>> -> memref<256x128xf32, #tpu.memory_space<vmem_shared>>
      tpu.enqueue_dma source(%dma_start3A_389 : memref<256x128xf32, #tpu.memory_space<vmem_shared>>) target(%arg6 : memref<256x128xf32, #tpu.memory_space<vmem>>) target_semaphore(%run_scoped3A_385 : memref<!tpu.dma_semaphore, #tpu.memory_space<semaphore_mem>>)
      %dma_wait3A_390 = arith.constant 0 : i32
      %dma_wait3A_391 = tpu.memref_slice %arg10[%mul3A_5, %dma_wait3A_390] : memref<4104x128xf32, #tpu.memory_space<vmem_shared>> -> memref<256x128xf32, #tpu.memory_space<vmem_shared>>
      %dma_wait3A_392 = arith.constant 0 : i32
      %dma_wait3A_393 = tpu.memref_slice %arg10[%mul3A_5, %dma_wait3A_392] : memref<4104x128xf32, #tpu.memory_space<vmem_shared>> -> memref<256x128xf32, #tpu.memory_space<vmem_shared>>
      tpu.wait_dma2 semaphore(%run_scoped3A_385 : memref<!tpu.dma_semaphore, #tpu.memory_space<semaphore_mem>>) src(%dma_wait3A_393 : memref<256x128xf32, #tpu.memory_space<vmem_shared>>) dst(%arg6 : memref<256x128xf32, #tpu.memory_space<vmem>>)
      tpu.yield
    }) : () -> ()
    %scan3A_187 = arith.constant 0 : i32
    %scan3A_188 = arith.constant 0 : i32
    %scan3A_189 = arith.constant 256 : i32
    %scan3A_190 = arith.addi %scan3A_188, %scan3A_189 : i32
    %scan3A_191 = arith.constant 1 : i32
    scf.for %scan3A_385 = %scan3A_188 to %scan3A_190 step %scan3A_191  : i32 {
      %get3A = arith.index_cast %scan3A_385 : i32 to index
      %get3A_386 = arith.constant 0 : index
      %get3A_387 = tpu.vector_load %arg6[%get3A, %get3A_386] {strides = array<i32>} : memref<256x128xf32, #tpu.memory_space<vmem>>, vector<1x16xf32>,
      %get3A_388 = vector.shape_cast %get3A_387 : vector<1x16xf32> to vector<16xf32>
      %swap3A = arith.index_cast %scan3A_385 : i32 to index
      %swap3A_389 = arith.constant 0 : index
      %swap3A_390 = tpu.vector_load %arg8[%swap3A, %swap3A_389] {strides = array<i32>} : memref<256x72xf32, #tpu.memory_space<vmem>>, vector<1x16xf32>,
      %swap3A_391 = vector.shape_cast %swap3A_390 : vector<1x16xf32> to vector<16xf32>
      %swap3A_392 = vector.shape_cast %get3A_388 : vector<16xf32> to vector<1x16xf32>
      tpu.vector_store %arg8[%swap3A, %swap3A_389], %swap3A_392 {strides = array<i32>} : memref<256x72xf32, #tpu.memory_space<vmem>>, vector<1x16xf32>,
      %get3A_393 = arith.index_cast %scan3A_385 : i32 to index
      %get3A_394 = arith.constant 16 : index
      %get3A_395 = tpu.vector_load %arg6[%get3A_393, %get3A_394] {strides = array<i32>} : memref<256x128xf32, #tpu.memory_space<vmem>>, vector<1x16xf32>,
      %get3A_396 = vector.shape_cast %get3A_395 : vector<1x16xf32> to vector<16xf32>
      %swap3A_397 = arith.index_cast %scan3A_385 : i32 to index
      %swap3A_398 = arith.constant 16 : index
      %swap3A_399 = tpu.vector_load %arg8[%swap3A_397, %swap3A_398] {strides = array<i32>} : memref<256x72xf32, #tpu.memory_space<vmem>>, vector<1x16xf32>,
      %swap3A_400 = vector.shape_cast %swap3A_399 : vector<1x16xf32> to vector<16xf32>
      %swap3A_401 = vector.shape_cast %get3A_396 : vector<16xf32> to vector<1x16xf32>
      tpu.vector_store %arg8[%swap3A_397, %swap3A_398], %swap3A_401 {strides = array<i32>} : memref<256x72xf32, #tpu.memory_space<vmem>>, vector<1x16xf32>,
      %get3A_402 = arith.index_cast %scan3A_385 : i32 to index
      %get3A_403 = arith.constant 32 : index
      %get3A_404 = tpu.vector_load %arg6[%get3A_402, %get3A_403] {strides = array<i32>} : memref<256x128xf32, #tpu.memory_space<vmem>>, vector<1x16xf32>,
      %get3A_405 = vector.shape_cast %get3A_404 : vector<1x16xf32> to vector<16xf32>
      %swap3A_406 = arith.index_cast %scan3A_385 : i32 to index
      %swap3A_407 = arith.constant 32 : index
      %swap3A_408 = tpu.vector_load %arg8[%swap3A_406, %swap3A_407] {strides = array<i32>} : memref<256x72xf32, #tpu.memory_space<vmem>>, vector<1x16xf32>,
      %swap3A_409 = vector.shape_cast %swap3A_408 : vector<1x16xf32> to vector<16xf32>
      %swap3A_410 = vector.shape_cast %get3A_405 : vector<16xf32> to vector<1x16xf32>
      tpu.vector_store %arg8[%swap3A_406, %swap3A_407], %swap3A_410 {strides = array<i32>} : memref<256x72xf32, #tpu.memory_space<vmem>>, vector<1x16xf32>,
      %get3A_411 = arith.index_cast %scan3A_385 : i32 to index
      %get3A_412 = arith.constant 48 : index
      %get3A_413 = tpu.vector_load %arg6[%get3A_411, %get3A_412] {strides = array<i32>} : memref<256x128xf32, #tpu.memory_space<vmem>>, vector<1x16xf32>,
      %get3A_414 = vector.shape_cast %get3A_413 : vector<1x16xf32> to vector<16xf32>
      %swap3A_415 = arith.index_cast %scan3A_385 : i32 to index
      %swap3A_416 = arith.constant 48 : index
      %swap3A_417 = tpu.vector_load %arg8[%swap3A_415, %swap3A_416] {strides = array<i32>} : memref<256x72xf32, #tpu.memory_space<vmem>>, vector<1x16xf32>,
      %swap3A_418 = vector.shape_cast %swap3A_417 : vector<1x16xf32> to vector<16xf32>
      %swap3A_419 = vector.shape_cast %get3A_414 : vector<16xf32> to vector<1x16xf32>
      tpu.vector_store %arg8[%swap3A_415, %swap3A_416], %swap3A_419 {strides = array<i32>} : memref<256x72xf32, #tpu.memory_space<vmem>>, vector<1x16xf32>,
      %get3A_420 = arith.index_cast %scan3A_385 : i32 to index
      %get3A_421 = arith.constant 56 : index
      %get3A_422 = tpu.vector_load %arg6[%get3A_420, %get3A_421] {strides = array<i32>} : memref<256x128xf32, #tpu.memory_space<vmem>>, vector<1x16xf32>,
      %get3A_423 = vector.shape_cast %get3A_422 : vector<1x16xf32> to vector<16xf32>
      %swap3A_424 = arith.index_cast %scan3A_385 : i32 to index
      %swap3A_425 = arith.constant 56 : index
      %swap3A_426 = tpu.vector_load %arg8[%swap3A_424, %swap3A_425] {strides = array<i32>} : memref<256x72xf32, #tpu.memory_space<vmem>>, vector<1x16xf32>,
      %swap3A_427 = vector.shape_cast %swap3A_426 : vector<1x16xf32> to vector<16xf32>
      %swap3A_428 = vector.shape_cast %get3A_423 : vector<16xf32> to vector<1x16xf32>
      tpu.vector_store %arg8[%swap3A_424, %swap3A_425], %swap3A_428 {strides = array<i32>} : memref<256x72xf32, #tpu.memory_space<vmem>>, vector<1x16xf32>,
    }
    %scan3A_192 = arith.constant 256 : i32
    "tpu.region"() ({
      %run_scoped3A_385 = tpu.sem_alloc : memref<!tpu.dma_semaphore, #tpu.memory_space<semaphore_mem>>
      %dma_start3A_386 = arith.constant 0 : i32
      %dma_start3A_387 = tpu.memref_slice %arg4[%add3A_146, %mul3A_5, %dma_start3A_386] : memref<16x4096x72xf32, #tpu.memory_space<hbm>> -> memref<1x256x72xf32, #tpu.memory_space<hbm>>
      %dma_start3A_388 = tpu.memref_squeeze %dma_start3A_387 : memref<1x256x72xf32, #tpu.memory_space<hbm>> -> memref<256x72xf32, #tpu.memory_space<hbm>>
      %dma_start3A_389 = arith.constant 0 : i32
      %dma_start3A_390 = tpu.memref_slice %arg4[%add3A_146, %mul3A_5, %dma_start3A_389] : memref<16x4096x72xf32, #tpu.memory_space<hbm>> -> memref<1x256x72xf32, #tpu.memory_space<hbm>>
      %dma_start3A_391 = tpu.memref_squeeze %dma_start3A_390 : memref<1x256x72xf32, #tpu.memory_space<hbm>> -> memref<256x72xf32, #tpu.memory_space<hbm>>
      tpu.enqueue_dma source(%arg8 : memref<256x72xf32, #tpu.memory_space<vmem>>) target(%dma_start3A_391 : memref<256x72xf32, #tpu.memory_space<hbm>>) target_semaphore(%run_scoped3A_385 : memref<!tpu.dma_semaphore, #tpu.memory_space<semaphore_mem>>)
      %dma_wait3A_392 = arith.constant 0 : i32
      %dma_wait3A_393 = tpu.memref_slice %arg4[%add3A_146, %mul3A_5, %dma_wait3A_392] : memref<16x4096x72xf32, #tpu.memory_space<hbm>> -> memref<1x256x72xf32, #tpu.memory_space<hbm>>
      %dma_wait3A_394 = tpu.memref_squeeze %dma_wait3A_393 : memref<1x256x72xf32, #tpu.memory_space<hbm>> -> memref<256x72xf32, #tpu.memory_space<hbm>>
      %dma_wait3A_395 = arith.constant 0 : i32
      %dma_wait3A_396 = tpu.memref_slice %arg4[%add3A_146, %mul3A_5, %dma_wait3A_395] : memref<16x4096x72xf32, #tpu.memory_space<hbm>> -> memref<1x256x72xf32, #tpu.memory_space<hbm>>
      %dma_wait3A_397 = tpu.memref_squeeze %dma_wait3A_396 : memref<1x256x72xf32, #tpu.memory_space<hbm>> -> memref<256x72xf32, #tpu.memory_space<hbm>>
      tpu.wait_dma2 semaphore(%run_scoped3A_385 : memref<!tpu.dma_semaphore, #tpu.memory_space<semaphore_mem>>) src(%arg8 : memref<256x72xf32, #tpu.memory_space<vmem>>) dst(%dma_wait3A_397 : memref<256x72xf32, #tpu.memory_space<hbm>>)
      tpu.yield
    }) : () -> ()
    %add3A_193 = arith.constant 8 : i32
    %add3A_194 = arith.addi %add3A_193, %arg0 : i32
    %mul3A_195 = arith.constant 2 : i32
    %mul3A_196 = arith.muli %arg1, %mul3A_195 : i32
    %dma_start3A_197 = arith.constant 0 : i32
    %dma_start3A_198 = tpu.memref_slice %arg3[%add3A_194, %mul3A_196, %dma_start3A_197] : memref<16x32x128xi32, #tpu.memory_space<hbm>> -> memref<1x2x128xi32, #tpu.memory_space<hbm>>
    %dma_start3A_199 = tpu.memref_squeeze %dma_start3A_198 : memref<1x2x128xi32, #tpu.memory_space<hbm>> -> memref<2x128xi32, #tpu.memory_space<hbm>>
    %dma_start3A_200 = arith.constant 0 : i32
    %dma_start3A_201 = tpu.memref_slice %arg3[%add3A_194, %mul3A_196, %dma_start3A_200] : memref<16x32x128xi32, #tpu.memory_space<hbm>> -> memref<1x2x128xi32, #tpu.memory_space<hbm>>
    %dma_start3A_202 = tpu.memref_squeeze %dma_start3A_201 : memref<1x2x128xi32, #tpu.memory_space<hbm>> -> memref<2x128xi32, #tpu.memory_space<hbm>>
    tpu.enqueue_dma source(%dma_start3A_202 : memref<2x128xi32, #tpu.memory_space<hbm>>) target(%arg5 : memref<2x128xi32, #tpu.memory_space<vmem>>) target_semaphore(%arg9 : memref<!tpu.dma_semaphore, #tpu.memory_space<semaphore_mem>>)
    %mul3A_203 = arith.constant 256 : i32
    %mul3A_204 = arith.muli %arg1, %mul3A_203 : i32
    %dma_start3A_205 = arith.constant 0 : i32
    %dma_start3A_206 = tpu.memref_slice %arg2[%add3A_194, %mul3A_204, %dma_start3A_205] : memref<16x4096x128xf32, #tpu.memory_space<hbm>> -> memref<1x256x128xf32, #tpu.memory_space<hbm>>
    %dma_start3A_207 = tpu.memref_squeeze %dma_start3A_206 : memref<1x256x128xf32, #tpu.memory_space<hbm>> -> memref<256x128xf32, #tpu.memory_space<hbm>>
    %dma_start3A_208 = arith.constant 0 : i32
    %dma_start3A_209 = tpu.memref_slice %arg2[%add3A_194, %mul3A_204, %dma_start3A_208] : memref<16x4096x128xf32, #tpu.memory_space<hbm>> -> memref<1x256x128xf32, #tpu.memory_space<hbm>>
    %dma_start3A_210 = tpu.memref_squeeze %dma_start3A_209 : memref<1x256x128xf32, #tpu.memory_space<hbm>> -> memref<256x128xf32, #tpu.memory_space<hbm>>
    tpu.enqueue_dma source(%dma_start3A_210 : memref<256x128xf32, #tpu.memory_space<hbm>>) target(%arg6 : memref<256x128xf32, #tpu.memory_space<vmem>>) target_semaphore(%arg9 : memref<!tpu.dma_semaphore, #tpu.memory_space<semaphore_mem>>)
    %add3A_211 = arith.constant 0 : i32
    %add3A_212 = arith.addi %mul3A_5, %add3A_211 : i32
    "tpu.region"() ({
      %run_scoped3A_385 = tpu.sem_alloc : memref<!tpu.dma_semaphore, #tpu.memory_space<semaphore_mem>>
      %dma_start3A_386 = arith.constant 0 : i32
      %dma_start3A_387 = tpu.memref_slice %arg10[%add3A_212, %dma_start3A_386] : memref<4104x128xf32, #tpu.memory_space<vmem_shared>> -> memref<64x128xf32, #tpu.memory_space<vmem_shared>>
      %dma_start3A_388 = arith.constant 0 : i32
      %dma_start3A_389 = tpu.memref_slice %arg10[%add3A_212, %dma_start3A_388] : memref<4104x128xf32, #tpu.memory_space<vmem_shared>> -> memref<64x128xf32, #tpu.memory_space<vmem_shared>>
      tpu.enqueue_dma source(%arg7 : memref<64x128xf32, #tpu.memory_space<vmem>>) target(%dma_start3A_389 : memref<64x128xf32, #tpu.memory_space<vmem_shared>>) target_semaphore(%run_scoped3A_385 : memref<!tpu.dma_semaphore, #tpu.memory_space<semaphore_mem>>)
      %dma_wait3A_390 = arith.constant 0 : i32
      %dma_wait3A_391 = tpu.memref_slice %arg10[%add3A_212, %dma_wait3A_390] : memref<4104x128xf32, #tpu.memory_space<vmem_shared>> -> memref<64x128xf32, #tpu.memory_space<vmem_shared>>
      %dma_wait3A_392 = arith.constant 0 : i32
      %dma_wait3A_393 = tpu.memref_slice %arg10[%add3A_212, %dma_wait3A_392] : memref<4104x128xf32, #tpu.memory_space<vmem_shared>> -> memref<64x128xf32, #tpu.memory_space<vmem_shared>>
      tpu.wait_dma2 semaphore(%run_scoped3A_385 : memref<!tpu.dma_semaphore, #tpu.memory_space<semaphore_mem>>) src(%arg7 : memref<64x128xf32, #tpu.memory_space<vmem>>) dst(%dma_wait3A_393 : memref<64x128xf32, #tpu.memory_space<vmem_shared>>)
      tpu.yield
    }) : () -> ()
    %add3A_213 = arith.constant 64 : i32
    %add3A_214 = arith.addi %mul3A_5, %add3A_213 : i32
    "tpu.region"() ({
      %run_scoped3A_385 = tpu.sem_alloc : memref<!tpu.dma_semaphore, #tpu.memory_space<semaphore_mem>>
      %dma_start3A_386 = arith.constant 0 : i32
      %dma_start3A_387 = tpu.memref_slice %arg10[%add3A_214, %dma_start3A_386] : memref<4104x128xf32, #tpu.memory_space<vmem_shared>> -> memref<64x128xf32, #tpu.memory_space<vmem_shared>>
      %dma_start3A_388 = arith.constant 0 : i32
      %dma_start3A_389 = tpu.memref_slice %arg10[%add3A_214, %dma_start3A_388] : memref<4104x128xf32, #tpu.memory_space<vmem_shared>> -> memref<64x128xf32, #tpu.memory_space<vmem_shared>>
      tpu.enqueue_dma source(%arg7 : memref<64x128xf32, #tpu.memory_space<vmem>>) target(%dma_start3A_389 : memref<64x128xf32, #tpu.memory_space<vmem_shared>>) target_semaphore(%run_scoped3A_385 : memref<!tpu.dma_semaphore, #tpu.memory_space<semaphore_mem>>)
      %dma_wait3A_390 = arith.constant 0 : i32
      %dma_wait3A_391 = tpu.memref_slice %arg10[%add3A_214, %dma_wait3A_390] : memref<4104x128xf32, #tpu.memory_space<vmem_shared>> -> memref<64x128xf32, #tpu.memory_space<vmem_shared>>
      %dma_wait3A_392 = arith.constant 0 : i32
      %dma_wait3A_393 = tpu.memref_slice %arg10[%add3A_214, %dma_wait3A_392] : memref<4104x128xf32, #tpu.memory_space<vmem_shared>> -> memref<64x128xf32, #tpu.memory_space<vmem_shared>>
      tpu.wait_dma2 semaphore(%run_scoped3A_385 : memref<!tpu.dma_semaphore, #tpu.memory_space<semaphore_mem>>) src(%arg7 : memref<64x128xf32, #tpu.memory_space<vmem>>) dst(%dma_wait3A_393 : memref<64x128xf32, #tpu.memory_space<vmem_shared>>)
      tpu.yield
    }) : () -> ()
    %add3A_215 = arith.constant 128 : i32
    %add3A_216 = arith.addi %mul3A_5, %add3A_215 : i32
    "tpu.region"() ({
      %run_scoped3A_385 = tpu.sem_alloc : memref<!tpu.dma_semaphore, #tpu.memory_space<semaphore_mem>>
      %dma_start3A_386 = arith.constant 0 : i32
      %dma_start3A_387 = tpu.memref_slice %arg10[%add3A_216, %dma_start3A_386] : memref<4104x128xf32, #tpu.memory_space<vmem_shared>> -> memref<64x128xf32, #tpu.memory_space<vmem_shared>>
      %dma_start3A_388 = arith.constant 0 : i32
      %dma_start3A_389 = tpu.memref_slice %arg10[%add3A_216, %dma_start3A_388] : memref<4104x128xf32, #tpu.memory_space<vmem_shared>> -> memref<64x128xf32, #tpu.memory_space<vmem_shared>>
      tpu.enqueue_dma source(%arg7 : memref<64x128xf32, #tpu.memory_space<vmem>>) target(%dma_start3A_389 : memref<64x128xf32, #tpu.memory_space<vmem_shared>>) target_semaphore(%run_scoped3A_385 : memref<!tpu.dma_semaphore, #tpu.memory_space<semaphore_mem>>)
      %dma_wait3A_390 = arith.constant 0 : i32
      %dma_wait3A_391 = tpu.memref_slice %arg10[%add3A_216, %dma_wait3A_390] : memref<4104x128xf32, #tpu.memory_space<vmem_shared>> -> memref<64x128xf32, #tpu.memory_space<vmem_shared>>
      %dma_wait3A_392 = arith.constant 0 : i32
      %dma_wait3A_393 = tpu.memref_slice %arg10[%add3A_216, %dma_wait3A_392] : memref<4104x128xf32, #tpu.memory_space<vmem_shared>> -> memref<64x128xf32, #tpu.memory_space<vmem_shared>>
      tpu.wait_dma2 semaphore(%run_scoped3A_385 : memref<!tpu.dma_semaphore, #tpu.memory_space<semaphore_mem>>) src(%arg7 : memref<64x128xf32, #tpu.memory_space<vmem>>) dst(%dma_wait3A_393 : memref<64x128xf32, #tpu.memory_space<vmem_shared>>)
      tpu.yield
    }) : () -> ()
    %add3A_217 = arith.constant 192 : i32
    %add3A_218 = arith.addi %mul3A_5, %add3A_217 : i32
    "tpu.region"() ({
      %run_scoped3A_385 = tpu.sem_alloc : memref<!tpu.dma_semaphore, #tpu.memory_space<semaphore_mem>>
      %dma_start3A_386 = arith.constant 0 : i32
      %dma_start3A_387 = tpu.memref_slice %arg10[%add3A_218, %dma_start3A_386] : memref<4104x128xf32, #tpu.memory_space<vmem_shared>> -> memref<64x128xf32, #tpu.memory_space<vmem_shared>>
      %dma_start3A_388 = arith.constant 0 : i32
      %dma_start3A_389 = tpu.memref_slice %arg10[%add3A_218, %dma_start3A_388] : memref<4104x128xf32, #tpu.memory_space<vmem_shared>> -> memref<64x128xf32, #tpu.memory_space<vmem_shared>>
      tpu.enqueue_dma source(%arg7 : memref<64x128xf32, #tpu.memory_space<vmem>>) target(%dma_start3A_389 : memref<64x128xf32, #tpu.memory_space<vmem_shared>>) target_semaphore(%run_scoped3A_385 : memref<!tpu.dma_semaphore, #tpu.memory_space<semaphore_mem>>)
      %dma_wait3A_390 = arith.constant 0 : i32
      %dma_wait3A_391 = tpu.memref_slice %arg10[%add3A_218, %dma_wait3A_390] : memref<4104x128xf32, #tpu.memory_space<vmem_shared>> -> memref<64x128xf32, #tpu.memory_space<vmem_shared>>
      %dma_wait3A_392 = arith.constant 0 : i32
      %dma_wait3A_393 = tpu.memref_slice %arg10[%add3A_218, %dma_wait3A_392] : memref<4104x128xf32, #tpu.memory_space<vmem_shared>> -> memref<64x128xf32, #tpu.memory_space<vmem_shared>>
      tpu.wait_dma2 semaphore(%run_scoped3A_385 : memref<!tpu.dma_semaphore, #tpu.memory_space<semaphore_mem>>) src(%arg7 : memref<64x128xf32, #tpu.memory_space<vmem>>) dst(%dma_wait3A_393 : memref<64x128xf32, #tpu.memory_space<vmem_shared>>)
      tpu.yield
    }) : () -> ()
    %barrier3A_219 = arith.constant 0 : index
    tpu.barrier barrier_id(%barrier3A_219)
    %dma_wait3A_220 = arith.constant 0 : i32
    %dma_wait3A_221 = tpu.memref_slice %arg3[%add3A_194, %mul3A_196, %dma_wait3A_220] : memref<16x32x128xi32, #tpu.memory_space<hbm>> -> memref<1x2x128xi32, #tpu.memory_space<hbm>>
    %dma_wait3A_222 = tpu.memref_squeeze %dma_wait3A_221 : memref<1x2x128xi32, #tpu.memory_space<hbm>> -> memref<2x128xi32, #tpu.memory_space<hbm>>
    %dma_wait3A_223 = arith.constant 0 : i32
    %dma_wait3A_224 = tpu.memref_slice %arg3[%add3A_194, %mul3A_196, %dma_wait3A_223] : memref<16x32x128xi32, #tpu.memory_space<hbm>> -> memref<1x2x128xi32, #tpu.memory_space<hbm>>
    %dma_wait3A_225 = tpu.memref_squeeze %dma_wait3A_224 : memref<1x2x128xi32, #tpu.memory_space<hbm>> -> memref<2x128xi32, #tpu.memory_space<hbm>>
    tpu.wait_dma2 semaphore(%arg9 : memref<!tpu.dma_semaphore, #tpu.memory_space<semaphore_mem>>) src(%dma_wait3A_225 : memref<2x128xi32, #tpu.memory_space<hbm>>) dst(%arg5 : memref<2x128xi32, #tpu.memory_space<vmem>>)
    %dma_wait3A_226 = arith.constant 0 : i32
    %dma_wait3A_227 = tpu.memref_slice %arg2[%add3A_194, %mul3A_204, %dma_wait3A_226] : memref<16x4096x128xf32, #tpu.memory_space<hbm>> -> memref<1x256x128xf32, #tpu.memory_space<hbm>>
    %dma_wait3A_228 = tpu.memref_squeeze %dma_wait3A_227 : memref<1x256x128xf32, #tpu.memory_space<hbm>> -> memref<256x128xf32, #tpu.memory_space<hbm>>
    %dma_wait3A_229 = arith.constant 0 : i32
    %dma_wait3A_230 = tpu.memref_slice %arg2[%add3A_194, %mul3A_204, %dma_wait3A_229] : memref<16x4096x128xf32, #tpu.memory_space<hbm>> -> memref<1x256x128xf32, #tpu.memory_space<hbm>>
    %dma_wait3A_231 = tpu.memref_squeeze %dma_wait3A_230 : memref<1x256x128xf32, #tpu.memory_space<hbm>> -> memref<256x128xf32, #tpu.memory_space<hbm>>
    tpu.wait_dma2 semaphore(%arg9 : memref<!tpu.dma_semaphore, #tpu.memory_space<semaphore_mem>>) src(%dma_wait3A_231 : memref<256x128xf32, #tpu.memory_space<hbm>>) dst(%arg6 : memref<256x128xf32, #tpu.memory_space<vmem>>)
    %run_scoped3A_232 = arith.constant 0 : i32
    "tpu.region"() ({
      %run_scoped3A_385 = tpu.sem_alloc : memref<!tpu.dma_semaphore, #tpu.memory_space<semaphore_mem>>
      %dma_start3A_386 = arith.constant 0 : i32
      %dma_start3A_387 = arith.constant 0 : i32
      %dma_start3A_388 = tpu.memref_slice %arg6[%dma_start3A_386, %dma_start3A_387] : memref<256x128xf32, #tpu.memory_space<vmem>> -> memref<128x128xf32, #tpu.memory_space<vmem>>
      %dma_start3A_389 = arith.constant 0 : i32
      %dma_start3A_390 = tpu.memref_slice %arg5[%run_scoped3A_232, %dma_start3A_389] : memref<2x128xi32, #tpu.memory_space<vmem>> -> memref<1x128xi32, #tpu.memory_space<vmem>>
      %dma_start3A_391 = tpu.memref_squeeze %dma_start3A_390 : memref<1x128xi32, #tpu.memory_space<vmem>> -> memref<128xi32, #tpu.memory_space<vmem>>
      %dma_start3A_392 = arith.constant 0 : i32
      %dma_start3A_393 = arith.constant 0 : i32
      %dma_start3A_394 = tpu.memref_slice %arg10[%dma_start3A_392, %dma_start3A_393] : memref<4104x128xf32, #tpu.memory_space<vmem_shared>> -> memref<4104x128xf32, #tpu.memory_space<vmem_shared>>
      tpu.enqueue_indirect_dma source(%dma_start3A_388 : memref<128x128xf32, #tpu.memory_space<vmem>>) target(%dma_start3A_394 : memref<4104x128xf32, #tpu.memory_space<vmem_shared>>) offsets(%dma_start3A_391 : memref<128xi32, #tpu.memory_space<vmem>>) semaphore(%run_scoped3A_385 : memref<!tpu.dma_semaphore, #tpu.memory_space<semaphore_mem>>) {add = true}
      %dma_wait3A_395 = arith.constant 0 : i32
      %dma_wait3A_396 = arith.constant 0 : i32
      %dma_wait3A_397 = tpu.memref_slice %arg6[%dma_wait3A_395, %dma_wait3A_396] : memref<256x128xf32, #tpu.memory_space<vmem>> -> memref<128x128xf32, #tpu.memory_space<vmem>>
      %dma_wait3A_398 = arith.constant 0 : i32
      %dma_wait3A_399 = tpu.memref_slice %arg5[%run_scoped3A_232, %dma_wait3A_398] : memref<2x128xi32, #tpu.memory_space<vmem>> -> memref<1x128xi32, #tpu.memory_space<vmem>>
      %dma_wait3A_400 = tpu.memref_squeeze %dma_wait3A_399 : memref<1x128xi32, #tpu.memory_space<vmem>> -> memref<128xi32, #tpu.memory_space<vmem>>
      %dma_wait3A_401 = arith.constant 0 : i32
      %dma_wait3A_402 = arith.constant 0 : i32
      %dma_wait3A_403 = tpu.memref_slice %arg10[%dma_wait3A_401, %dma_wait3A_402] : memref<4104x128xf32, #tpu.memory_space<vmem_shared>> -> memref<4104x128xf32, #tpu.memory_space<vmem_shared>>
      tpu.wait_indirect_dma semaphore(%run_scoped3A_385 : memref<!tpu.dma_semaphore, #tpu.memory_space<semaphore_mem>>) src(%dma_wait3A_397 : memref<128x128xf32, #tpu.memory_space<vmem>>) dst(%dma_wait3A_403 : memref<4104x128xf32, #tpu.memory_space<vmem_shared>>)
      tpu.yield
    }) : () -> ()
    %run_scoped3A_233 = arith.constant 1 : i32
    "tpu.region"() ({
      %run_scoped3A_385 = tpu.sem_alloc : memref<!tpu.dma_semaphore, #tpu.memory_space<semaphore_mem>>
      %dma_start3A_386 = arith.constant 128 : i32
      %dma_start3A_387 = arith.constant 0 : i32
      %dma_start3A_388 = tpu.memref_slice %arg6[%dma_start3A_386, %dma_start3A_387] : memref<256x128xf32, #tpu.memory_space<vmem>> -> memref<128x128xf32, #tpu.memory_space<vmem>>
      %dma_start3A_389 = arith.constant 0 : i32
      %dma_start3A_390 = tpu.memref_slice %arg5[%run_scoped3A_233, %dma_start3A_389] : memref<2x128xi32, #tpu.memory_space<vmem>> -> memref<1x128xi32, #tpu.memory_space<vmem>>
      %dma_start3A_391 = tpu.memref_squeeze %dma_start3A_390 : memref<1x128xi32, #tpu.memory_space<vmem>> -> memref<128xi32, #tpu.memory_space<vmem>>
      %dma_start3A_392 = arith.constant 0 : i32
      %dma_start3A_393 = arith.constant 0 : i32
      %dma_start3A_394 = tpu.memref_slice %arg10[%dma_start3A_392, %dma_start3A_393] : memref<4104x128xf32, #tpu.memory_space<vmem_shared>> -> memref<4104x128xf32, #tpu.memory_space<vmem_shared>>
      tpu.enqueue_indirect_dma source(%dma_start3A_388 : memref<128x128xf32, #tpu.memory_space<vmem>>) target(%dma_start3A_394 : memref<4104x128xf32, #tpu.memory_space<vmem_shared>>) offsets(%dma_start3A_391 : memref<128xi32, #tpu.memory_space<vmem>>) semaphore(%run_scoped3A_385 : memref<!tpu.dma_semaphore, #tpu.memory_space<semaphore_mem>>) {add = true}
      %dma_wait3A_395 = arith.constant 128 : i32
      %dma_wait3A_396 = arith.constant 0 : i32
      %dma_wait3A_397 = tpu.memref_slice %arg6[%dma_wait3A_395, %dma_wait3A_396] : memref<256x128xf32, #tpu.memory_space<vmem>> -> memref<128x128xf32, #tpu.memory_space<vmem>>
      %dma_wait3A_398 = arith.constant 0 : i32
      %dma_wait3A_399 = tpu.memref_slice %arg5[%run_scoped3A_233, %dma_wait3A_398] : memref<2x128xi32, #tpu.memory_space<vmem>> -> memref<1x128xi32, #tpu.memory_space<vmem>>
      %dma_wait3A_400 = tpu.memref_squeeze %dma_wait3A_399 : memref<1x128xi32, #tpu.memory_space<vmem>> -> memref<128xi32, #tpu.memory_space<vmem>>
      %dma_wait3A_401 = arith.constant 0 : i32
      %dma_wait3A_402 = arith.constant 0 : i32
      %dma_wait3A_403 = tpu.memref_slice %arg10[%dma_wait3A_401, %dma_wait3A_402] : memref<4104x128xf32, #tpu.memory_space<vmem_shared>> -> memref<4104x128xf32, #tpu.memory_space<vmem_shared>>
      tpu.wait_indirect_dma semaphore(%run_scoped3A_385 : memref<!tpu.dma_semaphore, #tpu.memory_space<semaphore_mem>>) src(%dma_wait3A_397 : memref<128x128xf32, #tpu.memory_space<vmem>>) dst(%dma_wait3A_403 : memref<4104x128xf32, #tpu.memory_space<vmem_shared>>)
      tpu.yield
    }) : () -> ()
    %barrier3A_234 = arith.constant 0 : index
    tpu.barrier barrier_id(%barrier3A_234)
    "tpu.region"() ({
      %run_scoped3A_385 = tpu.sem_alloc : memref<!tpu.dma_semaphore, #tpu.memory_space<semaphore_mem>>
      %dma_start3A_386 = arith.constant 0 : i32
      %dma_start3A_387 = tpu.memref_slice %arg10[%mul3A_5, %dma_start3A_386] : memref<4104x128xf32, #tpu.memory_space<vmem_shared>> -> memref<256x128xf32, #tpu.memory_space<vmem_shared>>
      %dma_start3A_388 = arith.constant 0 : i32
      %dma_start3A_389 = tpu.memref_slice %arg10[%mul3A_5, %dma_start3A_388] : memref<4104x128xf32, #tpu.memory_space<vmem_shared>> -> memref<256x128xf32, #tpu.memory_space<vmem_shared>>
      tpu.enqueue_dma source(%dma_start3A_389 : memref<256x128xf32, #tpu.memory_space<vmem_shared>>) target(%arg6 : memref<256x128xf32, #tpu.memory_space<vmem>>) target_semaphore(%run_scoped3A_385 : memref<!tpu.dma_semaphore, #tpu.memory_space<semaphore_mem>>)
      %dma_wait3A_390 = arith.constant 0 : i32
      %dma_wait3A_391 = tpu.memref_slice %arg10[%mul3A_5, %dma_wait3A_390] : memref<4104x128xf32, #tpu.memory_space<vmem_shared>> -> memref<256x128xf32, #tpu.memory_space<vmem_shared>>
      %dma_wait3A_392 = arith.constant 0 : i32
      %dma_wait3A_393 = tpu.memref_slice %arg10[%mul3A_5, %dma_wait3A_392] : memref<4104x128xf32, #tpu.memory_space<vmem_shared>> -> memref<256x128xf32, #tpu.memory_space<vmem_shared>>
      tpu.wait_dma2 semaphore(%run_scoped3A_385 : memref<!tpu.dma_semaphore, #tpu.memory_space<semaphore_mem>>) src(%dma_wait3A_393 : memref<256x128xf32, #tpu.memory_space<vmem_shared>>) dst(%arg6 : memref<256x128xf32, #tpu.memory_space<vmem>>)
      tpu.yield
    }) : () -> ()
    %scan3A_235 = arith.constant 0 : i32
    %scan3A_236 = arith.constant 0 : i32
    %scan3A_237 = arith.constant 256 : i32
    %scan3A_238 = arith.addi %scan3A_236, %scan3A_237 : i32
    %scan3A_239 = arith.constant 1 : i32
    scf.for %scan3A_385 = %scan3A_236 to %scan3A_238 step %scan3A_239  : i32 {
      %get3A = arith.index_cast %scan3A_385 : i32 to index
      %get3A_386 = arith.constant 0 : index
      %get3A_387 = tpu.vector_load %arg6[%get3A, %get3A_386] {strides = array<i32>} : memref<256x128xf32, #tpu.memory_space<vmem>>, vector<1x16xf32>,
      %get3A_388 = vector.shape_cast %get3A_387 : vector<1x16xf32> to vector<16xf32>
      %swap3A = arith.index_cast %scan3A_385 : i32 to index
      %swap3A_389 = arith.constant 0 : index
      %swap3A_390 = tpu.vector_load %arg8[%swap3A, %swap3A_389] {strides = array<i32>} : memref<256x72xf32, #tpu.memory_space<vmem>>, vector<1x16xf32>,
      %swap3A_391 = vector.shape_cast %swap3A_390 : vector<1x16xf32> to vector<16xf32>
      %swap3A_392 = vector.shape_cast %get3A_388 : vector<16xf32> to vector<1x16xf32>
      tpu.vector_store %arg8[%swap3A, %swap3A_389], %swap3A_392 {strides = array<i32>} : memref<256x72xf32, #tpu.memory_space<vmem>>, vector<1x16xf32>,
      %get3A_393 = arith.index_cast %scan3A_385 : i32 to index
      %get3A_394 = arith.constant 16 : index
      %get3A_395 = tpu.vector_load %arg6[%get3A_393, %get3A_394] {strides = array<i32>} : memref<256x128xf32, #tpu.memory_space<vmem>>, vector<1x16xf32>,
      %get3A_396 = vector.shape_cast %get3A_395 : vector<1x16xf32> to vector<16xf32>
      %swap3A_397 = arith.index_cast %scan3A_385 : i32 to index
      %swap3A_398 = arith.constant 16 : index
      %swap3A_399 = tpu.vector_load %arg8[%swap3A_397, %swap3A_398] {strides = array<i32>} : memref<256x72xf32, #tpu.memory_space<vmem>>, vector<1x16xf32>,
      %swap3A_400 = vector.shape_cast %swap3A_399 : vector<1x16xf32> to vector<16xf32>
      %swap3A_401 = vector.shape_cast %get3A_396 : vector<16xf32> to vector<1x16xf32>
      tpu.vector_store %arg8[%swap3A_397, %swap3A_398], %swap3A_401 {strides = array<i32>} : memref<256x72xf32, #tpu.memory_space<vmem>>, vector<1x16xf32>,
      %get3A_402 = arith.index_cast %scan3A_385 : i32 to index
      %get3A_403 = arith.constant 32 : index
      %get3A_404 = tpu.vector_load %arg6[%get3A_402, %get3A_403] {strides = array<i32>} : memref<256x128xf32, #tpu.memory_space<vmem>>, vector<1x16xf32>,
      %get3A_405 = vector.shape_cast %get3A_404 : vector<1x16xf32> to vector<16xf32>
      %swap3A_406 = arith.index_cast %scan3A_385 : i32 to index
      %swap3A_407 = arith.constant 32 : index
      %swap3A_408 = tpu.vector_load %arg8[%swap3A_406, %swap3A_407] {strides = array<i32>} : memref<256x72xf32, #tpu.memory_space<vmem>>, vector<1x16xf32>,
      %swap3A_409 = vector.shape_cast %swap3A_408 : vector<1x16xf32> to vector<16xf32>
      %swap3A_410 = vector.shape_cast %get3A_405 : vector<16xf32> to vector<1x16xf32>
      tpu.vector_store %arg8[%swap3A_406, %swap3A_407], %swap3A_410 {strides = array<i32>} : memref<256x72xf32, #tpu.memory_space<vmem>>, vector<1x16xf32>,
      %get3A_411 = arith.index_cast %scan3A_385 : i32 to index
      %get3A_412 = arith.constant 48 : index
      %get3A_413 = tpu.vector_load %arg6[%get3A_411, %get3A_412] {strides = array<i32>} : memref<256x128xf32, #tpu.memory_space<vmem>>, vector<1x16xf32>,
      %get3A_414 = vector.shape_cast %get3A_413 : vector<1x16xf32> to vector<16xf32>
      %swap3A_415 = arith.index_cast %scan3A_385 : i32 to index
      %swap3A_416 = arith.constant 48 : index
      %swap3A_417 = tpu.vector_load %arg8[%swap3A_415, %swap3A_416] {strides = array<i32>} : memref<256x72xf32, #tpu.memory_space<vmem>>, vector<1x16xf32>,
      %swap3A_418 = vector.shape_cast %swap3A_417 : vector<1x16xf32> to vector<16xf32>
      %swap3A_419 = vector.shape_cast %get3A_414 : vector<16xf32> to vector<1x16xf32>
      tpu.vector_store %arg8[%swap3A_415, %swap3A_416], %swap3A_419 {strides = array<i32>} : memref<256x72xf32, #tpu.memory_space<vmem>>, vector<1x16xf32>,
      %get3A_420 = arith.index_cast %scan3A_385 : i32 to index
      %get3A_421 = arith.constant 56 : index
      %get3A_422 = tpu.vector_load %arg6[%get3A_420, %get3A_421] {strides = array<i32>} : memref<256x128xf32, #tpu.memory_space<vmem>>, vector<1x16xf32>,
      %get3A_423 = vector.shape_cast %get3A_422 : vector<1x16xf32> to vector<16xf32>
      %swap3A_424 = arith.index_cast %scan3A_385 : i32 to index
      %swap3A_425 = arith.constant 56 : index
      %swap3A_426 = tpu.vector_load %arg8[%swap3A_424, %swap3A_425] {strides = array<i32>} : memref<256x72xf32, #tpu.memory_space<vmem>>, vector<1x16xf32>,
      %swap3A_427 = vector.shape_cast %swap3A_426 : vector<1x16xf32> to vector<16xf32>
      %swap3A_428 = vector.shape_cast %get3A_423 : vector<16xf32> to vector<1x16xf32>
      tpu.vector_store %arg8[%swap3A_424, %swap3A_425], %swap3A_428 {strides = array<i32>} : memref<256x72xf32, #tpu.memory_space<vmem>>, vector<1x16xf32>,
    }
    %scan3A_240 = arith.constant 256 : i32
    "tpu.region"() ({
      %run_scoped3A_385 = tpu.sem_alloc : memref<!tpu.dma_semaphore, #tpu.memory_space<semaphore_mem>>
      %dma_start3A_386 = arith.constant 0 : i32
      %dma_start3A_387 = tpu.memref_slice %arg4[%add3A_194, %mul3A_5, %dma_start3A_386] : memref<16x4096x72xf32, #tpu.memory_space<hbm>> -> memref<1x256x72xf32, #tpu.memory_space<hbm>>
      %dma_start3A_388 = tpu.memref_squeeze %dma_start3A_387 : memref<1x256x72xf32, #tpu.memory_space<hbm>> -> memref<256x72xf32, #tpu.memory_space<hbm>>
      %dma_start3A_389 = arith.constant 0 : i32
      %dma_start3A_390 = tpu.memref_slice %arg4[%add3A_194, %mul3A_5, %dma_start3A_389] : memref<16x4096x72xf32, #tpu.memory_space<hbm>> -> memref<1x256x72xf32, #tpu.memory_space<hbm>>
      %dma_start3A_391 = tpu.memref_squeeze %dma_start3A_390 : memref<1x256x72xf32, #tpu.memory_space<hbm>> -> memref<256x72xf32, #tpu.memory_space<hbm>>
      tpu.enqueue_dma source(%arg8 : memref<256x72xf32, #tpu.memory_space<vmem>>) target(%dma_start3A_391 : memref<256x72xf32, #tpu.memory_space<hbm>>) target_semaphore(%run_scoped3A_385 : memref<!tpu.dma_semaphore, #tpu.memory_space<semaphore_mem>>)
      %dma_wait3A_392 = arith.constant 0 : i32
      %dma_wait3A_393 = tpu.memref_slice %arg4[%add3A_194, %mul3A_5, %dma_wait3A_392] : memref<16x4096x72xf32, #tpu.memory_space<hbm>> -> memref<1x256x72xf32, #tpu.memory_space<hbm>>
      %dma_wait3A_394 = tpu.memref_squeeze %dma_wait3A_393 : memref<1x256x72xf32, #tpu.memory_space<hbm>> -> memref<256x72xf32, #tpu.memory_space<hbm>>
      %dma_wait3A_395 = arith.constant 0 : i32
      %dma_wait3A_396 = tpu.memref_slice %arg4[%add3A_194, %mul3A_5, %dma_wait3A_395] : memref<16x4096x72xf32, #tpu.memory_space<hbm>> -> memref<1x256x72xf32, #tpu.memory_space<hbm>>
      %dma_wait3A_397 = tpu.memref_squeeze %dma_wait3A_396 : memref<1x256x72xf32, #tpu.memory_space<hbm>> -> memref<256x72xf32, #tpu.memory_space<hbm>>
      tpu.wait_dma2 semaphore(%run_scoped3A_385 : memref<!tpu.dma_semaphore, #tpu.memory_space<semaphore_mem>>) src(%arg8 : memref<256x72xf32, #tpu.memory_space<vmem>>) dst(%dma_wait3A_397 : memref<256x72xf32, #tpu.memory_space<hbm>>)
      tpu.yield
    }) : () -> ()
    %add3A_241 = arith.constant 10 : i32
    %add3A_242 = arith.addi %add3A_241, %arg0 : i32
    %mul3A_243 = arith.constant 2 : i32
    %mul3A_244 = arith.muli %arg1, %mul3A_243 : i32
    %dma_start3A_245 = arith.constant 0 : i32
    %dma_start3A_246 = tpu.memref_slice %arg3[%add3A_242, %mul3A_244, %dma_start3A_245] : memref<16x32x128xi32, #tpu.memory_space<hbm>> -> memref<1x2x128xi32, #tpu.memory_space<hbm>>
    %dma_start3A_247 = tpu.memref_squeeze %dma_start3A_246 : memref<1x2x128xi32, #tpu.memory_space<hbm>> -> memref<2x128xi32, #tpu.memory_space<hbm>>
    %dma_start3A_248 = arith.constant 0 : i32
    %dma_start3A_249 = tpu.memref_slice %arg3[%add3A_242, %mul3A_244, %dma_start3A_248] : memref<16x32x128xi32, #tpu.memory_space<hbm>> -> memref<1x2x128xi32, #tpu.memory_space<hbm>>
    %dma_start3A_250 = tpu.memref_squeeze %dma_start3A_249 : memref<1x2x128xi32, #tpu.memory_space<hbm>> -> memref<2x128xi32, #tpu.memory_space<hbm>>
    tpu.enqueue_dma source(%dma_start3A_250 : memref<2x128xi32, #tpu.memory_space<hbm>>) target(%arg5 : memref<2x128xi32, #tpu.memory_space<vmem>>) target_semaphore(%arg9 : memref<!tpu.dma_semaphore, #tpu.memory_space<semaphore_mem>>)
    %mul3A_251 = arith.constant 256 : i32
    %mul3A_252 = arith.muli %arg1, %mul3A_251 : i32
    %dma_start3A_253 = arith.constant 0 : i32
    %dma_start3A_254 = tpu.memref_slice %arg2[%add3A_242, %mul3A_252, %dma_start3A_253] : memref<16x4096x128xf32, #tpu.memory_space<hbm>> -> memref<1x256x128xf32, #tpu.memory_space<hbm>>
    %dma_start3A_255 = tpu.memref_squeeze %dma_start3A_254 : memref<1x256x128xf32, #tpu.memory_space<hbm>> -> memref<256x128xf32, #tpu.memory_space<hbm>>
    %dma_start3A_256 = arith.constant 0 : i32
    %dma_start3A_257 = tpu.memref_slice %arg2[%add3A_242, %mul3A_252, %dma_start3A_256] : memref<16x4096x128xf32, #tpu.memory_space<hbm>> -> memref<1x256x128xf32, #tpu.memory_space<hbm>>
    %dma_start3A_258 = tpu.memref_squeeze %dma_start3A_257 : memref<1x256x128xf32, #tpu.memory_space<hbm>> -> memref<256x128xf32, #tpu.memory_space<hbm>>
    tpu.enqueue_dma source(%dma_start3A_258 : memref<256x128xf32, #tpu.memory_space<hbm>>) target(%arg6 : memref<256x128xf32, #tpu.memory_space<vmem>>) target_semaphore(%arg9 : memref<!tpu.dma_semaphore, #tpu.memory_space<semaphore_mem>>)
    %add3A_259 = arith.constant 0 : i32
    %add3A_260 = arith.addi %mul3A_5, %add3A_259 : i32
    "tpu.region"() ({
      %run_scoped3A_385 = tpu.sem_alloc : memref<!tpu.dma_semaphore, #tpu.memory_space<semaphore_mem>>
      %dma_start3A_386 = arith.constant 0 : i32
      %dma_start3A_387 = tpu.memref_slice %arg10[%add3A_260, %dma_start3A_386] : memref<4104x128xf32, #tpu.memory_space<vmem_shared>> -> memref<64x128xf32, #tpu.memory_space<vmem_shared>>
      %dma_start3A_388 = arith.constant 0 : i32
      %dma_start3A_389 = tpu.memref_slice %arg10[%add3A_260, %dma_start3A_388] : memref<4104x128xf32, #tpu.memory_space<vmem_shared>> -> memref<64x128xf32, #tpu.memory_space<vmem_shared>>
      tpu.enqueue_dma source(%arg7 : memref<64x128xf32, #tpu.memory_space<vmem>>) target(%dma_start3A_389 : memref<64x128xf32, #tpu.memory_space<vmem_shared>>) target_semaphore(%run_scoped3A_385 : memref<!tpu.dma_semaphore, #tpu.memory_space<semaphore_mem>>)
      %dma_wait3A_390 = arith.constant 0 : i32
      %dma_wait3A_391 = tpu.memref_slice %arg10[%add3A_260, %dma_wait3A_390] : memref<4104x128xf32, #tpu.memory_space<vmem_shared>> -> memref<64x128xf32, #tpu.memory_space<vmem_shared>>
      %dma_wait3A_392 = arith.constant 0 : i32
      %dma_wait3A_393 = tpu.memref_slice %arg10[%add3A_260, %dma_wait3A_392] : memref<4104x128xf32, #tpu.memory_space<vmem_shared>> -> memref<64x128xf32, #tpu.memory_space<vmem_shared>>
      tpu.wait_dma2 semaphore(%run_scoped3A_385 : memref<!tpu.dma_semaphore, #tpu.memory_space<semaphore_mem>>) src(%arg7 : memref<64x128xf32, #tpu.memory_space<vmem>>) dst(%dma_wait3A_393 : memref<64x128xf32, #tpu.memory_space<vmem_shared>>)
      tpu.yield
    }) : () -> ()
    %add3A_261 = arith.constant 64 : i32
    %add3A_262 = arith.addi %mul3A_5, %add3A_261 : i32
    "tpu.region"() ({
      %run_scoped3A_385 = tpu.sem_alloc : memref<!tpu.dma_semaphore, #tpu.memory_space<semaphore_mem>>
      %dma_start3A_386 = arith.constant 0 : i32
      %dma_start3A_387 = tpu.memref_slice %arg10[%add3A_262, %dma_start3A_386] : memref<4104x128xf32, #tpu.memory_space<vmem_shared>> -> memref<64x128xf32, #tpu.memory_space<vmem_shared>>
      %dma_start3A_388 = arith.constant 0 : i32
      %dma_start3A_389 = tpu.memref_slice %arg10[%add3A_262, %dma_start3A_388] : memref<4104x128xf32, #tpu.memory_space<vmem_shared>> -> memref<64x128xf32, #tpu.memory_space<vmem_shared>>
      tpu.enqueue_dma source(%arg7 : memref<64x128xf32, #tpu.memory_space<vmem>>) target(%dma_start3A_389 : memref<64x128xf32, #tpu.memory_space<vmem_shared>>) target_semaphore(%run_scoped3A_385 : memref<!tpu.dma_semaphore, #tpu.memory_space<semaphore_mem>>)
      %dma_wait3A_390 = arith.constant 0 : i32
      %dma_wait3A_391 = tpu.memref_slice %arg10[%add3A_262, %dma_wait3A_390] : memref<4104x128xf32, #tpu.memory_space<vmem_shared>> -> memref<64x128xf32, #tpu.memory_space<vmem_shared>>
      %dma_wait3A_392 = arith.constant 0 : i32
      %dma_wait3A_393 = tpu.memref_slice %arg10[%add3A_262, %dma_wait3A_392] : memref<4104x128xf32, #tpu.memory_space<vmem_shared>> -> memref<64x128xf32, #tpu.memory_space<vmem_shared>>
      tpu.wait_dma2 semaphore(%run_scoped3A_385 : memref<!tpu.dma_semaphore, #tpu.memory_space<semaphore_mem>>) src(%arg7 : memref<64x128xf32, #tpu.memory_space<vmem>>) dst(%dma_wait3A_393 : memref<64x128xf32, #tpu.memory_space<vmem_shared>>)
      tpu.yield
    }) : () -> ()
    %add3A_263 = arith.constant 128 : i32
    %add3A_264 = arith.addi %mul3A_5, %add3A_263 : i32
    "tpu.region"() ({
      %run_scoped3A_385 = tpu.sem_alloc : memref<!tpu.dma_semaphore, #tpu.memory_space<semaphore_mem>>
      %dma_start3A_386 = arith.constant 0 : i32
      %dma_start3A_387 = tpu.memref_slice %arg10[%add3A_264, %dma_start3A_386] : memref<4104x128xf32, #tpu.memory_space<vmem_shared>> -> memref<64x128xf32, #tpu.memory_space<vmem_shared>>
      %dma_start3A_388 = arith.constant 0 : i32
      %dma_start3A_389 = tpu.memref_slice %arg10[%add3A_264, %dma_start3A_388] : memref<4104x128xf32, #tpu.memory_space<vmem_shared>> -> memref<64x128xf32, #tpu.memory_space<vmem_shared>>
      tpu.enqueue_dma source(%arg7 : memref<64x128xf32, #tpu.memory_space<vmem>>) target(%dma_start3A_389 : memref<64x128xf32, #tpu.memory_space<vmem_shared>>) target_semaphore(%run_scoped3A_385 : memref<!tpu.dma_semaphore, #tpu.memory_space<semaphore_mem>>)
      %dma_wait3A_390 = arith.constant 0 : i32
      %dma_wait3A_391 = tpu.memref_slice %arg10[%add3A_264, %dma_wait3A_390] : memref<4104x128xf32, #tpu.memory_space<vmem_shared>> -> memref<64x128xf32, #tpu.memory_space<vmem_shared>>
      %dma_wait3A_392 = arith.constant 0 : i32
      %dma_wait3A_393 = tpu.memref_slice %arg10[%add3A_264, %dma_wait3A_392] : memref<4104x128xf32, #tpu.memory_space<vmem_shared>> -> memref<64x128xf32, #tpu.memory_space<vmem_shared>>
      tpu.wait_dma2 semaphore(%run_scoped3A_385 : memref<!tpu.dma_semaphore, #tpu.memory_space<semaphore_mem>>) src(%arg7 : memref<64x128xf32, #tpu.memory_space<vmem>>) dst(%dma_wait3A_393 : memref<64x128xf32, #tpu.memory_space<vmem_shared>>)
      tpu.yield
    }) : () -> ()
    %add3A_265 = arith.constant 192 : i32
    %add3A_266 = arith.addi %mul3A_5, %add3A_265 : i32
    "tpu.region"() ({
      %run_scoped3A_385 = tpu.sem_alloc : memref<!tpu.dma_semaphore, #tpu.memory_space<semaphore_mem>>
      %dma_start3A_386 = arith.constant 0 : i32
      %dma_start3A_387 = tpu.memref_slice %arg10[%add3A_266, %dma_start3A_386] : memref<4104x128xf32, #tpu.memory_space<vmem_shared>> -> memref<64x128xf32, #tpu.memory_space<vmem_shared>>
      %dma_start3A_388 = arith.constant 0 : i32
      %dma_start3A_389 = tpu.memref_slice %arg10[%add3A_266, %dma_start3A_388] : memref<4104x128xf32, #tpu.memory_space<vmem_shared>> -> memref<64x128xf32, #tpu.memory_space<vmem_shared>>
      tpu.enqueue_dma source(%arg7 : memref<64x128xf32, #tpu.memory_space<vmem>>) target(%dma_start3A_389 : memref<64x128xf32, #tpu.memory_space<vmem_shared>>) target_semaphore(%run_scoped3A_385 : memref<!tpu.dma_semaphore, #tpu.memory_space<semaphore_mem>>)
      %dma_wait3A_390 = arith.constant 0 : i32
      %dma_wait3A_391 = tpu.memref_slice %arg10[%add3A_266, %dma_wait3A_390] : memref<4104x128xf32, #tpu.memory_space<vmem_shared>> -> memref<64x128xf32, #tpu.memory_space<vmem_shared>>
      %dma_wait3A_392 = arith.constant 0 : i32
      %dma_wait3A_393 = tpu.memref_slice %arg10[%add3A_266, %dma_wait3A_392] : memref<4104x128xf32, #tpu.memory_space<vmem_shared>> -> memref<64x128xf32, #tpu.memory_space<vmem_shared>>
      tpu.wait_dma2 semaphore(%run_scoped3A_385 : memref<!tpu.dma_semaphore, #tpu.memory_space<semaphore_mem>>) src(%arg7 : memref<64x128xf32, #tpu.memory_space<vmem>>) dst(%dma_wait3A_393 : memref<64x128xf32, #tpu.memory_space<vmem_shared>>)
      tpu.yield
    }) : () -> ()
    %barrier3A_267 = arith.constant 0 : index
    tpu.barrier barrier_id(%barrier3A_267)
    %dma_wait3A_268 = arith.constant 0 : i32
    %dma_wait3A_269 = tpu.memref_slice %arg3[%add3A_242, %mul3A_244, %dma_wait3A_268] : memref<16x32x128xi32, #tpu.memory_space<hbm>> -> memref<1x2x128xi32, #tpu.memory_space<hbm>>
    %dma_wait3A_270 = tpu.memref_squeeze %dma_wait3A_269 : memref<1x2x128xi32, #tpu.memory_space<hbm>> -> memref<2x128xi32, #tpu.memory_space<hbm>>
    %dma_wait3A_271 = arith.constant 0 : i32
    %dma_wait3A_272 = tpu.memref_slice %arg3[%add3A_242, %mul3A_244, %dma_wait3A_271] : memref<16x32x128xi32, #tpu.memory_space<hbm>> -> memref<1x2x128xi32, #tpu.memory_space<hbm>>
    %dma_wait3A_273 = tpu.memref_squeeze %dma_wait3A_272 : memref<1x2x128xi32, #tpu.memory_space<hbm>> -> memref<2x128xi32, #tpu.memory_space<hbm>>
    tpu.wait_dma2 semaphore(%arg9 : memref<!tpu.dma_semaphore, #tpu.memory_space<semaphore_mem>>) src(%dma_wait3A_273 : memref<2x128xi32, #tpu.memory_space<hbm>>) dst(%arg5 : memref<2x128xi32, #tpu.memory_space<vmem>>)
    %dma_wait3A_274 = arith.constant 0 : i32
    %dma_wait3A_275 = tpu.memref_slice %arg2[%add3A_242, %mul3A_252, %dma_wait3A_274] : memref<16x4096x128xf32, #tpu.memory_space<hbm>> -> memref<1x256x128xf32, #tpu.memory_space<hbm>>
    %dma_wait3A_276 = tpu.memref_squeeze %dma_wait3A_275 : memref<1x256x128xf32, #tpu.memory_space<hbm>> -> memref<256x128xf32, #tpu.memory_space<hbm>>
    %dma_wait3A_277 = arith.constant 0 : i32
    %dma_wait3A_278 = tpu.memref_slice %arg2[%add3A_242, %mul3A_252, %dma_wait3A_277] : memref<16x4096x128xf32, #tpu.memory_space<hbm>> -> memref<1x256x128xf32, #tpu.memory_space<hbm>>
    %dma_wait3A_279 = tpu.memref_squeeze %dma_wait3A_278 : memref<1x256x128xf32, #tpu.memory_space<hbm>> -> memref<256x128xf32, #tpu.memory_space<hbm>>
    tpu.wait_dma2 semaphore(%arg9 : memref<!tpu.dma_semaphore, #tpu.memory_space<semaphore_mem>>) src(%dma_wait3A_279 : memref<256x128xf32, #tpu.memory_space<hbm>>) dst(%arg6 : memref<256x128xf32, #tpu.memory_space<vmem>>)
    %run_scoped3A_280 = arith.constant 0 : i32
    "tpu.region"() ({
      %run_scoped3A_385 = tpu.sem_alloc : memref<!tpu.dma_semaphore, #tpu.memory_space<semaphore_mem>>
      %dma_start3A_386 = arith.constant 0 : i32
      %dma_start3A_387 = arith.constant 0 : i32
      %dma_start3A_388 = tpu.memref_slice %arg6[%dma_start3A_386, %dma_start3A_387] : memref<256x128xf32, #tpu.memory_space<vmem>> -> memref<128x128xf32, #tpu.memory_space<vmem>>
      %dma_start3A_389 = arith.constant 0 : i32
      %dma_start3A_390 = tpu.memref_slice %arg5[%run_scoped3A_280, %dma_start3A_389] : memref<2x128xi32, #tpu.memory_space<vmem>> -> memref<1x128xi32, #tpu.memory_space<vmem>>
      %dma_start3A_391 = tpu.memref_squeeze %dma_start3A_390 : memref<1x128xi32, #tpu.memory_space<vmem>> -> memref<128xi32, #tpu.memory_space<vmem>>
      %dma_start3A_392 = arith.constant 0 : i32
      %dma_start3A_393 = arith.constant 0 : i32
      %dma_start3A_394 = tpu.memref_slice %arg10[%dma_start3A_392, %dma_start3A_393] : memref<4104x128xf32, #tpu.memory_space<vmem_shared>> -> memref<4104x128xf32, #tpu.memory_space<vmem_shared>>
      tpu.enqueue_indirect_dma source(%dma_start3A_388 : memref<128x128xf32, #tpu.memory_space<vmem>>) target(%dma_start3A_394 : memref<4104x128xf32, #tpu.memory_space<vmem_shared>>) offsets(%dma_start3A_391 : memref<128xi32, #tpu.memory_space<vmem>>) semaphore(%run_scoped3A_385 : memref<!tpu.dma_semaphore, #tpu.memory_space<semaphore_mem>>) {add = true}
      %dma_wait3A_395 = arith.constant 0 : i32
      %dma_wait3A_396 = arith.constant 0 : i32
      %dma_wait3A_397 = tpu.memref_slice %arg6[%dma_wait3A_395, %dma_wait3A_396] : memref<256x128xf32, #tpu.memory_space<vmem>> -> memref<128x128xf32, #tpu.memory_space<vmem>>
      %dma_wait3A_398 = arith.constant 0 : i32
      %dma_wait3A_399 = tpu.memref_slice %arg5[%run_scoped3A_280, %dma_wait3A_398] : memref<2x128xi32, #tpu.memory_space<vmem>> -> memref<1x128xi32, #tpu.memory_space<vmem>>
      %dma_wait3A_400 = tpu.memref_squeeze %dma_wait3A_399 : memref<1x128xi32, #tpu.memory_space<vmem>> -> memref<128xi32, #tpu.memory_space<vmem>>
      %dma_wait3A_401 = arith.constant 0 : i32
      %dma_wait3A_402 = arith.constant 0 : i32
      %dma_wait3A_403 = tpu.memref_slice %arg10[%dma_wait3A_401, %dma_wait3A_402] : memref<4104x128xf32, #tpu.memory_space<vmem_shared>> -> memref<4104x128xf32, #tpu.memory_space<vmem_shared>>
      tpu.wait_indirect_dma semaphore(%run_scoped3A_385 : memref<!tpu.dma_semaphore, #tpu.memory_space<semaphore_mem>>) src(%dma_wait3A_397 : memref<128x128xf32, #tpu.memory_space<vmem>>) dst(%dma_wait3A_403 : memref<4104x128xf32, #tpu.memory_space<vmem_shared>>)
      tpu.yield
    }) : () -> ()
    %run_scoped3A_281 = arith.constant 1 : i32
    "tpu.region"() ({
      %run_scoped3A_385 = tpu.sem_alloc : memref<!tpu.dma_semaphore, #tpu.memory_space<semaphore_mem>>
      %dma_start3A_386 = arith.constant 128 : i32
      %dma_start3A_387 = arith.constant 0 : i32
      %dma_start3A_388 = tpu.memref_slice %arg6[%dma_start3A_386, %dma_start3A_387] : memref<256x128xf32, #tpu.memory_space<vmem>> -> memref<128x128xf32, #tpu.memory_space<vmem>>
      %dma_start3A_389 = arith.constant 0 : i32
      %dma_start3A_390 = tpu.memref_slice %arg5[%run_scoped3A_281, %dma_start3A_389] : memref<2x128xi32, #tpu.memory_space<vmem>> -> memref<1x128xi32, #tpu.memory_space<vmem>>
      %dma_start3A_391 = tpu.memref_squeeze %dma_start3A_390 : memref<1x128xi32, #tpu.memory_space<vmem>> -> memref<128xi32, #tpu.memory_space<vmem>>
      %dma_start3A_392 = arith.constant 0 : i32
      %dma_start3A_393 = arith.constant 0 : i32
      %dma_start3A_394 = tpu.memref_slice %arg10[%dma_start3A_392, %dma_start3A_393] : memref<4104x128xf32, #tpu.memory_space<vmem_shared>> -> memref<4104x128xf32, #tpu.memory_space<vmem_shared>>
      tpu.enqueue_indirect_dma source(%dma_start3A_388 : memref<128x128xf32, #tpu.memory_space<vmem>>) target(%dma_start3A_394 : memref<4104x128xf32, #tpu.memory_space<vmem_shared>>) offsets(%dma_start3A_391 : memref<128xi32, #tpu.memory_space<vmem>>) semaphore(%run_scoped3A_385 : memref<!tpu.dma_semaphore, #tpu.memory_space<semaphore_mem>>) {add = true}
      %dma_wait3A_395 = arith.constant 128 : i32
      %dma_wait3A_396 = arith.constant 0 : i32
      %dma_wait3A_397 = tpu.memref_slice %arg6[%dma_wait3A_395, %dma_wait3A_396] : memref<256x128xf32, #tpu.memory_space<vmem>> -> memref<128x128xf32, #tpu.memory_space<vmem>>
      %dma_wait3A_398 = arith.constant 0 : i32
      %dma_wait3A_399 = tpu.memref_slice %arg5[%run_scoped3A_281, %dma_wait3A_398] : memref<2x128xi32, #tpu.memory_space<vmem>> -> memref<1x128xi32, #tpu.memory_space<vmem>>
      %dma_wait3A_400 = tpu.memref_squeeze %dma_wait3A_399 : memref<1x128xi32, #tpu.memory_space<vmem>> -> memref<128xi32, #tpu.memory_space<vmem>>
      %dma_wait3A_401 = arith.constant 0 : i32
      %dma_wait3A_402 = arith.constant 0 : i32
      %dma_wait3A_403 = tpu.memref_slice %arg10[%dma_wait3A_401, %dma_wait3A_402] : memref<4104x128xf32, #tpu.memory_space<vmem_shared>> -> memref<4104x128xf32, #tpu.memory_space<vmem_shared>>
      tpu.wait_indirect_dma semaphore(%run_scoped3A_385 : memref<!tpu.dma_semaphore, #tpu.memory_space<semaphore_mem>>) src(%dma_wait3A_397 : memref<128x128xf32, #tpu.memory_space<vmem>>) dst(%dma_wait3A_403 : memref<4104x128xf32, #tpu.memory_space<vmem_shared>>)
      tpu.yield
    }) : () -> ()
    %barrier3A_282 = arith.constant 0 : index
    tpu.barrier barrier_id(%barrier3A_282)
    "tpu.region"() ({
      %run_scoped3A_385 = tpu.sem_alloc : memref<!tpu.dma_semaphore, #tpu.memory_space<semaphore_mem>>
      %dma_start3A_386 = arith.constant 0 : i32
      %dma_start3A_387 = tpu.memref_slice %arg10[%mul3A_5, %dma_start3A_386] : memref<4104x128xf32, #tpu.memory_space<vmem_shared>> -> memref<256x128xf32, #tpu.memory_space<vmem_shared>>
      %dma_start3A_388 = arith.constant 0 : i32
      %dma_start3A_389 = tpu.memref_slice %arg10[%mul3A_5, %dma_start3A_388] : memref<4104x128xf32, #tpu.memory_space<vmem_shared>> -> memref<256x128xf32, #tpu.memory_space<vmem_shared>>
      tpu.enqueue_dma source(%dma_start3A_389 : memref<256x128xf32, #tpu.memory_space<vmem_shared>>) target(%arg6 : memref<256x128xf32, #tpu.memory_space<vmem>>) target_semaphore(%run_scoped3A_385 : memref<!tpu.dma_semaphore, #tpu.memory_space<semaphore_mem>>)
      %dma_wait3A_390 = arith.constant 0 : i32
      %dma_wait3A_391 = tpu.memref_slice %arg10[%mul3A_5, %dma_wait3A_390] : memref<4104x128xf32, #tpu.memory_space<vmem_shared>> -> memref<256x128xf32, #tpu.memory_space<vmem_shared>>
      %dma_wait3A_392 = arith.constant 0 : i32
      %dma_wait3A_393 = tpu.memref_slice %arg10[%mul3A_5, %dma_wait3A_392] : memref<4104x128xf32, #tpu.memory_space<vmem_shared>> -> memref<256x128xf32, #tpu.memory_space<vmem_shared>>
      tpu.wait_dma2 semaphore(%run_scoped3A_385 : memref<!tpu.dma_semaphore, #tpu.memory_space<semaphore_mem>>) src(%dma_wait3A_393 : memref<256x128xf32, #tpu.memory_space<vmem_shared>>) dst(%arg6 : memref<256x128xf32, #tpu.memory_space<vmem>>)
      tpu.yield
    }) : () -> ()
    %scan3A_283 = arith.constant 0 : i32
    %scan3A_284 = arith.constant 0 : i32
    %scan3A_285 = arith.constant 256 : i32
    %scan3A_286 = arith.addi %scan3A_284, %scan3A_285 : i32
    %scan3A_287 = arith.constant 1 : i32
    scf.for %scan3A_385 = %scan3A_284 to %scan3A_286 step %scan3A_287  : i32 {
      %get3A = arith.index_cast %scan3A_385 : i32 to index
      %get3A_386 = arith.constant 0 : index
      %get3A_387 = tpu.vector_load %arg6[%get3A, %get3A_386] {strides = array<i32>} : memref<256x128xf32, #tpu.memory_space<vmem>>, vector<1x16xf32>,
      %get3A_388 = vector.shape_cast %get3A_387 : vector<1x16xf32> to vector<16xf32>
      %swap3A = arith.index_cast %scan3A_385 : i32 to index
      %swap3A_389 = arith.constant 0 : index
      %swap3A_390 = tpu.vector_load %arg8[%swap3A, %swap3A_389] {strides = array<i32>} : memref<256x72xf32, #tpu.memory_space<vmem>>, vector<1x16xf32>,
      %swap3A_391 = vector.shape_cast %swap3A_390 : vector<1x16xf32> to vector<16xf32>
      %swap3A_392 = vector.shape_cast %get3A_388 : vector<16xf32> to vector<1x16xf32>
      tpu.vector_store %arg8[%swap3A, %swap3A_389], %swap3A_392 {strides = array<i32>} : memref<256x72xf32, #tpu.memory_space<vmem>>, vector<1x16xf32>,
      %get3A_393 = arith.index_cast %scan3A_385 : i32 to index
      %get3A_394 = arith.constant 16 : index
      %get3A_395 = tpu.vector_load %arg6[%get3A_393, %get3A_394] {strides = array<i32>} : memref<256x128xf32, #tpu.memory_space<vmem>>, vector<1x16xf32>,
      %get3A_396 = vector.shape_cast %get3A_395 : vector<1x16xf32> to vector<16xf32>
      %swap3A_397 = arith.index_cast %scan3A_385 : i32 to index
      %swap3A_398 = arith.constant 16 : index
      %swap3A_399 = tpu.vector_load %arg8[%swap3A_397, %swap3A_398] {strides = array<i32>} : memref<256x72xf32, #tpu.memory_space<vmem>>, vector<1x16xf32>,
      %swap3A_400 = vector.shape_cast %swap3A_399 : vector<1x16xf32> to vector<16xf32>
      %swap3A_401 = vector.shape_cast %get3A_396 : vector<16xf32> to vector<1x16xf32>
      tpu.vector_store %arg8[%swap3A_397, %swap3A_398], %swap3A_401 {strides = array<i32>} : memref<256x72xf32, #tpu.memory_space<vmem>>, vector<1x16xf32>,
      %get3A_402 = arith.index_cast %scan3A_385 : i32 to index
      %get3A_403 = arith.constant 32 : index
      %get3A_404 = tpu.vector_load %arg6[%get3A_402, %get3A_403] {strides = array<i32>} : memref<256x128xf32, #tpu.memory_space<vmem>>, vector<1x16xf32>,
      %get3A_405 = vector.shape_cast %get3A_404 : vector<1x16xf32> to vector<16xf32>
      %swap3A_406 = arith.index_cast %scan3A_385 : i32 to index
      %swap3A_407 = arith.constant 32 : index
      %swap3A_408 = tpu.vector_load %arg8[%swap3A_406, %swap3A_407] {strides = array<i32>} : memref<256x72xf32, #tpu.memory_space<vmem>>, vector<1x16xf32>,
      %swap3A_409 = vector.shape_cast %swap3A_408 : vector<1x16xf32> to vector<16xf32>
      %swap3A_410 = vector.shape_cast %get3A_405 : vector<16xf32> to vector<1x16xf32>
      tpu.vector_store %arg8[%swap3A_406, %swap3A_407], %swap3A_410 {strides = array<i32>} : memref<256x72xf32, #tpu.memory_space<vmem>>, vector<1x16xf32>,
      %get3A_411 = arith.index_cast %scan3A_385 : i32 to index
      %get3A_412 = arith.constant 48 : index
      %get3A_413 = tpu.vector_load %arg6[%get3A_411, %get3A_412] {strides = array<i32>} : memref<256x128xf32, #tpu.memory_space<vmem>>, vector<1x16xf32>,
      %get3A_414 = vector.shape_cast %get3A_413 : vector<1x16xf32> to vector<16xf32>
      %swap3A_415 = arith.index_cast %scan3A_385 : i32 to index
      %swap3A_416 = arith.constant 48 : index
      %swap3A_417 = tpu.vector_load %arg8[%swap3A_415, %swap3A_416] {strides = array<i32>} : memref<256x72xf32, #tpu.memory_space<vmem>>, vector<1x16xf32>,
      %swap3A_418 = vector.shape_cast %swap3A_417 : vector<1x16xf32> to vector<16xf32>
      %swap3A_419 = vector.shape_cast %get3A_414 : vector<16xf32> to vector<1x16xf32>
      tpu.vector_store %arg8[%swap3A_415, %swap3A_416], %swap3A_419 {strides = array<i32>} : memref<256x72xf32, #tpu.memory_space<vmem>>, vector<1x16xf32>,
      %get3A_420 = arith.index_cast %scan3A_385 : i32 to index
      %get3A_421 = arith.constant 56 : index
      %get3A_422 = tpu.vector_load %arg6[%get3A_420, %get3A_421] {strides = array<i32>} : memref<256x128xf32, #tpu.memory_space<vmem>>, vector<1x16xf32>,
      %get3A_423 = vector.shape_cast %get3A_422 : vector<1x16xf32> to vector<16xf32>
      %swap3A_424 = arith.index_cast %scan3A_385 : i32 to index
      %swap3A_425 = arith.constant 56 : index
      %swap3A_426 = tpu.vector_load %arg8[%swap3A_424, %swap3A_425] {strides = array<i32>} : memref<256x72xf32, #tpu.memory_space<vmem>>, vector<1x16xf32>,
      %swap3A_427 = vector.shape_cast %swap3A_426 : vector<1x16xf32> to vector<16xf32>
      %swap3A_428 = vector.shape_cast %get3A_423 : vector<16xf32> to vector<1x16xf32>
      tpu.vector_store %arg8[%swap3A_424, %swap3A_425], %swap3A_428 {strides = array<i32>} : memref<256x72xf32, #tpu.memory_space<vmem>>, vector<1x16xf32>,
    }
    %scan3A_288 = arith.constant 256 : i32
    "tpu.region"() ({
      %run_scoped3A_385 = tpu.sem_alloc : memref<!tpu.dma_semaphore, #tpu.memory_space<semaphore_mem>>
      %dma_start3A_386 = arith.constant 0 : i32
      %dma_start3A_387 = tpu.memref_slice %arg4[%add3A_242, %mul3A_5, %dma_start3A_386] : memref<16x4096x72xf32, #tpu.memory_space<hbm>> -> memref<1x256x72xf32, #tpu.memory_space<hbm>>
      %dma_start3A_388 = tpu.memref_squeeze %dma_start3A_387 : memref<1x256x72xf32, #tpu.memory_space<hbm>> -> memref<256x72xf32, #tpu.memory_space<hbm>>
      %dma_start3A_389 = arith.constant 0 : i32
      %dma_start3A_390 = tpu.memref_slice %arg4[%add3A_242, %mul3A_5, %dma_start3A_389] : memref<16x4096x72xf32, #tpu.memory_space<hbm>> -> memref<1x256x72xf32, #tpu.memory_space<hbm>>
      %dma_start3A_391 = tpu.memref_squeeze %dma_start3A_390 : memref<1x256x72xf32, #tpu.memory_space<hbm>> -> memref<256x72xf32, #tpu.memory_space<hbm>>
      tpu.enqueue_dma source(%arg8 : memref<256x72xf32, #tpu.memory_space<vmem>>) target(%dma_start3A_391 : memref<256x72xf32, #tpu.memory_space<hbm>>) target_semaphore(%run_scoped3A_385 : memref<!tpu.dma_semaphore, #tpu.memory_space<semaphore_mem>>)
      %dma_wait3A_392 = arith.constant 0 : i32
      %dma_wait3A_393 = tpu.memref_slice %arg4[%add3A_242, %mul3A_5, %dma_wait3A_392] : memref<16x4096x72xf32, #tpu.memory_space<hbm>> -> memref<1x256x72xf32, #tpu.memory_space<hbm>>
      %dma_wait3A_394 = tpu.memref_squeeze %dma_wait3A_393 : memref<1x256x72xf32, #tpu.memory_space<hbm>> -> memref<256x72xf32, #tpu.memory_space<hbm>>
      %dma_wait3A_395 = arith.constant 0 : i32
      %dma_wait3A_396 = tpu.memref_slice %arg4[%add3A_242, %mul3A_5, %dma_wait3A_395] : memref<16x4096x72xf32, #tpu.memory_space<hbm>> -> memref<1x256x72xf32, #tpu.memory_space<hbm>>
      %dma_wait3A_397 = tpu.memref_squeeze %dma_wait3A_396 : memref<1x256x72xf32, #tpu.memory_space<hbm>> -> memref<256x72xf32, #tpu.memory_space<hbm>>
      tpu.wait_dma2 semaphore(%run_scoped3A_385 : memref<!tpu.dma_semaphore, #tpu.memory_space<semaphore_mem>>) src(%arg8 : memref<256x72xf32, #tpu.memory_space<vmem>>) dst(%dma_wait3A_397 : memref<256x72xf32, #tpu.memory_space<hbm>>)
      tpu.yield
    }) : () -> ()
    %add3A_289 = arith.constant 12 : i32
    %add3A_290 = arith.addi %add3A_289, %arg0 : i32
    %mul3A_291 = arith.constant 2 : i32
    %mul3A_292 = arith.muli %arg1, %mul3A_291 : i32
    %dma_start3A_293 = arith.constant 0 : i32
    %dma_start3A_294 = tpu.memref_slice %arg3[%add3A_290, %mul3A_292, %dma_start3A_293] : memref<16x32x128xi32, #tpu.memory_space<hbm>> -> memref<1x2x128xi32, #tpu.memory_space<hbm>>
    %dma_start3A_295 = tpu.memref_squeeze %dma_start3A_294 : memref<1x2x128xi32, #tpu.memory_space<hbm>> -> memref<2x128xi32, #tpu.memory_space<hbm>>
    %dma_start3A_296 = arith.constant 0 : i32
    %dma_start3A_297 = tpu.memref_slice %arg3[%add3A_290, %mul3A_292, %dma_start3A_296] : memref<16x32x128xi32, #tpu.memory_space<hbm>> -> memref<1x2x128xi32, #tpu.memory_space<hbm>>
    %dma_start3A_298 = tpu.memref_squeeze %dma_start3A_297 : memref<1x2x128xi32, #tpu.memory_space<hbm>> -> memref<2x128xi32, #tpu.memory_space<hbm>>
    tpu.enqueue_dma source(%dma_start3A_298 : memref<2x128xi32, #tpu.memory_space<hbm>>) target(%arg5 : memref<2x128xi32, #tpu.memory_space<vmem>>) target_semaphore(%arg9 : memref<!tpu.dma_semaphore, #tpu.memory_space<semaphore_mem>>)
    %mul3A_299 = arith.constant 256 : i32
    %mul3A_300 = arith.muli %arg1, %mul3A_299 : i32
    %dma_start3A_301 = arith.constant 0 : i32
    %dma_start3A_302 = tpu.memref_slice %arg2[%add3A_290, %mul3A_300, %dma_start3A_301] : memref<16x4096x128xf32, #tpu.memory_space<hbm>> -> memref<1x256x128xf32, #tpu.memory_space<hbm>>
    %dma_start3A_303 = tpu.memref_squeeze %dma_start3A_302 : memref<1x256x128xf32, #tpu.memory_space<hbm>> -> memref<256x128xf32, #tpu.memory_space<hbm>>
    %dma_start3A_304 = arith.constant 0 : i32
    %dma_start3A_305 = tpu.memref_slice %arg2[%add3A_290, %mul3A_300, %dma_start3A_304] : memref<16x4096x128xf32, #tpu.memory_space<hbm>> -> memref<1x256x128xf32, #tpu.memory_space<hbm>>
    %dma_start3A_306 = tpu.memref_squeeze %dma_start3A_305 : memref<1x256x128xf32, #tpu.memory_space<hbm>> -> memref<256x128xf32, #tpu.memory_space<hbm>>
    tpu.enqueue_dma source(%dma_start3A_306 : memref<256x128xf32, #tpu.memory_space<hbm>>) target(%arg6 : memref<256x128xf32, #tpu.memory_space<vmem>>) target_semaphore(%arg9 : memref<!tpu.dma_semaphore, #tpu.memory_space<semaphore_mem>>)
    %add3A_307 = arith.constant 0 : i32
    %add3A_308 = arith.addi %mul3A_5, %add3A_307 : i32
    "tpu.region"() ({
      %run_scoped3A_385 = tpu.sem_alloc : memref<!tpu.dma_semaphore, #tpu.memory_space<semaphore_mem>>
      %dma_start3A_386 = arith.constant 0 : i32
      %dma_start3A_387 = tpu.memref_slice %arg10[%add3A_308, %dma_start3A_386] : memref<4104x128xf32, #tpu.memory_space<vmem_shared>> -> memref<64x128xf32, #tpu.memory_space<vmem_shared>>
      %dma_start3A_388 = arith.constant 0 : i32
      %dma_start3A_389 = tpu.memref_slice %arg10[%add3A_308, %dma_start3A_388] : memref<4104x128xf32, #tpu.memory_space<vmem_shared>> -> memref<64x128xf32, #tpu.memory_space<vmem_shared>>
      tpu.enqueue_dma source(%arg7 : memref<64x128xf32, #tpu.memory_space<vmem>>) target(%dma_start3A_389 : memref<64x128xf32, #tpu.memory_space<vmem_shared>>) target_semaphore(%run_scoped3A_385 : memref<!tpu.dma_semaphore, #tpu.memory_space<semaphore_mem>>)
      %dma_wait3A_390 = arith.constant 0 : i32
      %dma_wait3A_391 = tpu.memref_slice %arg10[%add3A_308, %dma_wait3A_390] : memref<4104x128xf32, #tpu.memory_space<vmem_shared>> -> memref<64x128xf32, #tpu.memory_space<vmem_shared>>
      %dma_wait3A_392 = arith.constant 0 : i32
      %dma_wait3A_393 = tpu.memref_slice %arg10[%add3A_308, %dma_wait3A_392] : memref<4104x128xf32, #tpu.memory_space<vmem_shared>> -> memref<64x128xf32, #tpu.memory_space<vmem_shared>>
      tpu.wait_dma2 semaphore(%run_scoped3A_385 : memref<!tpu.dma_semaphore, #tpu.memory_space<semaphore_mem>>) src(%arg7 : memref<64x128xf32, #tpu.memory_space<vmem>>) dst(%dma_wait3A_393 : memref<64x128xf32, #tpu.memory_space<vmem_shared>>)
      tpu.yield
    }) : () -> ()
    %add3A_309 = arith.constant 64 : i32
    %add3A_310 = arith.addi %mul3A_5, %add3A_309 : i32
    "tpu.region"() ({
      %run_scoped3A_385 = tpu.sem_alloc : memref<!tpu.dma_semaphore, #tpu.memory_space<semaphore_mem>>
      %dma_start3A_386 = arith.constant 0 : i32
      %dma_start3A_387 = tpu.memref_slice %arg10[%add3A_310, %dma_start3A_386] : memref<4104x128xf32, #tpu.memory_space<vmem_shared>> -> memref<64x128xf32, #tpu.memory_space<vmem_shared>>
      %dma_start3A_388 = arith.constant 0 : i32
      %dma_start3A_389 = tpu.memref_slice %arg10[%add3A_310, %dma_start3A_388] : memref<4104x128xf32, #tpu.memory_space<vmem_shared>> -> memref<64x128xf32, #tpu.memory_space<vmem_shared>>
      tpu.enqueue_dma source(%arg7 : memref<64x128xf32, #tpu.memory_space<vmem>>) target(%dma_start3A_389 : memref<64x128xf32, #tpu.memory_space<vmem_shared>>) target_semaphore(%run_scoped3A_385 : memref<!tpu.dma_semaphore, #tpu.memory_space<semaphore_mem>>)
      %dma_wait3A_390 = arith.constant 0 : i32
      %dma_wait3A_391 = tpu.memref_slice %arg10[%add3A_310, %dma_wait3A_390] : memref<4104x128xf32, #tpu.memory_space<vmem_shared>> -> memref<64x128xf32, #tpu.memory_space<vmem_shared>>
      %dma_wait3A_392 = arith.constant 0 : i32
      %dma_wait3A_393 = tpu.memref_slice %arg10[%add3A_310, %dma_wait3A_392] : memref<4104x128xf32, #tpu.memory_space<vmem_shared>> -> memref<64x128xf32, #tpu.memory_space<vmem_shared>>
      tpu.wait_dma2 semaphore(%run_scoped3A_385 : memref<!tpu.dma_semaphore, #tpu.memory_space<semaphore_mem>>) src(%arg7 : memref<64x128xf32, #tpu.memory_space<vmem>>) dst(%dma_wait3A_393 : memref<64x128xf32, #tpu.memory_space<vmem_shared>>)
      tpu.yield
    }) : () -> ()
    %add3A_311 = arith.constant 128 : i32
    %add3A_312 = arith.addi %mul3A_5, %add3A_311 : i32
    "tpu.region"() ({
      %run_scoped3A_385 = tpu.sem_alloc : memref<!tpu.dma_semaphore, #tpu.memory_space<semaphore_mem>>
      %dma_start3A_386 = arith.constant 0 : i32
      %dma_start3A_387 = tpu.memref_slice %arg10[%add3A_312, %dma_start3A_386] : memref<4104x128xf32, #tpu.memory_space<vmem_shared>> -> memref<64x128xf32, #tpu.memory_space<vmem_shared>>
      %dma_start3A_388 = arith.constant 0 : i32
      %dma_start3A_389 = tpu.memref_slice %arg10[%add3A_312, %dma_start3A_388] : memref<4104x128xf32, #tpu.memory_space<vmem_shared>> -> memref<64x128xf32, #tpu.memory_space<vmem_shared>>
      tpu.enqueue_dma source(%arg7 : memref<64x128xf32, #tpu.memory_space<vmem>>) target(%dma_start3A_389 : memref<64x128xf32, #tpu.memory_space<vmem_shared>>) target_semaphore(%run_scoped3A_385 : memref<!tpu.dma_semaphore, #tpu.memory_space<semaphore_mem>>)
      %dma_wait3A_390 = arith.constant 0 : i32
      %dma_wait3A_391 = tpu.memref_slice %arg10[%add3A_312, %dma_wait3A_390] : memref<4104x128xf32, #tpu.memory_space<vmem_shared>> -> memref<64x128xf32, #tpu.memory_space<vmem_shared>>
      %dma_wait3A_392 = arith.constant 0 : i32
      %dma_wait3A_393 = tpu.memref_slice %arg10[%add3A_312, %dma_wait3A_392] : memref<4104x128xf32, #tpu.memory_space<vmem_shared>> -> memref<64x128xf32, #tpu.memory_space<vmem_shared>>
      tpu.wait_dma2 semaphore(%run_scoped3A_385 : memref<!tpu.dma_semaphore, #tpu.memory_space<semaphore_mem>>) src(%arg7 : memref<64x128xf32, #tpu.memory_space<vmem>>) dst(%dma_wait3A_393 : memref<64x128xf32, #tpu.memory_space<vmem_shared>>)
      tpu.yield
    }) : () -> ()
    %add3A_313 = arith.constant 192 : i32
    %add3A_314 = arith.addi %mul3A_5, %add3A_313 : i32
    "tpu.region"() ({
      %run_scoped3A_385 = tpu.sem_alloc : memref<!tpu.dma_semaphore, #tpu.memory_space<semaphore_mem>>
      %dma_start3A_386 = arith.constant 0 : i32
      %dma_start3A_387 = tpu.memref_slice %arg10[%add3A_314, %dma_start3A_386] : memref<4104x128xf32, #tpu.memory_space<vmem_shared>> -> memref<64x128xf32, #tpu.memory_space<vmem_shared>>
      %dma_start3A_388 = arith.constant 0 : i32
      %dma_start3A_389 = tpu.memref_slice %arg10[%add3A_314, %dma_start3A_388] : memref<4104x128xf32, #tpu.memory_space<vmem_shared>> -> memref<64x128xf32, #tpu.memory_space<vmem_shared>>
      tpu.enqueue_dma source(%arg7 : memref<64x128xf32, #tpu.memory_space<vmem>>) target(%dma_start3A_389 : memref<64x128xf32, #tpu.memory_space<vmem_shared>>) target_semaphore(%run_scoped3A_385 : memref<!tpu.dma_semaphore, #tpu.memory_space<semaphore_mem>>)
      %dma_wait3A_390 = arith.constant 0 : i32
      %dma_wait3A_391 = tpu.memref_slice %arg10[%add3A_314, %dma_wait3A_390] : memref<4104x128xf32, #tpu.memory_space<vmem_shared>> -> memref<64x128xf32, #tpu.memory_space<vmem_shared>>
      %dma_wait3A_392 = arith.constant 0 : i32
      %dma_wait3A_393 = tpu.memref_slice %arg10[%add3A_314, %dma_wait3A_392] : memref<4104x128xf32, #tpu.memory_space<vmem_shared>> -> memref<64x128xf32, #tpu.memory_space<vmem_shared>>
      tpu.wait_dma2 semaphore(%run_scoped3A_385 : memref<!tpu.dma_semaphore, #tpu.memory_space<semaphore_mem>>) src(%arg7 : memref<64x128xf32, #tpu.memory_space<vmem>>) dst(%dma_wait3A_393 : memref<64x128xf32, #tpu.memory_space<vmem_shared>>)
      tpu.yield
    }) : () -> ()
    %barrier3A_315 = arith.constant 0 : index
    tpu.barrier barrier_id(%barrier3A_315)
    %dma_wait3A_316 = arith.constant 0 : i32
    %dma_wait3A_317 = tpu.memref_slice %arg3[%add3A_290, %mul3A_292, %dma_wait3A_316] : memref<16x32x128xi32, #tpu.memory_space<hbm>> -> memref<1x2x128xi32, #tpu.memory_space<hbm>>
    %dma_wait3A_318 = tpu.memref_squeeze %dma_wait3A_317 : memref<1x2x128xi32, #tpu.memory_space<hbm>> -> memref<2x128xi32, #tpu.memory_space<hbm>>
    %dma_wait3A_319 = arith.constant 0 : i32
    %dma_wait3A_320 = tpu.memref_slice %arg3[%add3A_290, %mul3A_292, %dma_wait3A_319] : memref<16x32x128xi32, #tpu.memory_space<hbm>> -> memref<1x2x128xi32, #tpu.memory_space<hbm>>
    %dma_wait3A_321 = tpu.memref_squeeze %dma_wait3A_320 : memref<1x2x128xi32, #tpu.memory_space<hbm>> -> memref<2x128xi32, #tpu.memory_space<hbm>>
    tpu.wait_dma2 semaphore(%arg9 : memref<!tpu.dma_semaphore, #tpu.memory_space<semaphore_mem>>) src(%dma_wait3A_321 : memref<2x128xi32, #tpu.memory_space<hbm>>) dst(%arg5 : memref<2x128xi32, #tpu.memory_space<vmem>>)
    %dma_wait3A_322 = arith.constant 0 : i32
    %dma_wait3A_323 = tpu.memref_slice %arg2[%add3A_290, %mul3A_300, %dma_wait3A_322] : memref<16x4096x128xf32, #tpu.memory_space<hbm>> -> memref<1x256x128xf32, #tpu.memory_space<hbm>>
    %dma_wait3A_324 = tpu.memref_squeeze %dma_wait3A_323 : memref<1x256x128xf32, #tpu.memory_space<hbm>> -> memref<256x128xf32, #tpu.memory_space<hbm>>
    %dma_wait3A_325 = arith.constant 0 : i32
    %dma_wait3A_326 = tpu.memref_slice %arg2[%add3A_290, %mul3A_300, %dma_wait3A_325] : memref<16x4096x128xf32, #tpu.memory_space<hbm>> -> memref<1x256x128xf32, #tpu.memory_space<hbm>>
    %dma_wait3A_327 = tpu.memref_squeeze %dma_wait3A_326 : memref<1x256x128xf32, #tpu.memory_space<hbm>> -> memref<256x128xf32, #tpu.memory_space<hbm>>
    tpu.wait_dma2 semaphore(%arg9 : memref<!tpu.dma_semaphore, #tpu.memory_space<semaphore_mem>>) src(%dma_wait3A_327 : memref<256x128xf32, #tpu.memory_space<hbm>>) dst(%arg6 : memref<256x128xf32, #tpu.memory_space<vmem>>)
    %run_scoped3A_328 = arith.constant 0 : i32
    "tpu.region"() ({
      %run_scoped3A_385 = tpu.sem_alloc : memref<!tpu.dma_semaphore, #tpu.memory_space<semaphore_mem>>
      %dma_start3A_386 = arith.constant 0 : i32
      %dma_start3A_387 = arith.constant 0 : i32
      %dma_start3A_388 = tpu.memref_slice %arg6[%dma_start3A_386, %dma_start3A_387] : memref<256x128xf32, #tpu.memory_space<vmem>> -> memref<128x128xf32, #tpu.memory_space<vmem>>
      %dma_start3A_389 = arith.constant 0 : i32
      %dma_start3A_390 = tpu.memref_slice %arg5[%run_scoped3A_328, %dma_start3A_389] : memref<2x128xi32, #tpu.memory_space<vmem>> -> memref<1x128xi32, #tpu.memory_space<vmem>>
      %dma_start3A_391 = tpu.memref_squeeze %dma_start3A_390 : memref<1x128xi32, #tpu.memory_space<vmem>> -> memref<128xi32, #tpu.memory_space<vmem>>
      %dma_start3A_392 = arith.constant 0 : i32
      %dma_start3A_393 = arith.constant 0 : i32
      %dma_start3A_394 = tpu.memref_slice %arg10[%dma_start3A_392, %dma_start3A_393] : memref<4104x128xf32, #tpu.memory_space<vmem_shared>> -> memref<4104x128xf32, #tpu.memory_space<vmem_shared>>
      tpu.enqueue_indirect_dma source(%dma_start3A_388 : memref<128x128xf32, #tpu.memory_space<vmem>>) target(%dma_start3A_394 : memref<4104x128xf32, #tpu.memory_space<vmem_shared>>) offsets(%dma_start3A_391 : memref<128xi32, #tpu.memory_space<vmem>>) semaphore(%run_scoped3A_385 : memref<!tpu.dma_semaphore, #tpu.memory_space<semaphore_mem>>) {add = true}
      %dma_wait3A_395 = arith.constant 0 : i32
      %dma_wait3A_396 = arith.constant 0 : i32
      %dma_wait3A_397 = tpu.memref_slice %arg6[%dma_wait3A_395, %dma_wait3A_396] : memref<256x128xf32, #tpu.memory_space<vmem>> -> memref<128x128xf32, #tpu.memory_space<vmem>>
      %dma_wait3A_398 = arith.constant 0 : i32
      %dma_wait3A_399 = tpu.memref_slice %arg5[%run_scoped3A_328, %dma_wait3A_398] : memref<2x128xi32, #tpu.memory_space<vmem>> -> memref<1x128xi32, #tpu.memory_space<vmem>>
      %dma_wait3A_400 = tpu.memref_squeeze %dma_wait3A_399 : memref<1x128xi32, #tpu.memory_space<vmem>> -> memref<128xi32, #tpu.memory_space<vmem>>
      %dma_wait3A_401 = arith.constant 0 : i32
      %dma_wait3A_402 = arith.constant 0 : i32
      %dma_wait3A_403 = tpu.memref_slice %arg10[%dma_wait3A_401, %dma_wait3A_402] : memref<4104x128xf32, #tpu.memory_space<vmem_shared>> -> memref<4104x128xf32, #tpu.memory_space<vmem_shared>>
      tpu.wait_indirect_dma semaphore(%run_scoped3A_385 : memref<!tpu.dma_semaphore, #tpu.memory_space<semaphore_mem>>) src(%dma_wait3A_397 : memref<128x128xf32, #tpu.memory_space<vmem>>) dst(%dma_wait3A_403 : memref<4104x128xf32, #tpu.memory_space<vmem_shared>>)
      tpu.yield
    }) : () -> ()
    %run_scoped3A_329 = arith.constant 1 : i32
    "tpu.region"() ({
      %run_scoped3A_385 = tpu.sem_alloc : memref<!tpu.dma_semaphore, #tpu.memory_space<semaphore_mem>>
      %dma_start3A_386 = arith.constant 128 : i32
      %dma_start3A_387 = arith.constant 0 : i32
      %dma_start3A_388 = tpu.memref_slice %arg6[%dma_start3A_386, %dma_start3A_387] : memref<256x128xf32, #tpu.memory_space<vmem>> -> memref<128x128xf32, #tpu.memory_space<vmem>>
      %dma_start3A_389 = arith.constant 0 : i32
      %dma_start3A_390 = tpu.memref_slice %arg5[%run_scoped3A_329, %dma_start3A_389] : memref<2x128xi32, #tpu.memory_space<vmem>> -> memref<1x128xi32, #tpu.memory_space<vmem>>
      %dma_start3A_391 = tpu.memref_squeeze %dma_start3A_390 : memref<1x128xi32, #tpu.memory_space<vmem>> -> memref<128xi32, #tpu.memory_space<vmem>>
      %dma_start3A_392 = arith.constant 0 : i32
      %dma_start3A_393 = arith.constant 0 : i32
      %dma_start3A_394 = tpu.memref_slice %arg10[%dma_start3A_392, %dma_start3A_393] : memref<4104x128xf32, #tpu.memory_space<vmem_shared>> -> memref<4104x128xf32, #tpu.memory_space<vmem_shared>>
      tpu.enqueue_indirect_dma source(%dma_start3A_388 : memref<128x128xf32, #tpu.memory_space<vmem>>) target(%dma_start3A_394 : memref<4104x128xf32, #tpu.memory_space<vmem_shared>>) offsets(%dma_start3A_391 : memref<128xi32, #tpu.memory_space<vmem>>) semaphore(%run_scoped3A_385 : memref<!tpu.dma_semaphore, #tpu.memory_space<semaphore_mem>>) {add = true}
      %dma_wait3A_395 = arith.constant 128 : i32
      %dma_wait3A_396 = arith.constant 0 : i32
      %dma_wait3A_397 = tpu.memref_slice %arg6[%dma_wait3A_395, %dma_wait3A_396] : memref<256x128xf32, #tpu.memory_space<vmem>> -> memref<128x128xf32, #tpu.memory_space<vmem>>
      %dma_wait3A_398 = arith.constant 0 : i32
      %dma_wait3A_399 = tpu.memref_slice %arg5[%run_scoped3A_329, %dma_wait3A_398] : memref<2x128xi32, #tpu.memory_space<vmem>> -> memref<1x128xi32, #tpu.memory_space<vmem>>
      %dma_wait3A_400 = tpu.memref_squeeze %dma_wait3A_399 : memref<1x128xi32, #tpu.memory_space<vmem>> -> memref<128xi32, #tpu.memory_space<vmem>>
      %dma_wait3A_401 = arith.constant 0 : i32
      %dma_wait3A_402 = arith.constant 0 : i32
      %dma_wait3A_403 = tpu.memref_slice %arg10[%dma_wait3A_401, %dma_wait3A_402] : memref<4104x128xf32, #tpu.memory_space<vmem_shared>> -> memref<4104x128xf32, #tpu.memory_space<vmem_shared>>
      tpu.wait_indirect_dma semaphore(%run_scoped3A_385 : memref<!tpu.dma_semaphore, #tpu.memory_space<semaphore_mem>>) src(%dma_wait3A_397 : memref<128x128xf32, #tpu.memory_space<vmem>>) dst(%dma_wait3A_403 : memref<4104x128xf32, #tpu.memory_space<vmem_shared>>)
      tpu.yield
    }) : () -> ()
    %barrier3A_330 = arith.constant 0 : index
    tpu.barrier barrier_id(%barrier3A_330)
    "tpu.region"() ({
      %run_scoped3A_385 = tpu.sem_alloc : memref<!tpu.dma_semaphore, #tpu.memory_space<semaphore_mem>>
      %dma_start3A_386 = arith.constant 0 : i32
      %dma_start3A_387 = tpu.memref_slice %arg10[%mul3A_5, %dma_start3A_386] : memref<4104x128xf32, #tpu.memory_space<vmem_shared>> -> memref<256x128xf32, #tpu.memory_space<vmem_shared>>
      %dma_start3A_388 = arith.constant 0 : i32
      %dma_start3A_389 = tpu.memref_slice %arg10[%mul3A_5, %dma_start3A_388] : memref<4104x128xf32, #tpu.memory_space<vmem_shared>> -> memref<256x128xf32, #tpu.memory_space<vmem_shared>>
      tpu.enqueue_dma source(%dma_start3A_389 : memref<256x128xf32, #tpu.memory_space<vmem_shared>>) target(%arg6 : memref<256x128xf32, #tpu.memory_space<vmem>>) target_semaphore(%run_scoped3A_385 : memref<!tpu.dma_semaphore, #tpu.memory_space<semaphore_mem>>)
      %dma_wait3A_390 = arith.constant 0 : i32
      %dma_wait3A_391 = tpu.memref_slice %arg10[%mul3A_5, %dma_wait3A_390] : memref<4104x128xf32, #tpu.memory_space<vmem_shared>> -> memref<256x128xf32, #tpu.memory_space<vmem_shared>>
      %dma_wait3A_392 = arith.constant 0 : i32
      %dma_wait3A_393 = tpu.memref_slice %arg10[%mul3A_5, %dma_wait3A_392] : memref<4104x128xf32, #tpu.memory_space<vmem_shared>> -> memref<256x128xf32, #tpu.memory_space<vmem_shared>>
      tpu.wait_dma2 semaphore(%run_scoped3A_385 : memref<!tpu.dma_semaphore, #tpu.memory_space<semaphore_mem>>) src(%dma_wait3A_393 : memref<256x128xf32, #tpu.memory_space<vmem_shared>>) dst(%arg6 : memref<256x128xf32, #tpu.memory_space<vmem>>)
      tpu.yield
    }) : () -> ()
    %scan3A_331 = arith.constant 0 : i32
    %scan3A_332 = arith.constant 0 : i32
    %scan3A_333 = arith.constant 256 : i32
    %scan3A_334 = arith.addi %scan3A_332, %scan3A_333 : i32
    %scan3A_335 = arith.constant 1 : i32
    scf.for %scan3A_385 = %scan3A_332 to %scan3A_334 step %scan3A_335  : i32 {
      %get3A = arith.index_cast %scan3A_385 : i32 to index
      %get3A_386 = arith.constant 0 : index
      %get3A_387 = tpu.vector_load %arg6[%get3A, %get3A_386] {strides = array<i32>} : memref<256x128xf32, #tpu.memory_space<vmem>>, vector<1x16xf32>,
      %get3A_388 = vector.shape_cast %get3A_387 : vector<1x16xf32> to vector<16xf32>
      %swap3A = arith.index_cast %scan3A_385 : i32 to index
      %swap3A_389 = arith.constant 0 : index
      %swap3A_390 = tpu.vector_load %arg8[%swap3A, %swap3A_389] {strides = array<i32>} : memref<256x72xf32, #tpu.memory_space<vmem>>, vector<1x16xf32>,
      %swap3A_391 = vector.shape_cast %swap3A_390 : vector<1x16xf32> to vector<16xf32>
      %swap3A_392 = vector.shape_cast %get3A_388 : vector<16xf32> to vector<1x16xf32>
      tpu.vector_store %arg8[%swap3A, %swap3A_389], %swap3A_392 {strides = array<i32>} : memref<256x72xf32, #tpu.memory_space<vmem>>, vector<1x16xf32>,
      %get3A_393 = arith.index_cast %scan3A_385 : i32 to index
      %get3A_394 = arith.constant 16 : index
      %get3A_395 = tpu.vector_load %arg6[%get3A_393, %get3A_394] {strides = array<i32>} : memref<256x128xf32, #tpu.memory_space<vmem>>, vector<1x16xf32>,
      %get3A_396 = vector.shape_cast %get3A_395 : vector<1x16xf32> to vector<16xf32>
      %swap3A_397 = arith.index_cast %scan3A_385 : i32 to index
      %swap3A_398 = arith.constant 16 : index
      %swap3A_399 = tpu.vector_load %arg8[%swap3A_397, %swap3A_398] {strides = array<i32>} : memref<256x72xf32, #tpu.memory_space<vmem>>, vector<1x16xf32>,
      %swap3A_400 = vector.shape_cast %swap3A_399 : vector<1x16xf32> to vector<16xf32>
      %swap3A_401 = vector.shape_cast %get3A_396 : vector<16xf32> to vector<1x16xf32>
      tpu.vector_store %arg8[%swap3A_397, %swap3A_398], %swap3A_401 {strides = array<i32>} : memref<256x72xf32, #tpu.memory_space<vmem>>, vector<1x16xf32>,
      %get3A_402 = arith.index_cast %scan3A_385 : i32 to index
      %get3A_403 = arith.constant 32 : index
      %get3A_404 = tpu.vector_load %arg6[%get3A_402, %get3A_403] {strides = array<i32>} : memref<256x128xf32, #tpu.memory_space<vmem>>, vector<1x16xf32>,
      %get3A_405 = vector.shape_cast %get3A_404 : vector<1x16xf32> to vector<16xf32>
      %swap3A_406 = arith.index_cast %scan3A_385 : i32 to index
      %swap3A_407 = arith.constant 32 : index
      %swap3A_408 = tpu.vector_load %arg8[%swap3A_406, %swap3A_407] {strides = array<i32>} : memref<256x72xf32, #tpu.memory_space<vmem>>, vector<1x16xf32>,
      %swap3A_409 = vector.shape_cast %swap3A_408 : vector<1x16xf32> to vector<16xf32>
      %swap3A_410 = vector.shape_cast %get3A_405 : vector<16xf32> to vector<1x16xf32>
      tpu.vector_store %arg8[%swap3A_406, %swap3A_407], %swap3A_410 {strides = array<i32>} : memref<256x72xf32, #tpu.memory_space<vmem>>, vector<1x16xf32>,
      %get3A_411 = arith.index_cast %scan3A_385 : i32 to index
      %get3A_412 = arith.constant 48 : index
      %get3A_413 = tpu.vector_load %arg6[%get3A_411, %get3A_412] {strides = array<i32>} : memref<256x128xf32, #tpu.memory_space<vmem>>, vector<1x16xf32>,
      %get3A_414 = vector.shape_cast %get3A_413 : vector<1x16xf32> to vector<16xf32>
      %swap3A_415 = arith.index_cast %scan3A_385 : i32 to index
      %swap3A_416 = arith.constant 48 : index
      %swap3A_417 = tpu.vector_load %arg8[%swap3A_415, %swap3A_416] {strides = array<i32>} : memref<256x72xf32, #tpu.memory_space<vmem>>, vector<1x16xf32>,
      %swap3A_418 = vector.shape_cast %swap3A_417 : vector<1x16xf32> to vector<16xf32>
      %swap3A_419 = vector.shape_cast %get3A_414 : vector<16xf32> to vector<1x16xf32>
      tpu.vector_store %arg8[%swap3A_415, %swap3A_416], %swap3A_419 {strides = array<i32>} : memref<256x72xf32, #tpu.memory_space<vmem>>, vector<1x16xf32>,
      %get3A_420 = arith.index_cast %scan3A_385 : i32 to index
      %get3A_421 = arith.constant 56 : index
      %get3A_422 = tpu.vector_load %arg6[%get3A_420, %get3A_421] {strides = array<i32>} : memref<256x128xf32, #tpu.memory_space<vmem>>, vector<1x16xf32>,
      %get3A_423 = vector.shape_cast %get3A_422 : vector<1x16xf32> to vector<16xf32>
      %swap3A_424 = arith.index_cast %scan3A_385 : i32 to index
      %swap3A_425 = arith.constant 56 : index
      %swap3A_426 = tpu.vector_load %arg8[%swap3A_424, %swap3A_425] {strides = array<i32>} : memref<256x72xf32, #tpu.memory_space<vmem>>, vector<1x16xf32>,
      %swap3A_427 = vector.shape_cast %swap3A_426 : vector<1x16xf32> to vector<16xf32>
      %swap3A_428 = vector.shape_cast %get3A_423 : vector<16xf32> to vector<1x16xf32>
      tpu.vector_store %arg8[%swap3A_424, %swap3A_425], %swap3A_428 {strides = array<i32>} : memref<256x72xf32, #tpu.memory_space<vmem>>, vector<1x16xf32>,
    }
    %scan3A_336 = arith.constant 256 : i32
    "tpu.region"() ({
      %run_scoped3A_385 = tpu.sem_alloc : memref<!tpu.dma_semaphore, #tpu.memory_space<semaphore_mem>>
      %dma_start3A_386 = arith.constant 0 : i32
      %dma_start3A_387 = tpu.memref_slice %arg4[%add3A_290, %mul3A_5, %dma_start3A_386] : memref<16x4096x72xf32, #tpu.memory_space<hbm>> -> memref<1x256x72xf32, #tpu.memory_space<hbm>>
      %dma_start3A_388 = tpu.memref_squeeze %dma_start3A_387 : memref<1x256x72xf32, #tpu.memory_space<hbm>> -> memref<256x72xf32, #tpu.memory_space<hbm>>
      %dma_start3A_389 = arith.constant 0 : i32
      %dma_start3A_390 = tpu.memref_slice %arg4[%add3A_290, %mul3A_5, %dma_start3A_389] : memref<16x4096x72xf32, #tpu.memory_space<hbm>> -> memref<1x256x72xf32, #tpu.memory_space<hbm>>
      %dma_start3A_391 = tpu.memref_squeeze %dma_start3A_390 : memref<1x256x72xf32, #tpu.memory_space<hbm>> -> memref<256x72xf32, #tpu.memory_space<hbm>>
      tpu.enqueue_dma source(%arg8 : memref<256x72xf32, #tpu.memory_space<vmem>>) target(%dma_start3A_391 : memref<256x72xf32, #tpu.memory_space<hbm>>) target_semaphore(%run_scoped3A_385 : memref<!tpu.dma_semaphore, #tpu.memory_space<semaphore_mem>>)
      %dma_wait3A_392 = arith.constant 0 : i32
      %dma_wait3A_393 = tpu.memref_slice %arg4[%add3A_290, %mul3A_5, %dma_wait3A_392] : memref<16x4096x72xf32, #tpu.memory_space<hbm>> -> memref<1x256x72xf32, #tpu.memory_space<hbm>>
      %dma_wait3A_394 = tpu.memref_squeeze %dma_wait3A_393 : memref<1x256x72xf32, #tpu.memory_space<hbm>> -> memref<256x72xf32, #tpu.memory_space<hbm>>
      %dma_wait3A_395 = arith.constant 0 : i32
      %dma_wait3A_396 = tpu.memref_slice %arg4[%add3A_290, %mul3A_5, %dma_wait3A_395] : memref<16x4096x72xf32, #tpu.memory_space<hbm>> -> memref<1x256x72xf32, #tpu.memory_space<hbm>>
      %dma_wait3A_397 = tpu.memref_squeeze %dma_wait3A_396 : memref<1x256x72xf32, #tpu.memory_space<hbm>> -> memref<256x72xf32, #tpu.memory_space<hbm>>
      tpu.wait_dma2 semaphore(%run_scoped3A_385 : memref<!tpu.dma_semaphore, #tpu.memory_space<semaphore_mem>>) src(%arg8 : memref<256x72xf32, #tpu.memory_space<vmem>>) dst(%dma_wait3A_397 : memref<256x72xf32, #tpu.memory_space<hbm>>)
      tpu.yield
    }) : () -> ()
    %add3A_337 = arith.constant 14 : i32
    %add3A_338 = arith.addi %add3A_337, %arg0 : i32
    %mul3A_339 = arith.constant 2 : i32
    %mul3A_340 = arith.muli %arg1, %mul3A_339 : i32
    %dma_start3A_341 = arith.constant 0 : i32
    %dma_start3A_342 = tpu.memref_slice %arg3[%add3A_338, %mul3A_340, %dma_start3A_341] : memref<16x32x128xi32, #tpu.memory_space<hbm>> -> memref<1x2x128xi32, #tpu.memory_space<hbm>>
    %dma_start3A_343 = tpu.memref_squeeze %dma_start3A_342 : memref<1x2x128xi32, #tpu.memory_space<hbm>> -> memref<2x128xi32, #tpu.memory_space<hbm>>
    %dma_start3A_344 = arith.constant 0 : i32
    %dma_start3A_345 = tpu.memref_slice %arg3[%add3A_338, %mul3A_340, %dma_start3A_344] : memref<16x32x128xi32, #tpu.memory_space<hbm>> -> memref<1x2x128xi32, #tpu.memory_space<hbm>>
    %dma_start3A_346 = tpu.memref_squeeze %dma_start3A_345 : memref<1x2x128xi32, #tpu.memory_space<hbm>> -> memref<2x128xi32, #tpu.memory_space<hbm>>
    tpu.enqueue_dma source(%dma_start3A_346 : memref<2x128xi32, #tpu.memory_space<hbm>>) target(%arg5 : memref<2x128xi32, #tpu.memory_space<vmem>>) target_semaphore(%arg9 : memref<!tpu.dma_semaphore, #tpu.memory_space<semaphore_mem>>)
    %mul3A_347 = arith.constant 256 : i32
    %mul3A_348 = arith.muli %arg1, %mul3A_347 : i32
    %dma_start3A_349 = arith.constant 0 : i32
    %dma_start3A_350 = tpu.memref_slice %arg2[%add3A_338, %mul3A_348, %dma_start3A_349] : memref<16x4096x128xf32, #tpu.memory_space<hbm>> -> memref<1x256x128xf32, #tpu.memory_space<hbm>>
    %dma_start3A_351 = tpu.memref_squeeze %dma_start3A_350 : memref<1x256x128xf32, #tpu.memory_space<hbm>> -> memref<256x128xf32, #tpu.memory_space<hbm>>
    %dma_start3A_352 = arith.constant 0 : i32
    %dma_start3A_353 = tpu.memref_slice %arg2[%add3A_338, %mul3A_348, %dma_start3A_352] : memref<16x4096x128xf32, #tpu.memory_space<hbm>> -> memref<1x256x128xf32, #tpu.memory_space<hbm>>
    %dma_start3A_354 = tpu.memref_squeeze %dma_start3A_353 : memref<1x256x128xf32, #tpu.memory_space<hbm>> -> memref<256x128xf32, #tpu.memory_space<hbm>>
    tpu.enqueue_dma source(%dma_start3A_354 : memref<256x128xf32, #tpu.memory_space<hbm>>) target(%arg6 : memref<256x128xf32, #tpu.memory_space<vmem>>) target_semaphore(%arg9 : memref<!tpu.dma_semaphore, #tpu.memory_space<semaphore_mem>>)
    %add3A_355 = arith.constant 0 : i32
    %add3A_356 = arith.addi %mul3A_5, %add3A_355 : i32
    "tpu.region"() ({
      %run_scoped3A_385 = tpu.sem_alloc : memref<!tpu.dma_semaphore, #tpu.memory_space<semaphore_mem>>
      %dma_start3A_386 = arith.constant 0 : i32
      %dma_start3A_387 = tpu.memref_slice %arg10[%add3A_356, %dma_start3A_386] : memref<4104x128xf32, #tpu.memory_space<vmem_shared>> -> memref<64x128xf32, #tpu.memory_space<vmem_shared>>
      %dma_start3A_388 = arith.constant 0 : i32
      %dma_start3A_389 = tpu.memref_slice %arg10[%add3A_356, %dma_start3A_388] : memref<4104x128xf32, #tpu.memory_space<vmem_shared>> -> memref<64x128xf32, #tpu.memory_space<vmem_shared>>
      tpu.enqueue_dma source(%arg7 : memref<64x128xf32, #tpu.memory_space<vmem>>) target(%dma_start3A_389 : memref<64x128xf32, #tpu.memory_space<vmem_shared>>) target_semaphore(%run_scoped3A_385 : memref<!tpu.dma_semaphore, #tpu.memory_space<semaphore_mem>>)
      %dma_wait3A_390 = arith.constant 0 : i32
      %dma_wait3A_391 = tpu.memref_slice %arg10[%add3A_356, %dma_wait3A_390] : memref<4104x128xf32, #tpu.memory_space<vmem_shared>> -> memref<64x128xf32, #tpu.memory_space<vmem_shared>>
      %dma_wait3A_392 = arith.constant 0 : i32
      %dma_wait3A_393 = tpu.memref_slice %arg10[%add3A_356, %dma_wait3A_392] : memref<4104x128xf32, #tpu.memory_space<vmem_shared>> -> memref<64x128xf32, #tpu.memory_space<vmem_shared>>
      tpu.wait_dma2 semaphore(%run_scoped3A_385 : memref<!tpu.dma_semaphore, #tpu.memory_space<semaphore_mem>>) src(%arg7 : memref<64x128xf32, #tpu.memory_space<vmem>>) dst(%dma_wait3A_393 : memref<64x128xf32, #tpu.memory_space<vmem_shared>>)
      tpu.yield
    }) : () -> ()
    %add3A_357 = arith.constant 64 : i32
    %add3A_358 = arith.addi %mul3A_5, %add3A_357 : i32
    "tpu.region"() ({
      %run_scoped3A_385 = tpu.sem_alloc : memref<!tpu.dma_semaphore, #tpu.memory_space<semaphore_mem>>
      %dma_start3A_386 = arith.constant 0 : i32
      %dma_start3A_387 = tpu.memref_slice %arg10[%add3A_358, %dma_start3A_386] : memref<4104x128xf32, #tpu.memory_space<vmem_shared>> -> memref<64x128xf32, #tpu.memory_space<vmem_shared>>
      %dma_start3A_388 = arith.constant 0 : i32
      %dma_start3A_389 = tpu.memref_slice %arg10[%add3A_358, %dma_start3A_388] : memref<4104x128xf32, #tpu.memory_space<vmem_shared>> -> memref<64x128xf32, #tpu.memory_space<vmem_shared>>
      tpu.enqueue_dma source(%arg7 : memref<64x128xf32, #tpu.memory_space<vmem>>) target(%dma_start3A_389 : memref<64x128xf32, #tpu.memory_space<vmem_shared>>) target_semaphore(%run_scoped3A_385 : memref<!tpu.dma_semaphore, #tpu.memory_space<semaphore_mem>>)
      %dma_wait3A_390 = arith.constant 0 : i32
      %dma_wait3A_391 = tpu.memref_slice %arg10[%add3A_358, %dma_wait3A_390] : memref<4104x128xf32, #tpu.memory_space<vmem_shared>> -> memref<64x128xf32, #tpu.memory_space<vmem_shared>>
      %dma_wait3A_392 = arith.constant 0 : i32
      %dma_wait3A_393 = tpu.memref_slice %arg10[%add3A_358, %dma_wait3A_392] : memref<4104x128xf32, #tpu.memory_space<vmem_shared>> -> memref<64x128xf32, #tpu.memory_space<vmem_shared>>
      tpu.wait_dma2 semaphore(%run_scoped3A_385 : memref<!tpu.dma_semaphore, #tpu.memory_space<semaphore_mem>>) src(%arg7 : memref<64x128xf32, #tpu.memory_space<vmem>>) dst(%dma_wait3A_393 : memref<64x128xf32, #tpu.memory_space<vmem_shared>>)
      tpu.yield
    }) : () -> ()
    %add3A_359 = arith.constant 128 : i32
    %add3A_360 = arith.addi %mul3A_5, %add3A_359 : i32
    "tpu.region"() ({
      %run_scoped3A_385 = tpu.sem_alloc : memref<!tpu.dma_semaphore, #tpu.memory_space<semaphore_mem>>
      %dma_start3A_386 = arith.constant 0 : i32
      %dma_start3A_387 = tpu.memref_slice %arg10[%add3A_360, %dma_start3A_386] : memref<4104x128xf32, #tpu.memory_space<vmem_shared>> -> memref<64x128xf32, #tpu.memory_space<vmem_shared>>
      %dma_start3A_388 = arith.constant 0 : i32
      %dma_start3A_389 = tpu.memref_slice %arg10[%add3A_360, %dma_start3A_388] : memref<4104x128xf32, #tpu.memory_space<vmem_shared>> -> memref<64x128xf32, #tpu.memory_space<vmem_shared>>
      tpu.enqueue_dma source(%arg7 : memref<64x128xf32, #tpu.memory_space<vmem>>) target(%dma_start3A_389 : memref<64x128xf32, #tpu.memory_space<vmem_shared>>) target_semaphore(%run_scoped3A_385 : memref<!tpu.dma_semaphore, #tpu.memory_space<semaphore_mem>>)
      %dma_wait3A_390 = arith.constant 0 : i32
      %dma_wait3A_391 = tpu.memref_slice %arg10[%add3A_360, %dma_wait3A_390] : memref<4104x128xf32, #tpu.memory_space<vmem_shared>> -> memref<64x128xf32, #tpu.memory_space<vmem_shared>>
      %dma_wait3A_392 = arith.constant 0 : i32
      %dma_wait3A_393 = tpu.memref_slice %arg10[%add3A_360, %dma_wait3A_392] : memref<4104x128xf32, #tpu.memory_space<vmem_shared>> -> memref<64x128xf32, #tpu.memory_space<vmem_shared>>
      tpu.wait_dma2 semaphore(%run_scoped3A_385 : memref<!tpu.dma_semaphore, #tpu.memory_space<semaphore_mem>>) src(%arg7 : memref<64x128xf32, #tpu.memory_space<vmem>>) dst(%dma_wait3A_393 : memref<64x128xf32, #tpu.memory_space<vmem_shared>>)
      tpu.yield
    }) : () -> ()
    %add3A_361 = arith.constant 192 : i32
    %add3A_362 = arith.addi %mul3A_5, %add3A_361 : i32
    "tpu.region"() ({
      %run_scoped3A_385 = tpu.sem_alloc : memref<!tpu.dma_semaphore, #tpu.memory_space<semaphore_mem>>
      %dma_start3A_386 = arith.constant 0 : i32
      %dma_start3A_387 = tpu.memref_slice %arg10[%add3A_362, %dma_start3A_386] : memref<4104x128xf32, #tpu.memory_space<vmem_shared>> -> memref<64x128xf32, #tpu.memory_space<vmem_shared>>
      %dma_start3A_388 = arith.constant 0 : i32
      %dma_start3A_389 = tpu.memref_slice %arg10[%add3A_362, %dma_start3A_388] : memref<4104x128xf32, #tpu.memory_space<vmem_shared>> -> memref<64x128xf32, #tpu.memory_space<vmem_shared>>
      tpu.enqueue_dma source(%arg7 : memref<64x128xf32, #tpu.memory_space<vmem>>) target(%dma_start3A_389 : memref<64x128xf32, #tpu.memory_space<vmem_shared>>) target_semaphore(%run_scoped3A_385 : memref<!tpu.dma_semaphore, #tpu.memory_space<semaphore_mem>>)
      %dma_wait3A_390 = arith.constant 0 : i32
      %dma_wait3A_391 = tpu.memref_slice %arg10[%add3A_362, %dma_wait3A_390] : memref<4104x128xf32, #tpu.memory_space<vmem_shared>> -> memref<64x128xf32, #tpu.memory_space<vmem_shared>>
      %dma_wait3A_392 = arith.constant 0 : i32
      %dma_wait3A_393 = tpu.memref_slice %arg10[%add3A_362, %dma_wait3A_392] : memref<4104x128xf32, #tpu.memory_space<vmem_shared>> -> memref<64x128xf32, #tpu.memory_space<vmem_shared>>
      tpu.wait_dma2 semaphore(%run_scoped3A_385 : memref<!tpu.dma_semaphore, #tpu.memory_space<semaphore_mem>>) src(%arg7 : memref<64x128xf32, #tpu.memory_space<vmem>>) dst(%dma_wait3A_393 : memref<64x128xf32, #tpu.memory_space<vmem_shared>>)
      tpu.yield
    }) : () -> ()
    %barrier3A_363 = arith.constant 0 : index
    tpu.barrier barrier_id(%barrier3A_363)
    %dma_wait3A_364 = arith.constant 0 : i32
    %dma_wait3A_365 = tpu.memref_slice %arg3[%add3A_338, %mul3A_340, %dma_wait3A_364] : memref<16x32x128xi32, #tpu.memory_space<hbm>> -> memref<1x2x128xi32, #tpu.memory_space<hbm>>
    %dma_wait3A_366 = tpu.memref_squeeze %dma_wait3A_365 : memref<1x2x128xi32, #tpu.memory_space<hbm>> -> memref<2x128xi32, #tpu.memory_space<hbm>>
    %dma_wait3A_367 = arith.constant 0 : i32
    %dma_wait3A_368 = tpu.memref_slice %arg3[%add3A_338, %mul3A_340, %dma_wait3A_367] : memref<16x32x128xi32, #tpu.memory_space<hbm>> -> memref<1x2x128xi32, #tpu.memory_space<hbm>>
    %dma_wait3A_369 = tpu.memref_squeeze %dma_wait3A_368 : memref<1x2x128xi32, #tpu.memory_space<hbm>> -> memref<2x128xi32, #tpu.memory_space<hbm>>
    tpu.wait_dma2 semaphore(%arg9 : memref<!tpu.dma_semaphore, #tpu.memory_space<semaphore_mem>>) src(%dma_wait3A_369 : memref<2x128xi32, #tpu.memory_space<hbm>>) dst(%arg5 : memref<2x128xi32, #tpu.memory_space<vmem>>)
    %dma_wait3A_370 = arith.constant 0 : i32
    %dma_wait3A_371 = tpu.memref_slice %arg2[%add3A_338, %mul3A_348, %dma_wait3A_370] : memref<16x4096x128xf32, #tpu.memory_space<hbm>> -> memref<1x256x128xf32, #tpu.memory_space<hbm>>
    %dma_wait3A_372 = tpu.memref_squeeze %dma_wait3A_371 : memref<1x256x128xf32, #tpu.memory_space<hbm>> -> memref<256x128xf32, #tpu.memory_space<hbm>>
    %dma_wait3A_373 = arith.constant 0 : i32
    %dma_wait3A_374 = tpu.memref_slice %arg2[%add3A_338, %mul3A_348, %dma_wait3A_373] : memref<16x4096x128xf32, #tpu.memory_space<hbm>> -> memref<1x256x128xf32, #tpu.memory_space<hbm>>
    %dma_wait3A_375 = tpu.memref_squeeze %dma_wait3A_374 : memref<1x256x128xf32, #tpu.memory_space<hbm>> -> memref<256x128xf32, #tpu.memory_space<hbm>>
    tpu.wait_dma2 semaphore(%arg9 : memref<!tpu.dma_semaphore, #tpu.memory_space<semaphore_mem>>) src(%dma_wait3A_375 : memref<256x128xf32, #tpu.memory_space<hbm>>) dst(%arg6 : memref<256x128xf32, #tpu.memory_space<vmem>>)
    %run_scoped3A_376 = arith.constant 0 : i32
    "tpu.region"() ({
      %run_scoped3A_385 = tpu.sem_alloc : memref<!tpu.dma_semaphore, #tpu.memory_space<semaphore_mem>>
      %dma_start3A_386 = arith.constant 0 : i32
      %dma_start3A_387 = arith.constant 0 : i32
      %dma_start3A_388 = tpu.memref_slice %arg6[%dma_start3A_386, %dma_start3A_387] : memref<256x128xf32, #tpu.memory_space<vmem>> -> memref<128x128xf32, #tpu.memory_space<vmem>>
      %dma_start3A_389 = arith.constant 0 : i32
      %dma_start3A_390 = tpu.memref_slice %arg5[%run_scoped3A_376, %dma_start3A_389] : memref<2x128xi32, #tpu.memory_space<vmem>> -> memref<1x128xi32, #tpu.memory_space<vmem>>
      %dma_start3A_391 = tpu.memref_squeeze %dma_start3A_390 : memref<1x128xi32, #tpu.memory_space<vmem>> -> memref<128xi32, #tpu.memory_space<vmem>>
      %dma_start3A_392 = arith.constant 0 : i32
      %dma_start3A_393 = arith.constant 0 : i32
      %dma_start3A_394 = tpu.memref_slice %arg10[%dma_start3A_392, %dma_start3A_393] : memref<4104x128xf32, #tpu.memory_space<vmem_shared>> -> memref<4104x128xf32, #tpu.memory_space<vmem_shared>>
      tpu.enqueue_indirect_dma source(%dma_start3A_388 : memref<128x128xf32, #tpu.memory_space<vmem>>) target(%dma_start3A_394 : memref<4104x128xf32, #tpu.memory_space<vmem_shared>>) offsets(%dma_start3A_391 : memref<128xi32, #tpu.memory_space<vmem>>) semaphore(%run_scoped3A_385 : memref<!tpu.dma_semaphore, #tpu.memory_space<semaphore_mem>>) {add = true}
      %dma_wait3A_395 = arith.constant 0 : i32
      %dma_wait3A_396 = arith.constant 0 : i32
      %dma_wait3A_397 = tpu.memref_slice %arg6[%dma_wait3A_395, %dma_wait3A_396] : memref<256x128xf32, #tpu.memory_space<vmem>> -> memref<128x128xf32, #tpu.memory_space<vmem>>
      %dma_wait3A_398 = arith.constant 0 : i32
      %dma_wait3A_399 = tpu.memref_slice %arg5[%run_scoped3A_376, %dma_wait3A_398] : memref<2x128xi32, #tpu.memory_space<vmem>> -> memref<1x128xi32, #tpu.memory_space<vmem>>
      %dma_wait3A_400 = tpu.memref_squeeze %dma_wait3A_399 : memref<1x128xi32, #tpu.memory_space<vmem>> -> memref<128xi32, #tpu.memory_space<vmem>>
      %dma_wait3A_401 = arith.constant 0 : i32
      %dma_wait3A_402 = arith.constant 0 : i32
      %dma_wait3A_403 = tpu.memref_slice %arg10[%dma_wait3A_401, %dma_wait3A_402] : memref<4104x128xf32, #tpu.memory_space<vmem_shared>> -> memref<4104x128xf32, #tpu.memory_space<vmem_shared>>
      tpu.wait_indirect_dma semaphore(%run_scoped3A_385 : memref<!tpu.dma_semaphore, #tpu.memory_space<semaphore_mem>>) src(%dma_wait3A_397 : memref<128x128xf32, #tpu.memory_space<vmem>>) dst(%dma_wait3A_403 : memref<4104x128xf32, #tpu.memory_space<vmem_shared>>)
      tpu.yield
    }) : () -> ()
    %run_scoped3A_377 = arith.constant 1 : i32
    "tpu.region"() ({
      %run_scoped3A_385 = tpu.sem_alloc : memref<!tpu.dma_semaphore, #tpu.memory_space<semaphore_mem>>
      %dma_start3A_386 = arith.constant 128 : i32
      %dma_start3A_387 = arith.constant 0 : i32
      %dma_start3A_388 = tpu.memref_slice %arg6[%dma_start3A_386, %dma_start3A_387] : memref<256x128xf32, #tpu.memory_space<vmem>> -> memref<128x128xf32, #tpu.memory_space<vmem>>
      %dma_start3A_389 = arith.constant 0 : i32
      %dma_start3A_390 = tpu.memref_slice %arg5[%run_scoped3A_377, %dma_start3A_389] : memref<2x128xi32, #tpu.memory_space<vmem>> -> memref<1x128xi32, #tpu.memory_space<vmem>>
      %dma_start3A_391 = tpu.memref_squeeze %dma_start3A_390 : memref<1x128xi32, #tpu.memory_space<vmem>> -> memref<128xi32, #tpu.memory_space<vmem>>
      %dma_start3A_392 = arith.constant 0 : i32
      %dma_start3A_393 = arith.constant 0 : i32
      %dma_start3A_394 = tpu.memref_slice %arg10[%dma_start3A_392, %dma_start3A_393] : memref<4104x128xf32, #tpu.memory_space<vmem_shared>> -> memref<4104x128xf32, #tpu.memory_space<vmem_shared>>
      tpu.enqueue_indirect_dma source(%dma_start3A_388 : memref<128x128xf32, #tpu.memory_space<vmem>>) target(%dma_start3A_394 : memref<4104x128xf32, #tpu.memory_space<vmem_shared>>) offsets(%dma_start3A_391 : memref<128xi32, #tpu.memory_space<vmem>>) semaphore(%run_scoped3A_385 : memref<!tpu.dma_semaphore, #tpu.memory_space<semaphore_mem>>) {add = true}
      %dma_wait3A_395 = arith.constant 128 : i32
      %dma_wait3A_396 = arith.constant 0 : i32
      %dma_wait3A_397 = tpu.memref_slice %arg6[%dma_wait3A_395, %dma_wait3A_396] : memref<256x128xf32, #tpu.memory_space<vmem>> -> memref<128x128xf32, #tpu.memory_space<vmem>>
      %dma_wait3A_398 = arith.constant 0 : i32
      %dma_wait3A_399 = tpu.memref_slice %arg5[%run_scoped3A_377, %dma_wait3A_398] : memref<2x128xi32, #tpu.memory_space<vmem>> -> memref<1x128xi32, #tpu.memory_space<vmem>>
      %dma_wait3A_400 = tpu.memref_squeeze %dma_wait3A_399 : memref<1x128xi32, #tpu.memory_space<vmem>> -> memref<128xi32, #tpu.memory_space<vmem>>
      %dma_wait3A_401 = arith.constant 0 : i32
      %dma_wait3A_402 = arith.constant 0 : i32
      %dma_wait3A_403 = tpu.memref_slice %arg10[%dma_wait3A_401, %dma_wait3A_402] : memref<4104x128xf32, #tpu.memory_space<vmem_shared>> -> memref<4104x128xf32, #tpu.memory_space<vmem_shared>>
      tpu.wait_indirect_dma semaphore(%run_scoped3A_385 : memref<!tpu.dma_semaphore, #tpu.memory_space<semaphore_mem>>) src(%dma_wait3A_397 : memref<128x128xf32, #tpu.memory_space<vmem>>) dst(%dma_wait3A_403 : memref<4104x128xf32, #tpu.memory_space<vmem_shared>>)
      tpu.yield
    }) : () -> ()
    %barrier3A_378 = arith.constant 0 : index
    tpu.barrier barrier_id(%barrier3A_378)
    "tpu.region"() ({
      %run_scoped3A_385 = tpu.sem_alloc : memref<!tpu.dma_semaphore, #tpu.memory_space<semaphore_mem>>
      %dma_start3A_386 = arith.constant 0 : i32
      %dma_start3A_387 = tpu.memref_slice %arg10[%mul3A_5, %dma_start3A_386] : memref<4104x128xf32, #tpu.memory_space<vmem_shared>> -> memref<256x128xf32, #tpu.memory_space<vmem_shared>>
      %dma_start3A_388 = arith.constant 0 : i32
      %dma_start3A_389 = tpu.memref_slice %arg10[%mul3A_5, %dma_start3A_388] : memref<4104x128xf32, #tpu.memory_space<vmem_shared>> -> memref<256x128xf32, #tpu.memory_space<vmem_shared>>
      tpu.enqueue_dma source(%dma_start3A_389 : memref<256x128xf32, #tpu.memory_space<vmem_shared>>) target(%arg6 : memref<256x128xf32, #tpu.memory_space<vmem>>) target_semaphore(%run_scoped3A_385 : memref<!tpu.dma_semaphore, #tpu.memory_space<semaphore_mem>>)
      %dma_wait3A_390 = arith.constant 0 : i32
      %dma_wait3A_391 = tpu.memref_slice %arg10[%mul3A_5, %dma_wait3A_390] : memref<4104x128xf32, #tpu.memory_space<vmem_shared>> -> memref<256x128xf32, #tpu.memory_space<vmem_shared>>
      %dma_wait3A_392 = arith.constant 0 : i32
      %dma_wait3A_393 = tpu.memref_slice %arg10[%mul3A_5, %dma_wait3A_392] : memref<4104x128xf32, #tpu.memory_space<vmem_shared>> -> memref<256x128xf32, #tpu.memory_space<vmem_shared>>
      tpu.wait_dma2 semaphore(%run_scoped3A_385 : memref<!tpu.dma_semaphore, #tpu.memory_space<semaphore_mem>>) src(%dma_wait3A_393 : memref<256x128xf32, #tpu.memory_space<vmem_shared>>) dst(%arg6 : memref<256x128xf32, #tpu.memory_space<vmem>>)
      tpu.yield
    }) : () -> ()
    %scan3A_379 = arith.constant 0 : i32
    %scan3A_380 = arith.constant 0 : i32
    %scan3A_381 = arith.constant 256 : i32
    %scan3A_382 = arith.addi %scan3A_380, %scan3A_381 : i32
    %scan3A_383 = arith.constant 1 : i32
    scf.for %scan3A_385 = %scan3A_380 to %scan3A_382 step %scan3A_383  : i32 {
      %get3A = arith.index_cast %scan3A_385 : i32 to index
      %get3A_386 = arith.constant 0 : index
      %get3A_387 = tpu.vector_load %arg6[%get3A, %get3A_386] {strides = array<i32>} : memref<256x128xf32, #tpu.memory_space<vmem>>, vector<1x16xf32>,
      %get3A_388 = vector.shape_cast %get3A_387 : vector<1x16xf32> to vector<16xf32>
      %swap3A = arith.index_cast %scan3A_385 : i32 to index
      %swap3A_389 = arith.constant 0 : index
      %swap3A_390 = tpu.vector_load %arg8[%swap3A, %swap3A_389] {strides = array<i32>} : memref<256x72xf32, #tpu.memory_space<vmem>>, vector<1x16xf32>,
      %swap3A_391 = vector.shape_cast %swap3A_390 : vector<1x16xf32> to vector<16xf32>
      %swap3A_392 = vector.shape_cast %get3A_388 : vector<16xf32> to vector<1x16xf32>
      tpu.vector_store %arg8[%swap3A, %swap3A_389], %swap3A_392 {strides = array<i32>} : memref<256x72xf32, #tpu.memory_space<vmem>>, vector<1x16xf32>,
      %get3A_393 = arith.index_cast %scan3A_385 : i32 to index
      %get3A_394 = arith.constant 16 : index
      %get3A_395 = tpu.vector_load %arg6[%get3A_393, %get3A_394] {strides = array<i32>} : memref<256x128xf32, #tpu.memory_space<vmem>>, vector<1x16xf32>,
      %get3A_396 = vector.shape_cast %get3A_395 : vector<1x16xf32> to vector<16xf32>
      %swap3A_397 = arith.index_cast %scan3A_385 : i32 to index
      %swap3A_398 = arith.constant 16 : index
      %swap3A_399 = tpu.vector_load %arg8[%swap3A_397, %swap3A_398] {strides = array<i32>} : memref<256x72xf32, #tpu.memory_space<vmem>>, vector<1x16xf32>,
      %swap3A_400 = vector.shape_cast %swap3A_399 : vector<1x16xf32> to vector<16xf32>
      %swap3A_401 = vector.shape_cast %get3A_396 : vector<16xf32> to vector<1x16xf32>
      tpu.vector_store %arg8[%swap3A_397, %swap3A_398], %swap3A_401 {strides = array<i32>} : memref<256x72xf32, #tpu.memory_space<vmem>>, vector<1x16xf32>,
      %get3A_402 = arith.index_cast %scan3A_385 : i32 to index
      %get3A_403 = arith.constant 32 : index
      %get3A_404 = tpu.vector_load %arg6[%get3A_402, %get3A_403] {strides = array<i32>} : memref<256x128xf32, #tpu.memory_space<vmem>>, vector<1x16xf32>,
      %get3A_405 = vector.shape_cast %get3A_404 : vector<1x16xf32> to vector<16xf32>
      %swap3A_406 = arith.index_cast %scan3A_385 : i32 to index
      %swap3A_407 = arith.constant 32 : index
      %swap3A_408 = tpu.vector_load %arg8[%swap3A_406, %swap3A_407] {strides = array<i32>} : memref<256x72xf32, #tpu.memory_space<vmem>>, vector<1x16xf32>,
      %swap3A_409 = vector.shape_cast %swap3A_408 : vector<1x16xf32> to vector<16xf32>
      %swap3A_410 = vector.shape_cast %get3A_405 : vector<16xf32> to vector<1x16xf32>
      tpu.vector_store %arg8[%swap3A_406, %swap3A_407], %swap3A_410 {strides = array<i32>} : memref<256x72xf32, #tpu.memory_space<vmem>>, vector<1x16xf32>,
      %get3A_411 = arith.index_cast %scan3A_385 : i32 to index
      %get3A_412 = arith.constant 48 : index
      %get3A_413 = tpu.vector_load %arg6[%get3A_411, %get3A_412] {strides = array<i32>} : memref<256x128xf32, #tpu.memory_space<vmem>>, vector<1x16xf32>,
      %get3A_414 = vector.shape_cast %get3A_413 : vector<1x16xf32> to vector<16xf32>
      %swap3A_415 = arith.index_cast %scan3A_385 : i32 to index
      %swap3A_416 = arith.constant 48 : index
      %swap3A_417 = tpu.vector_load %arg8[%swap3A_415, %swap3A_416] {strides = array<i32>} : memref<256x72xf32, #tpu.memory_space<vmem>>, vector<1x16xf32>,
      %swap3A_418 = vector.shape_cast %swap3A_417 : vector<1x16xf32> to vector<16xf32>
      %swap3A_419 = vector.shape_cast %get3A_414 : vector<16xf32> to vector<1x16xf32>
      tpu.vector_store %arg8[%swap3A_415, %swap3A_416], %swap3A_419 {strides = array<i32>} : memref<256x72xf32, #tpu.memory_space<vmem>>, vector<1x16xf32>,
      %get3A_420 = arith.index_cast %scan3A_385 : i32 to index
      %get3A_421 = arith.constant 56 : index
      %get3A_422 = tpu.vector_load %arg6[%get3A_420, %get3A_421] {strides = array<i32>} : memref<256x128xf32, #tpu.memory_space<vmem>>, vector<1x16xf32>,
      %get3A_423 = vector.shape_cast %get3A_422 : vector<1x16xf32> to vector<16xf32>
      %swap3A_424 = arith.index_cast %scan3A_385 : i32 to index
      %swap3A_425 = arith.constant 56 : index
      %swap3A_426 = tpu.vector_load %arg8[%swap3A_424, %swap3A_425] {strides = array<i32>} : memref<256x72xf32, #tpu.memory_space<vmem>>, vector<1x16xf32>,
      %swap3A_427 = vector.shape_cast %swap3A_426 : vector<1x16xf32> to vector<16xf32>
      %swap3A_428 = vector.shape_cast %get3A_423 : vector<16xf32> to vector<1x16xf32>
      tpu.vector_store %arg8[%swap3A_424, %swap3A_425], %swap3A_428 {strides = array<i32>} : memref<256x72xf32, #tpu.memory_space<vmem>>, vector<1x16xf32>,
    }
    %scan3A_384 = arith.constant 256 : i32
    "tpu.region"() ({
      %run_scoped3A_385 = tpu.sem_alloc : memref<!tpu.dma_semaphore, #tpu.memory_space<semaphore_mem>>
      %dma_start3A_386 = arith.constant 0 : i32
      %dma_start3A_387 = tpu.memref_slice %arg4[%add3A_338, %mul3A_5, %dma_start3A_386] : memref<16x4096x72xf32, #tpu.memory_space<hbm>> -> memref<1x256x72xf32, #tpu.memory_space<hbm>>
      %dma_start3A_388 = tpu.memref_squeeze %dma_start3A_387 : memref<1x256x72xf32, #tpu.memory_space<hbm>> -> memref<256x72xf32, #tpu.memory_space<hbm>>
      %dma_start3A_389 = arith.constant 0 : i32
      %dma_start3A_390 = tpu.memref_slice %arg4[%add3A_338, %mul3A_5, %dma_start3A_389] : memref<16x4096x72xf32, #tpu.memory_space<hbm>> -> memref<1x256x72xf32, #tpu.memory_space<hbm>>
      %dma_start3A_391 = tpu.memref_squeeze %dma_start3A_390 : memref<1x256x72xf32, #tpu.memory_space<hbm>> -> memref<256x72xf32, #tpu.memory_space<hbm>>
      tpu.enqueue_dma source(%arg8 : memref<256x72xf32, #tpu.memory_space<vmem>>) target(%dma_start3A_391 : memref<256x72xf32, #tpu.memory_space<hbm>>) target_semaphore(%run_scoped3A_385 : memref<!tpu.dma_semaphore, #tpu.memory_space<semaphore_mem>>)
      %dma_wait3A_392 = arith.constant 0 : i32
      %dma_wait3A_393 = tpu.memref_slice %arg4[%add3A_338, %mul3A_5, %dma_wait3A_392] : memref<16x4096x72xf32, #tpu.memory_space<hbm>> -> memref<1x256x72xf32, #tpu.memory_space<hbm>>
      %dma_wait3A_394 = tpu.memref_squeeze %dma_wait3A_393 : memref<1x256x72xf32, #tpu.memory_space<hbm>> -> memref<256x72xf32, #tpu.memory_space<hbm>>
      %dma_wait3A_395 = arith.constant 0 : i32
      %dma_wait3A_396 = tpu.memref_slice %arg4[%add3A_338, %mul3A_5, %dma_wait3A_395] : memref<16x4096x72xf32, #tpu.memory_space<hbm>> -> memref<1x256x72xf32, #tpu.memory_space<hbm>>
      %dma_wait3A_397 = tpu.memref_squeeze %dma_wait3A_396 : memref<1x256x72xf32, #tpu.memory_space<hbm>> -> memref<256x72xf32, #tpu.memory_space<hbm>>
      tpu.wait_dma2 semaphore(%run_scoped3A_385 : memref<!tpu.dma_semaphore, #tpu.memory_space<semaphore_mem>>) src(%arg8 : memref<256x72xf32, #tpu.memory_space<vmem>>) dst(%dma_wait3A_397 : memref<256x72xf32, #tpu.memory_space<hbm>>)
      tpu.yield
    }) : () -> ()
    return
  }
}

module attributes {stable_mosaic.version = 14 : i64} {
  func.func @_tc_body(%arg0: i32, %arg1: memref<1x32x128xi32, #tpu.memory_space<vmem>>, %arg2: memref<1x4096x256xf32, #tpu.memory_space<vmem>>, %arg3: memref<256x128xf32, #tpu.memory_space<vmem>>, %arg4: memref<1x4096x128xf32, #tpu.memory_space<vmem>>, %arg5: memref<1x32x128xi32, #tpu.memory_space<vmem>>) attributes {dimension_semantics = [#tpu.dimension_semantics<arbitrary>], iteration_bounds = array<i64: 16>, scalar_prefetch = 0 : i64, scratch_operands = 0 : i64, tpu.core_type = #tpu.core_type<tc>, window_params = [{transform_indices = @transform_0, window_bounds = array<i64: 1, 32, 128>}, {transform_indices = @transform_1, window_bounds = array<i64: 1, 4096, 256>}, {pipeline_mode = #tpu.pipeline_mode<synchronous>, transform_indices = @transform_2, window_bounds = array<i64: 256, 128>}, {transform_indices = @transform_3, window_bounds = array<i64: 1, 4096, 128>}, {transform_indices = @transform_4, window_bounds = array<i64: 1, 32, 128>}]} {
    %get3A = arith.constant 0 : index
    %get3A_0 = arith.constant 0 : index
    %get3A_1 = arith.constant 0 : index
    %get3A_2 = vector.load %arg1[%get3A, %get3A_0, %get3A_1] : memref<1x32x128xi32, #tpu.memory_space<vmem>>, vector<1x32x128xi32>
    %get3A_3 = vector.shape_cast %get3A_2 : vector<1x32x128xi32> to vector<32x128xi32>
    %eq3A = arith.constant 1 : i32
    %eq3A_4 = vector.broadcast %eq3A : i32 to vector<32x128xi32>
    %eq3A_5 = arith.cmpi eq, %get3A_3, %eq3A_4 : vector<32x128xi32>
    %eq3A_6 = arith.constant 2 : i32
    %eq3A_7 = vector.broadcast %eq3A_6 : i32 to vector<32x128xi32>
    %eq3A_8 = arith.cmpi eq, %get3A_3, %eq3A_7 : vector<32x128xi32>
    %convert_element_type3A = arith.extui %eq3A_5 : vector<32x128xi1> to vector<32x128xi32>
    %convert_element_type3A_9 = arith.sitofp %convert_element_type3A : vector<32x128xi32> to vector<32x128xf32>
    %iota3A = tpu.iota {dimensions = array<i32: 0>} : vector<128x128xi32>
    %iota3A_10 = tpu.iota {dimensions = array<i32: 1>} : vector<128x128xi32>
    %le3A = arith.cmpi sle, %iota3A, %iota3A_10 : vector<128x128xi32>
    %convert_element_type3A_11 = arith.extui %le3A : vector<128x128xi1> to vector<128x128xi32>
    %convert_element_type3A_12 = arith.sitofp %convert_element_type3A_11 : vector<128x128xi32> to vector<128x128xf32>
    %dot_general3A = arith.constant dense<0.000000e+00> : vector<32x128xf32>
    %dot_general3A_13 = tpu.matmul %convert_element_type3A_9, %convert_element_type3A_12, %dot_general3A {dimension_numbers = #tpu.dot_dimension_numbers<[1], [0], [0], [1], [0, 0, 1, 1], [], []>, transpose_lhs_hint = false} : vector<32x128xf32>, vector<128x128xf32>, vector<32x128xf32> -> vector<32x128xf32>
    %iota3A_14 = tpu.iota {dimensions = array<i32: 0>} : vector<32x32xi32>
    %iota3A_15 = tpu.iota {dimensions = array<i32: 1>} : vector<32x32xi32>
    %lt3A = arith.cmpi slt, %iota3A_15, %iota3A_14 : vector<32x32xi32>
    %convert_element_type3A_16 = arith.extui %lt3A : vector<32x32xi1> to vector<32x32xi32>
    %convert_element_type3A_17 = arith.sitofp %convert_element_type3A_16 : vector<32x32xi32> to vector<32x32xf32>
    %slice3A = vector.extract_strided_slice %dot_general3A_13 {offsets = [0, 127], sizes = [32, 1], strides = [1, 1]} : vector<32x128xf32> to vector<32x1xf32>
    %dot_general3A_18 = arith.constant dense<0.000000e+00> : vector<32x1xf32>
    %dot_general3A_19 = tpu.matmul %convert_element_type3A_17, %slice3A, %dot_general3A_18 {dimension_numbers = #tpu.dot_dimension_numbers<[1], [0], [0], [1], [0, 0, 1, 1], [], []>, transpose_lhs_hint = false} : vector<32x32xf32>, vector<32x1xf32>, vector<32x1xf32> -> vector<32x1xf32>
    %add3A = vector.broadcast %dot_general3A_19 : vector<32x1xf32> to vector<32x128xf32>
    %add3A_20 = arith.addf %dot_general3A_13, %add3A : vector<32x128xf32>
    %convert_element_type3A_21 = arith.fptosi %add3A_20 : vector<32x128xf32> to vector<32x128xi32>
    %sub3A = arith.constant 1 : i32
    %sub3A_22 = vector.broadcast %sub3A : i32 to vector<32x128xi32>
    %sub3A_23 = arith.subi %convert_element_type3A_21, %sub3A_22 : vector<32x128xi32>
    %or3A = arith.ori %eq3A_5, %eq3A_8 : vector<32x128xi1>
    %ge3A = arith.constant 0 : i32
    %ge3A_24 = vector.broadcast %ge3A : i32 to vector<32x128xi32>
    %ge3A_25 = arith.cmpi sge, %sub3A_23, %ge3A_24 : vector<32x128xi32>
    %and3A = arith.andi %or3A, %ge3A_25 : vector<32x128xi1>
    %jit3A = arith.constant 4096 : i32
    %broadcast_in_dim3A = vector.broadcast %jit3A : i32 to vector<32x128xi32>
    %select_n3A = arith.select %and3A, %sub3A_23, %broadcast_in_dim3A : vector<32x128xi1>, vector<32x128xi32>
    %swap3A = arith.constant 0 : index
    %swap3A_26 = arith.constant 0 : index
    %swap3A_27 = arith.constant 0 : index
    %swap3A_28 = vector.load %arg5[%swap3A, %swap3A_26, %swap3A_27] : memref<1x32x128xi32, #tpu.memory_space<vmem>>, vector<1x32x128xi32>
    %swap3A_29 = vector.shape_cast %swap3A_28 : vector<1x32x128xi32> to vector<32x128xi32>
    %swap3A_30 = vector.shape_cast %select_n3A : vector<32x128xi32> to vector<1x32x128xi32>
    tpu.vector_store %arg5[%swap3A, %swap3A_26, %swap3A_27], %swap3A_30 {strides = array<i32>} : memref<1x32x128xi32, #tpu.memory_space<vmem>>, vector<1x32x128xi32>,
    %get3A_31 = arith.constant 0 : index
    %get3A_32 = arith.constant 0 : index
    %get3A_33 = arith.constant 0 : index
    %get3A_34 = vector.load %arg2[%get3A_31, %get3A_32, %get3A_33] : memref<1x4096x256xf32, #tpu.memory_space<vmem>>, vector<1x4096x256xf32>
    %get3A_35 = vector.shape_cast %get3A_34 : vector<1x4096x256xf32> to vector<4096x256xf32>
    %get3A_36 = arith.constant 0 : index
    %get3A_37 = arith.constant 0 : index
    %get3A_38 = vector.load %arg3[%get3A_36, %get3A_37] : memref<256x128xf32, #tpu.memory_space<vmem>>, vector<256x128xf32>
    %dot_general3A_39 = arith.constant dense<0.000000e+00> : vector<4096x128xf32>
    %dot_general3A_40 = tpu.matmul %get3A_35, %get3A_38, %dot_general3A_39 {dimension_numbers = #tpu.dot_dimension_numbers<[1], [0], [0], [1], [0, 0, 1, 1], [], []>, transpose_lhs_hint = false} : vector<4096x256xf32>, vector<256x128xf32>, vector<4096x128xf32> -> vector<4096x128xf32>
    %swap3A_41 = arith.constant 0 : index
    %swap3A_42 = arith.constant 0 : index
    %swap3A_43 = arith.constant 0 : index
    %swap3A_44 = vector.load %arg4[%swap3A_41, %swap3A_42, %swap3A_43] : memref<1x4096x128xf32, #tpu.memory_space<vmem>>, vector<1x4096x128xf32>
    %swap3A_45 = vector.shape_cast %swap3A_44 : vector<1x4096x128xf32> to vector<4096x128xf32>
    %swap3A_46 = vector.shape_cast %dot_general3A_40 : vector<4096x128xf32> to vector<1x4096x128xf32>
    tpu.vector_store %arg4[%swap3A_41, %swap3A_42, %swap3A_43], %swap3A_46 {strides = array<i32>} : memref<1x4096x128xf32, #tpu.memory_space<vmem>>, vector<1x4096x128xf32>,
    return
  }
  func.func @transform_0(%arg0: i32) -> (i32, i32, i32) {
    %c0_i32 = arith.constant 0 : i32
    %c0_i32_0 = arith.constant 0 : i32
    %c0_i32_1 = arith.constant 0 : i32
    return %arg0, %c0_i32, %c0_i32_0 : i32, i32, i32
  }
  func.func @transform_1(%arg0: i32) -> (i32, i32, i32) {
    %c0_i32 = arith.constant 0 : i32
    %c0_i32_0 = arith.constant 0 : i32
    %c0_i32_1 = arith.constant 0 : i32
    return %arg0, %c0_i32, %c0_i32_0 : i32, i32, i32
  }
  func.func @transform_2(%arg0: i32) -> (i32, i32) {
    %c0_i32 = arith.constant 0 : i32
    %c0_i32_0 = arith.constant 0 : i32
    %c0_i32_1 = arith.constant 0 : i32
    return %c0_i32, %c0_i32_0 : i32, i32
  }
  func.func @transform_3(%arg0: i32) -> (i32, i32, i32) {
    %c0_i32 = arith.constant 0 : i32
    %c0_i32_0 = arith.constant 0 : i32
    %c0_i32_1 = arith.constant 0 : i32
    return %arg0, %c0_i32, %c0_i32_0 : i32, i32, i32
  }
  func.func @transform_4(%arg0: i32) -> (i32, i32, i32) {
    %c0_i32 = arith.constant 0 : i32
    %c0_i32_0 = arith.constant 0 : i32
    %c0_i32_1 = arith.constant 0 : i32
    return %arg0, %c0_i32, %c0_i32_0 : i32, i32, i32
  }
}

</mosaic_0001>

<sc_bundles>
// kernel: kernel.4.cloned.1.call-start
scs
__scs_entry_jumppad:
0x0: {  	(pc) =	sbr.rel $0x88, $3  }
0x1: {  	(tag) =	ssettag $0x0;
	lr =	simm.s32 $0x1  }
0x2: {  	[smem:$0x3F9E] =	sst lr;
	_ =	strace $0xD0000000  }
0x3: {  	_ = 	snop  }
0x4: {  	_ = 	snop  }
0x5: {  	_ = 	snop  }
0x6: {  	_ = 	snop  }
0x7: {  	_ = 	snop  }
__scs_overlays_trampoline_lowered:
0x8: {  	[smem:$0x3FAD] =	sst s0  }
0x9: {  	[smem:$0x3FAE] =	sst s1  }
0xa: {  	[smem:$0x3FAF] =	sst s2  }
0xb: {  	[smem:$0x3FB0] =	sst s3  }
0xc: {  	[smem:$0x3FB1] =	sst s4  }
0xd: {  	[smem:$0x3FB2] =	sst s5  }
0xe: {  	[smem:$0x3FB3] =	sst s6  }
0xf: {  	[smem:$0x3FB4] =	sst s7  }
0x10: {  	[smem:$0x3FB5] =	sst s8  }
0x11: {  	[smem:$0x3FB6] =	sst s9;
	s0 =	simm.s32 @!p0 $0x0  }
0x12: {  	s1 =	sld [smem:$0x3F9C];
	s0 =	simm.s32 @p0 $0x1  }
0x13: {  	[smem:$0x3FB7] =	sst s0;
	s0 =	simm.s32 @!p1 $0x0  }
0x14: {  	s2 =	sld [smem:$0x3F9B];
	s0 =	simm.s32 @p1 $0x1  }
0x15: {  	[smem:$0x3FB8] =	sst s0;
	s0 =	simm.s32 @!p2 $0x0  }
0x16: {  	s3 =	sld [smem:$0x3FDB];
	s0 =	simm.s32 @p2 $0x1  }
0x17: {  	s4 =	simm.s32 $0x1BF5;
	[smem:$0x3FBA] =	sst s0  }
0x18: {  	s0 =	sld [smem:$0x3F9D];
	_ =	swait.ge [sflag:s4], $0x0  }
0x19: {  	s7 =	sld [smem:$0x3F9E]  }
0x1a: {  	s8 =	sadd.s32 $0xFFFFE003, lr  }
0x1b: {  	s9 =	sadd.s32 $0xFFFFFEF7, lr;
	s5 =	simm.s32 $0xFFFFFFFF;
	p2 =	slt.u32 s8, $0xFFFFF086  }
0x1c: {  	p1 =	slt.u32 s9, $0xF7A;
	s5 =	simm.s32 @!p2 $0x0  }
0x1d: {  	s5 =	simm.s32 @p1 $0x1;
	p0 =	seq.s32 s7, s2  }
0x1e: {  	s7 =	smul.u32 @!p0 $0xF7A, s2;
	p2 =	seq.s32 @!p0 s5, $0x0  }
0x1f: {  	s9 =	smul.u32 $0xF7A, s1;
	s8 =	simm.s32 @!p0 $0x1BF5;
	p2 =	por !p2, p0  }
0x20: {  	[sflag:s8] =	ssyncset.s32 @!p0 $0xFFFFF086;
	s6 =	sadd.s32 @!p0 s3, s7;
	s7 =	simm.s32 @!p0 $0x108  }
0x21: {  	s3 =	sadd.s32 s3, s9;
	s6 =	sadd.s32 @!p0 $0x88, s6;
	s7 =	simm.s32 @p2 $0x1082  }
0x22: {  	[simem:s7], [sflag:s8] =	dma.local @!p0 [hbm:s6], $0xF7A  }
0x23: {  	s9 =	sor.u32 $0xD0000000, s2;
	s6 =	simm.s32 $0x108;
	_ =	swait.ge @!p0 [sflag:s8], $0x0  }
0x24: {  	s3 =	sadd.s32 $0x88, s3;
	s6 =	simm.s32 @!p1 $0x1082;
	[sflag:s4] =	ssyncset.s32 $0xFFFFF086  }
0x25: {  	[simem:s6], [sflag:s4] =	dma.local [hbm:s3], $0xF7A  }
0x26: {  	[smem:$0x3F9E] =	sst s1;
	(tag) =	ssettag s2;
	_ =	strace s9  }
0x27: {  	s1 =	sld [smem:$0x3FAE]  }
0x28: {  	s2 =	sld [smem:$0x3FAF]  }
0x29: {  	s4 =	sld [smem:$0x3FB1]  }
0x2a: {  	p0 =	seq.s32 s5, $0x0;
	s5 =	sld [smem:$0x3FB2]  }
0x2b: {  	s6 =	sld [smem:$0x3FB3]  }
0x2c: {  	s7 =	sld [smem:$0x3FB4]  }
0x2d: {  	s3 =	simm.s32 $0x108;
	s8 =	sld [smem:$0x3FB5]  }
0x2e: {  	s3 =	simm.s32 @!p0 $0x1082;
	s9 =	sld [smem:$0x3FB6]  }
0x2f: {  	lr =	sadd.s32 s0, s3;
	s0 =	sld [smem:$0x3FAD]  }
0x30: {  	s3 =	sld [smem:$0x3FB0]  }
0x31: {  	[smem:$0x3FB9] =	sst s10  }
0x32: {  	s10 =	sld [smem:$0x3FB7];
	_ =	sdelay $0x3  }
0x33: {  	p0 =	seq.s32 s10, $0x1;
	s10 =	sld [smem:$0x3FB9];
	_ =	sdelay $0x3  }
0x34: {  	[smem:$0x3FB9] =	sst s10  }
0x35: {  	s10 =	sld [smem:$0x3FB8];
	_ =	sdelay $0x3  }
0x36: {  	p1 =	seq.s32 s10, $0x1;
	s10 =	sld [smem:$0x3FB9];
	_ =	sdelay $0x3  }
0x37: {  	[smem:$0x3FB9] =	sst s10  }
0x38: {  	s10 =	sld [smem:$0x3FBA]  }
0x39: {  	_ = 	snop;
	(pc) =	sbr.ind lr, $3  }
0x3a: {  	_ = 	snop  }
0x3b: {  	_ = 	snop  }
0x3c: {  	p2 =	seq.s32 s10, $0x1;
	s10 =	sld [smem:$0x3FB9]  }
0x3d: {  	_ =	shalt  }
0x3e: {  	_ =	shalt  }
0x3f: {  	_ =	shalt  }
0x40: {  	_ =	shalt  }
0x41: {  	_ =	shalt  }
0x42: {  	_ =	shalt  }
0x43: {  	_ =	shalt  }
0x44: {  	_ =	shalt  }
0x45: {  	_ =	shalt  }
0x46: {  	_ =	shalt  }
0x47: {  	_ =	shalt  }
0x48: {  	_ =	shalt  }
0x49: {  	_ =	shalt  }
0x4a: {  	_ =	shalt  }
0x4b: {  	_ =	shalt  }
0x4c: {  	_ =	shalt  }
0x4d: {  	_ =	shalt  }
0x4e: {  	_ =	shalt  }
0x4f: {  	_ =	shalt  }
0x50: {  	_ =	shalt  }
0x51: {  	_ =	shalt  }
0x52: {  	_ =	shalt  }
0x53: {  	_ =	shalt  }
0x54: {  	_ =	shalt  }
0x55: {  	_ =	shalt  }
0x56: {  	_ =	shalt  }
0x57: {  	_ =	shalt  }
0x58: {  	_ =	shalt  }
0x59: {  	_ =	shalt  }
0x5a: {  	_ =	shalt  }
0x5b: {  	_ =	shalt  }
0x5c: {  	_ =	shalt  }
0x5d: {  	_ =	shalt  }
0x5e: {  	_ =	shalt  }
0x5f: {  	_ =	shalt  }
0x60: {  	_ =	shalt  }
0x61: {  	_ =	shalt  }
0x62: {  	_ =	shalt  }
0x63: {  	_ =	shalt  }
0x64: {  	_ =	shalt  }
0x65: {  	_ =	shalt  }
0x66: {  	_ =	shalt  }
0x67: {  	_ =	shalt  }
0x68: {  	_ =	shalt  }
0x69: {  	_ =	shalt  }
0x6a: {  	_ =	shalt  }
0x6b: {  	_ =	shalt  }
0x6c: {  	_ =	shalt  }
0x6d: {  	_ =	shalt  }
0x6e: {  	_ =	shalt  }
0x6f: {  	_ =	shalt  }
0x70: {  	_ =	shalt  }
0x71: {  	_ =	shalt  }
0x72: {  	_ =	shalt  }
0x73: {  	_ =	shalt  }
0x74: {  	_ =	shalt  }
0x75: {  	_ =	shalt  }
0x76: {  	_ =	shalt  }
0x77: {  	_ =	shalt  }
0x78: {  	_ =	shalt  }
0x79: {  	_ =	shalt  }
0x7a: {  	_ =	shalt  }
0x7b: {  	_ =	shalt  }
0x7c: {  	_ =	shalt  }
0x7d: {  	_ =	shalt  }
0x7e: {  	_ =	shalt  }
0x7f: {  	_ =	shalt  }
0x80: {  	_ =	shalt  }
0x81: {  	_ =	shalt  }
0x82: {  	_ =	shalt  }
0x83: {  	_ =	shalt  }
0x84: {  	_ =	shalt  }
0x85: {  	_ =	shalt  }
0x86: {  	_ =	shalt  }
0x87: {  	_ =	shalt  }
.Lfunc_end0:
.L_simem_size_0:
called_computation_lowered:
.L_overlay_start_0:
0x88: {  	s2 =	sld [smem:$0x3FD9]  }
0x89: {  	s3 =	sld [smem:$0x3FFE];
	_ =	sdelay $0x1  }
0x8a: {  	s1 =	srdreg.scid  }
0x8b: {  	s0 =	sand.u32 $0x1, s1  }
0x8c: {  	s17 =	sshll.u32 s0, $0xA;
	s2 =	sadd.s32 s3, s2  }
0x8d: {  	s2 =	sadd.s32 s2, s17  }
0x8e: {  	[smem:$0x3FC5] =	sst s2  }
0x8f: {  	_ = 	snop  }
0x90: {  	s2 =	sld [smem:$0x3FD0];
	(tm) =	ssettm $0x1  }
0x91: {  	s18 =	sld [smem:$0x3FFB];
	_ =	sdelay $0x3  }
0x92: {  	_ =	strace s18  }
0x93: {  	s3 =	sld [smem:$0x3FFC];
	_ =	sdelay $0x3  }
0x94: {  	_ =	strace s3  }
0x95: {  	s3 =	sld [smem:$0x3FFD];
	_ =	sdelay $0x3  }
0x96: {  	_ =	strace s3  }
0x97: {  	_ =	strace $0x8FFFFFFF  }
0x98: {  	s19 =	sld [smem:$0x3FDB];
	_ =	sdelay $0x1  }
0x99: {  	s4 =	simm.s32 $_scs_section_size  }
0x9a: {  	s5 =	simm.s32 $_size__tile_overlayer_lowered;
	s6 =	simm.s32 $_tile_overlayer_lowered  }
0x9b: {  	s22 =	simm.s32 $0x1BFF;
	s21 =	sshll.u32 s6, $0x1;
	s3 =	sadd.s32 s4, s19  }
0x9c: {  	s7 =	simm.s32 $0x0;
	s20 =	sshll.u32 s5, $0x1;
	s5 =	sadd.s32 s21, s3  }
0x9d: {  	[timem:s7], [sflag:s22] =	dma.local [hbm:s5], s20  }
0x9e: {  	_ =	swait.ge [sflag:s22], s20  }
0x9f: {  	s4 =	ssub.s32 $0x0, s20;
	[sflag:s22] =	ssyncset.done $0x0  }
0xa0: {  	[sflag:s22] =	ssyncadd.s32 s4;
	_ =	sdelay $0x1  }
0xa1: {  	s23 =	simm.s32 $0x1B8B  }
0xa2: {  	_ =	swait.ge [sflag:s23], $0x1  }
0xa3: {  	[sflag:s23] =	ssyncset.done $0x0  }
0xa4: {  	s25 =	simm.s32 $0x1B8E;
	s24 =	sld [smem:$0x3FFE];
	[sflag:s23] =	ssyncadd.s32 $0xFFFFFFFF  }
0xa5: {  	s26 =	simm.s32 $execute0_lowered;
	[smem:$0x3FD2] =	sst s25  }
0xa6: {  	s5 =	sshll.u32 s26, $0x1;
	_ =	strace $0x80000046;
	[dreg:$0x1] =	wrdreg $0xFFFFFFFF  }
0xa7: {  	s28 =	simm.s32 $_size_execute0_lowered;
	s3 =	sadd.s32 s3, s5;
	[dreg:$0x0] =	wrdreg $0x0  }
0xa8: {  	s5 =	sshll.u32 s28, $0x1;
	[dreg:$0x2] =	wrdreg s3  }
0xa9: {  	[dreg:$0x3] =	wrdreg s5  }
0xaa: {  	[dreg:$0x4] =	wrdreg $0xC0  }
0xab: {  	_ =	task [dreg:s7], $0x5FFFF  }
0xac: {  	[dreg:$0x1] =	wrdreg $0xFFFFFFFF  }
0xad: {  	[dreg:$0x0] =	wrdreg $0x60  }
0xae: {  	[dreg:$0x2] =	wrdreg s24  }
0xaf: {  	[dreg:$0x3] =	wrdreg s2  }
0xb0: {  	[dreg:$0x4] =	wrdreg $0x121000  }
0xb1: {  	[dreg:$0x5] =	wrdreg $0x9  }
0xb2: {  	_ =	task.clear_ibuf [dreg:s7], $0x6FFFF;
	_ =	strace $0x90000046  }
0xb3: {  	s29 =	simm.s32 $0x9;
	_ =	strace $0x80000048  }
0xb4: {  	_ =	swait.ge [sflag:s29], $0x1  }
0xb5: {  	[sflag:s29] =	ssyncadd.s32 $0xFFFFFFFF  }
0xb6: {  	_ =	strace $0x90000048  }
0xb7: {  	_ =	sfence  }
0xb8: {  	s30 =	sld [smem:$0x0];
	_ =	sdelay $0x2  }
0xb9: {  	s31 =	sshll.u32 s1, $0xD;
	s1 =	sshrl.u32 s1, $0x2  }
0xba: {  	s3 =	sand.u32 $0x4000, s31;
	s1 =	sadd.s32 s1, s30  }
0xbb: {  	s0 =	sor.u32 s3, s0;
	s1 =	sshll.u32 s1, $0x11  }
0xbc: {  	s0 =	sor.u32 s1, s0  }
0xbd: {  	s0 =	sadd.s32 $0x8F2B, s0  }
0xbe: {  	[sflag:s0] =	ssyncadd.remote.s32 $0x1  }
0xbf: {  	_ =	sfence.sel $0xFFFF  }
0xc0: {  	[dreg:$0x0] =	wrdreg $0xFFFFFFFF;
	(pc) =	sbr.abs _section_cstart, $3  }
0xc1: {  	[dreg:$0x1] =	wrdreg $0xFFFFFFFF  }
0xc2: {  	_ =	task.clear_ibuf [dreg:s7], $0x2FFFF;
	_ =	strace $0x9FFFFFFF  }
0xc3: {  	(tm) =	ssettm $0x7FFFFFFF  }
tec
execute0_lowered:
.L_overlay_start_1:
0x0: {  	(tag) =	ssettag $0x1  }
0x1: {  	s1 =	rddreg [dreg:$0x0]  }
0x2: {  	s4 =	rddreg [dreg:$0x1]  }
0x3: {  	s2 =	simm.s32 $0x0;
	s0 =	srdreg.scid;
	s10 =	stileid.u32  }
0x4: {  	[smem:$0x7FF] =	sst s2;
	s5 =	sand.u32 $0x1, s0;
	s13 =	sshll.u32 s10, $0x8  }
0x5: {  	s0 =	sadd.s32 $0x800, s1;
	s1 =	sadd.s32 $0x100800, s1;
	s6 =	sand.u32 $0xC00, s13  }
0x6: {  	s3 =	sshll.u32 s5, $0xC;
	s7 =	ssub.s32 $0x2, s5;
	s8 =	sand.u32 $0x300, s13  }
0x7: {  	s17 =	sor.u32 $0x2, s5;
	s18 =	sshll.u32 s5, $0x13;
	s24 =	sor.u32 $0x4, s5  }
0x8: {  	s12 =	sor.u32 $0x8, s5;
	s14 =	sor.u32 s3, s6;
	s15 =	sshrl.u32 s7, $0x1  }
0x9: {  	s3 =	sshll.u32 s10, $0xF;
	s11 =	sshll.u32 s17, $0xC;
	s25 =	sshll.u32 s24, $0xC  }
0xa: {  	s9 =	sor.u32 s8, s14;
	s2 =	ssub.s32 s7, s15;
	s19 =	sor.u32 s3, s18  }
0xb: {  	s20 =	sor.u32 s6, s11;
	s14 =	sshll.u32 s12, $0xC;
	s11 =	sor.u32 s6, s25  }
0xc: {  	s16 =	sshrl.u32 s9, $0x3;
	s10 =	sor.u32 s8, s20;
	s9 =	sshll.u32 s17, $0x13  }
0xd: {  	s14 =	sor.u32 s6, s14;
	s17 =	sor.u32 $0xA, s5;
	s20 =	sor.u32 $0xC, s5  }
0xe: {  	s11 =	sor.u32 s8, s11;
	s30 =	smax.u32 s2, $0x1;
	s2 =	simm.s32 $0x8100  }
0xf: {  	s7 =	sadd.s32 s4, s16;
	s10 =	sshrl.u32 s10, $0x3;
	s9 =	sor.u32 s3, s9  }
0x10: {  	s15 =	sshll.u32 s17, $0xC;
	s16 =	sshll.u32 s20, $0xC;
	[dreg:$0x4] =	wrdreg s7  }
0x11: {  	s7 =	sshrl.u32 s19, $0x3;
	s22 =	sadd.s32 s4, s10;
	s23 =	sshrl.u32 s9, $0x3  }
0x12: {  	s10 =	sor.u32 $0x6, s5;
	s5 =	sor.u32 $0xE, s5;
	s15 =	sor.u32 s6, s15  }
0x13: {  	s16 =	sor.u32 s6, s16;
	s9 =	sshll.u32 s24, $0x13;
	s21 =	sadd.s32 s0, s7  }
0x14: {  	s7 =	sadd.s32 s1, s7;
	[dreg:$0x7] =	wrdreg s22;
	s13 =	sshll.u32 s10, $0xC  }
0x15: {  	s18 =	sshll.u32 s5, $0xC;
	s26 =	sadd.s32 s0, s23;
	s9 =	sor.u32 s3, s9  }
0x16: {  	s22 =	sor.u32 s8, s14;
	s24 =	sor.u32 s8, s16;
	[dreg:$0x5] =	wrdreg s21  }
0x17: {  	s16 =	sshll.u32 s12, $0x13;
	s5 =	sshll.u32 s5, $0x13;
	[dreg:$0x6] =	wrdreg s7  }
0x18: {  	s13 =	sor.u32 s6, s13;
	s6 =	sor.u32 s6, s18;
	[dreg:$0x8] =	wrdreg s26  }
0x19: {  	s7 =	sadd.s32 s1, s23;
	s18 =	sshrl.u32 s11, $0x3;
	s19 =	sshrl.u32 s9, $0x3  }
0x1a: {  	s23 =	sor.u32 s8, s15;
	s11 =	sshll.u32 s10, $0x13;
	s5 =	sor.u32 s3, s5  }
0x1b: {  	[dreg:$0x9] =	wrdreg s7;
	s7 =	sadd.s32 s4, s18;
	s21 =	sor.u32 s8, s13  }
0x1c: {  	s6 =	sor.u32 s8, s6;
	s25 =	sadd.s32 s0, s19;
	s13 =	sshrl.u32 s22, $0x3  }
0x1d: {  	s18 =	sor.u32 s3, s16;
	s5 =	sshrl.u32 s5, $0x3;
	[dreg:$0xa] =	wrdreg s7  }
0x1e: {  	s8 =	simm.s32 $0x0;
	[dreg:$0xb] =	wrdreg s25;
	s26 =	sshrl.u32 s21, $0x3  }
0x1f: {  	s7 =	sadd.s32 s1, s19;
	s12 =	sadd.s32 s4, s13;
	s19 =	sshrl.u32 s23, $0x3  }
0x20: {  	s21 =	sshrl.u32 s24, $0x3;
	s6 =	sshrl.u32 s6, $0x3;
	s22 =	sshrl.u32 s18, $0x3  }
0x21: {  	s23 =	sshll.u32 s17, $0x13;
	s25 =	sshll.u32 s20, $0x13;
	s28 =	sadd.s32 s1, s5  }
0x22: {  	[dreg:$0xc] =	wrdreg s7;
	s9 =	sadd.s32 s4, s26;
	s7 =	sor.u32 s3, s11  }
0x23: {  	s13 =	sadd.s32 s4, s19;
	s14 =	sadd.s32 s4, s21;
	s15 =	sadd.s32 s4, s6  }
0x24: {  	s6 =	sor.u32 s3, s23;
	s18 =	sadd.s32 s0, s22;
	s23 =	rddreg [dreg:$0x2]  }
0x25: {  	s19 =	sadd.s32 s1, s22;
	s4 =	simm.s32 $0x1;
	[dreg:$0xd] =	wrdreg s9  }
0x26: {  	s7 =	sshrl.u32 s7, $0x3;
	s24 =	sshrl.u32 s6, $0x3;
	s6 =	sor.u32 s3, s25  }
0x27: {  	s29 =	sadd.s32 s3, s23;
	s3 =	simm.s32 $0x2;
	s16 =	sadd.s32 s0, s7  }
0x28: {  	s17 =	sadd.s32 s1, s7;
	s20 =	sadd.s32 s0, s24;
	s21 =	sadd.s32 s1, s24  }
0x29: {  	s26 =	sshrl.u32 s6, $0x3;
	_ =	strace $0x80000047;
	s31 =	sadd.s32 $0x2000, s29  }
0x2a: {  	s22 =	sadd.s32 $0x4000, s29;
	s6 =	simm.s32 $0x4100;
	s7 =	simm.s32 $0xA100  }
0x2b: {  	s24 =	sadd.s32 s0, s26;
	s25 =	sadd.s32 s1, s26;
	s26 =	sadd.s32 s0, s5  }
0x2c: {  	v0 =	vimm.f32 $0.0e+00;
	s0 =	sadd.s32 $0x6000, s29;
	s1 =	simm.s32 $0x100;
	s5 =	simm.s32 $0x80  }
.LBB2_1:
0x2d: {  	s9 =	simm.s32 $0x0;
	s10 =	simm.s32 $0x200  }
.LBB2_2:
0x2e: {  	p0 =	sne.s32 s10, $0x7E00;
	[tilespmem:s9+$0x8170] =	vst v0  }
0x2f: {  	[tilespmem:s9+$0x8100] =	vst v0  }
0x30: {  	[tilespmem:s9+$0x8110] =	vst v0  }
.Ltmp0:
0x31: {  	[tilespmem:s9+$0x8120] =	vst v0;
	(pc) =	sbr.rel @p0 .LBB2_2-.Ltmp0, $4  }
0x32: {  	[tilespmem:s9+$0x8130] =	vst v0  }
0x33: {  	[tilespmem:s9+$0x8140] =	vst v0  }
0x34: {  	[tilespmem:s9+$0x8150] =	vst v0  }
0x35: {  	[tilespmem:s9+$0x8160] =	vst v0;
	s9 =	sshra.s32 s10, $0x2;
	s10 =	sadd.s32 $0x200, s10  }
0x36: {  	[tilespmem:s9+$0x8170] =	vst v0  }
0x37: {  	[tilespmem:s9+$0x8100] =	vst v0  }
0x38: {  	[tilespmem:s9+$0x8110] =	vst v0  }
0x39: {  	[tilespmem:s9+$0x8120] =	vst v0  }
0x3a: {  	[tilespmem:s9+$0x8130] =	vst v0  }
0x3b: {  	[tilespmem:s9+$0x8140] =	vst v0  }
0x3c: {  	[tilespmem:s9+$0x8150] =	vst v0  }
0x3d: {  	[tilespmem:s9+$0x8160] =	vst v0;
	s9 =	simm.s32 $0x0;
	s10 =	rddreg [dreg:$0x4]  }
0x3e: {  	[tilespmem:s9], [sflag:$0x1] =	stream.linear.gather [hbm4b:s10+s9], $0x100, $0x38;
	[tilespmem:$0x1A140] =	vst v63  }
0x3f: {  	s11 =	rddreg [dreg:$0x5]  }
0x40: {  	[tilespmem:s1], [sflag:$0x1] =	stream.linear.gather [hbm4b:s11+s9], $0x8000, $0x38;
	[tilespmem:$0x1A140] =	vst v63  }
0x41: {  	_ = 	snop  }
0x42: {  	[spmem:s29] =	stream.linear.scatter [tilespmem:s2], [sflag:$0x2], $0x2000, $0x38;
	[tilespmem:$0x1A140] =	vst v63  }
0x43: {  	_ =	swait.ge [sflag:s3], $0x2000  }
0x44: {  	[sflag:s3] =	ssyncset.done $0x0  }
0x45: {  	[sflag:s3] =	ssyncadd.s32 $0xFFFFE000  }
0x46: {  	[spmem:s31] =	stream.linear.scatter [tilespmem:s2], [sflag:$0x2], $0x2000, $0x38;
	[tilespmem:$0x1A140] =	vst v63  }
0x47: {  	_ =	swait.ge [sflag:s3], $0x2000  }
0x48: {  	[sflag:s3] =	ssyncset.done $0x0  }
0x49: {  	[sflag:s3] =	ssyncadd.s32 $0xFFFFE000  }
0x4a: {  	[spmem:s22] =	stream.linear.scatter [tilespmem:s2], [sflag:$0x2], $0x2000, $0x38;
	[tilespmem:$0x1A140] =	vst v63  }
0x4b: {  	_ =	swait.ge [sflag:s3], $0x2000  }
0x4c: {  	[sflag:s3] =	ssyncset.done $0x0  }
0x4d: {  	[sflag:s3] =	ssyncadd.s32 $0xFFFFE000  }
0x4e: {  	[spmem:s0] =	stream.linear.scatter [tilespmem:s2], [sflag:$0x2], $0x2000, $0x38;
	[tilespmem:$0x1A140] =	vst v63  }
0x4f: {  	_ =	swait.ge [sflag:s3], $0x2000  }
0x50: {  	[sflag:s3] =	ssyncset.done $0x0  }
0x51: {  	[sflag:s3] =	ssyncadd.s32 $0xFFFFE000  }
0x52: {  	[bflag:$0x0] =	sbarrier.arrive $0xFFFF  }
0x53: {  	_ =	swait.ge [sflag:s4], $0x100  }
0x54: {  	[sflag:s4] =	ssyncset.done $0x0  }
0x55: {  	[sflag:s4] =	ssyncadd.s32 $0xFFFFFF00  }
0x56: {  	_ =	swait.ge [sflag:s4], $0x8000  }
0x57: {  	[sflag:s4] =	ssyncset.done $0x0  }
0x58: {  	[sflag:s4] =	ssyncadd.s32 $0xFFFF8000  }
0x59: {  	[spmem:s23] =	stream.indirect.scatter.add.f32 [tilespmem:s1], [sflag:$0x2], $0x80, s9, s5, $0xb8;
	[tilespmem:$0x1A140] =	vst v63  }
0x5a: {  	_ =	swait.ge [sflag:s3], $0x4000  }
0x5b: {  	[sflag:s3] =	ssyncset.done $0x0  }
0x5c: {  	[sflag:s3] =	ssyncadd.s32 $0xFFFFC000  }
0x5d: {  	[spmem:s23] =	stream.indirect.scatter.add.f32 [tilespmem:s6], [sflag:$0x2], $0x80, s5, s5, $0xb8;
	[tilespmem:$0x1A140] =	vst v63  }
0x5e: {  	_ =	swait.ge [sflag:s3], $0x4000  }
0x5f: {  	[sflag:s3] =	ssyncset.done $0x0  }
0x60: {  	[sflag:s3] =	ssyncadd.s32 $0xFFFFC000  }
0x61: {  	[bflag:$0x0] =	sbarrier.arrive $0xFFFF  }
0x62: {  	[tilespmem:s1], [sflag:$0x2] =	stream.linear.gather [spmem:s29], $0x8000, $0x38;
	[tilespmem:$0x1A140] =	vst v63  }
0x63: {  	_ =	swait.ge [sflag:s3], $0x8000  }
0x64: {  	[sflag:s3] =	ssyncset.done $0x0  }
0x65: {  	s9 =	simm.s32 $0x0;
	[sflag:s3] =	ssyncadd.s32 $0xFFFF8000  }
0x66: {  	v1 =	vld [tilespmem:s9+$0x130]  }
0x67: {  	v2 =	vld [tilespmem:s9+$0x138]  }
0x68: {  	v3 =	vld [tilespmem:s9+$0x100]  }
0x69: {  	v4 =	vld [tilespmem:s9+$0x110]  }
0x6a: {  	s10 =	simm.s32 $0x200;
	v5 =	vld [tilespmem:s9+$0x120]  }
.LBB2_4:
0x6b: {  	s11 =	sshra.s32 s10, $0x2;
	[tilespmem:s9+$0xA130] =	vst v1;
	p0 =	sne.s32 s10, $0x1FE00  }
.Ltmp1:
0x6c: {  	s10 =	sadd.s32 $0x200, s10;
	v1 =	vld [tilespmem:s11+$0x130];
	[tilespmem:s9+$0xA138] =	vst v2;
	(pc) =	sbr.rel @p0 .LBB2_4-.Ltmp1, $4  }
0x6d: {  	v2 =	vld [tilespmem:s11+$0x138];
	[tilespmem:s9+$0xA100] =	vst v3  }
0x6e: {  	v3 =	vld [tilespmem:s11+$0x100];
	[tilespmem:s9+$0xA110] =	vst v4  }
0x6f: {  	v4 =	vld [tilespmem:s11+$0x110];
	[tilespmem:s9+$0xA120] =	vst v5;
	s9 =	smov.u32 s11  }
0x70: {  	v5 =	vld [tilespmem:s9+$0x120]  }
0x71: {  	[tilespmem:s9+$0xA130] =	vst v1  }
0x72: {  	[tilespmem:s9+$0xA138] =	vst v2  }
0x73: {  	[tilespmem:s9+$0xA100] =	vst v3  }
0x74: {  	[tilespmem:s9+$0xA110] =	vst v4  }
0x75: {  	s10 =	rddreg [dreg:$0x6];
	[tilespmem:s9+$0xA120] =	vst v5;
	s9 =	simm.s32 $0x0  }
0x76: {  	[hbm4b:s10+s9] =	stream.linear.scatter [tilespmem:s7], [sflag:$0x2], $0x8000, $0x38;
	[tilespmem:$0x1A140] =	vst v63  }
0x77: {  	_ =	swait.ge [sflag:s3], $0x8000  }
0x78: {  	[sflag:s3] =	ssyncset.done $0x0  }
0x79: {  	s11 =	rddreg [dreg:$0x7];
	[sflag:s3] =	ssyncadd.s32 $0xFFFF8000  }
0x7a: {  	[tilespmem:s9], [sflag:$0x1] =	stream.linear.gather [hbm4b:s11+s9], $0x100, $0x38;
	[tilespmem:$0x1A140] =	vst v63  }
0x7b: {  	s11 =	rddreg [dreg:$0x8]  }
0x7c: {  	[tilespmem:s1], [sflag:$0x1] =	stream.linear.gather [hbm4b:s11+s9], $0x8000, $0x38;
	[tilespmem:$0x1A140] =	vst v63  }
0x7d: {  	_ = 	snop  }
0x7e: {  	[spmem:s29] =	stream.linear.scatter [tilespmem:s2], [sflag:$0x2], $0x2000, $0x38;
	[tilespmem:$0x1A140] =	vst v63  }
0x7f: {  	_ =	swait.ge [sflag:s3], $0x2000  }
0x80: {  	[sflag:s3] =	ssyncset.done $0x0  }
0x81: {  	[sflag:s3] =	ssyncadd.s32 $0xFFFFE000  }
0x82: {  	[spmem:s31] =	stream.linear.scatter [tilespmem:s2], [sflag:$0x2], $0x2000, $0x38;
	[tilespmem:$0x1A140] =	vst v63  }
0x83: {  	_ =	swait.ge [sflag:s3], $0x2000  }
0x84: {  	[sflag:s3] =	ssyncset.done $0x0  }
0x85: {  	[sflag:s3] =	ssyncadd.s32 $0xFFFFE000  }
0x86: {  	[spmem:s22] =	stream.linear.scatter [tilespmem:s2], [sflag:$0x2], $0x2000, $0x38;
	[tilespmem:$0x1A140] =	vst v63  }
0x87: {  	_ =	swait.ge [sflag:s3], $0x2000  }
0x88: {  	[sflag:s3] =	ssyncset.done $0x0  }
0x89: {  	[sflag:s3] =	ssyncadd.s32 $0xFFFFE000  }
0x8a: {  	[spmem:s0] =	stream.linear.scatter [tilespmem:s2], [sflag:$0x2], $0x2000, $0x38;
	[tilespmem:$0x1A140] =	vst v63  }
0x8b: {  	_ =	swait.ge [sflag:s3], $0x2000  }
0x8c: {  	[sflag:s3] =	ssyncset.done $0x0  }
0x8d: {  	[sflag:s3] =	ssyncadd.s32 $0xFFFFE000  }
0x8e: {  	[bflag:$0x0] =	sbarrier.arrive $0xFFFF  }
0x8f: {  	_ =	swait.ge [sflag:s4], $0x100  }
0x90: {  	[sflag:s4] =	ssyncset.done $0x0  }
0x91: {  	[sflag:s4] =	ssyncadd.s32 $0xFFFFFF00  }
0x92: {  	_ =	swait.ge [sflag:s4], $0x8000  }
0x93: {  	[sflag:s4] =	ssyncset.done $0x0  }
0x94: {  	[sflag:s4] =	ssyncadd.s32 $0xFFFF8000  }
0x95: {  	[spmem:s23] =	stream.indirect.scatter.add.f32 [tilespmem:s1], [sflag:$0x2], $0x80, s9, s5, $0xb8;
	[tilespmem:$0x1A140] =	vst v63  }
0x96: {  	_ =	swait.ge [sflag:s3], $0x4000  }
0x97: {  	[sflag:s3] =	ssyncset.done $0x0  }
0x98: {  	[sflag:s3] =	ssyncadd.s32 $0xFFFFC000  }
0x99: {  	[spmem:s23] =	stream.indirect.scatter.add.f32 [tilespmem:s6], [sflag:$0x2], $0x80, s5, s5, $0xb8;
	[tilespmem:$0x1A140] =	vst v63  }
0x9a: {  	_ =	swait.ge [sflag:s3], $0x4000  }
0x9b: {  	[sflag:s3] =	ssyncset.done $0x0  }
0x9c: {  	[sflag:s3] =	ssyncadd.s32 $0xFFFFC000  }
0x9d: {  	[bflag:$0x0] =	sbarrier.arrive $0xFFFF  }
0x9e: {  	[tilespmem:s1], [sflag:$0x2] =	stream.linear.gather [spmem:s29], $0x8000, $0x38;
	[tilespmem:$0x1A140] =	vst v63  }
0x9f: {  	_ =	swait.ge [sflag:s3], $0x8000  }
0xa0: {  	[sflag:s3] =	ssyncset.done $0x0  }
0xa1: {  	s9 =	simm.s32 $0x0;
	[sflag:s3] =	ssyncadd.s32 $0xFFFF8000  }
0xa2: {  	v1 =	vld [tilespmem:s9+$0x130]  }
0xa3: {  	v2 =	vld [tilespmem:s9+$0x138]  }
0xa4: {  	v3 =	vld [tilespmem:s9+$0x100]  }
0xa5: {  	v4 =	vld [tilespmem:s9+$0x110]  }
0xa6: {  	s10 =	simm.s32 $0x200;
	v5 =	vld [tilespmem:s9+$0x120]  }
.LBB2_6:
0xa7: {  	s11 =	sshra.s32 s10, $0x2;
	[tilespmem:s9+$0xA130] =	vst v1;
	p0 =	sne.s32 s10, $0x1FE00  }
.Ltmp2:
0xa8: {  	s10 =	sadd.s32 $0x200, s10;
	v1 =	vld [tilespmem:s11+$0x130];
	[tilespmem:s9+$0xA138] =	vst v2;
	(pc) =	sbr.rel @p0 .LBB2_6-.Ltmp2, $4  }
0xa9: {  	v2 =	vld [tilespmem:s11+$0x138];
	[tilespmem:s9+$0xA100] =	vst v3  }
0xaa: {  	v3 =	vld [tilespmem:s11+$0x100];
	[tilespmem:s9+$0xA110] =	vst v4  }
0xab: {  	v4 =	vld [tilespmem:s11+$0x110];
	[tilespmem:s9+$0xA120] =	vst v5;
	s9 =	smov.u32 s11  }
0xac: {  	v5 =	vld [tilespmem:s9+$0x120]  }
0xad: {  	[tilespmem:s9+$0xA130] =	vst v1  }
0xae: {  	[tilespmem:s9+$0xA138] =	vst v2  }
0xaf: {  	[tilespmem:s9+$0xA100] =	vst v3  }
0xb0: {  	[tilespmem:s9+$0xA110] =	vst v4  }
0xb1: {  	s10 =	rddreg [dreg:$0x9];
	[tilespmem:s9+$0xA120] =	vst v5;
	s9 =	simm.s32 $0x0  }
0xb2: {  	[hbm4b:s10+s9] =	stream.linear.scatter [tilespmem:s7], [sflag:$0x2], $0x8000, $0x38;
	[tilespmem:$0x1A140] =	vst v63  }
0xb3: {  	_ =	swait.ge [sflag:s3], $0x8000  }
0xb4: {  	[sflag:s3] =	ssyncset.done $0x0  }
0xb5: {  	s11 =	rddreg [dreg:$0xa];
	[sflag:s3] =	ssyncadd.s32 $0xFFFF8000  }
0xb6: {  	[tilespmem:s9], [sflag:$0x1] =	stream.linear.gather [hbm4b:s11+s9], $0x100, $0x38;
	[tilespmem:$0x1A140] =	vst v63  }
0xb7: {  	s11 =	rddreg [dreg:$0xb]  }
0xb8: {  	[tilespmem:s1], [sflag:$0x1] =	stream.linear.gather [hbm4b:s11+s9], $0x8000, $0x38;
	[tilespmem:$0x1A140] =	vst v63  }
0xb9: {  	_ = 	snop  }
0xba: {  	[spmem:s29] =	stream.linear.scatter [tilespmem:s2], [sflag:$0x2], $0x2000, $0x38;
	[tilespmem:$0x1A140] =	vst v63  }
0xbb: {  	_ =	swait.ge [sflag:s3], $0x2000  }
0xbc: {  	[sflag:s3] =	ssyncset.done $0x0  }
0xbd: {  	[sflag:s3] =	ssyncadd.s32 $0xFFFFE000  }
0xbe: {  	[spmem:s31] =	stream.linear.scatter [tilespmem:s2], [sflag:$0x2], $0x2000, $0x38;
	[tilespmem:$0x1A140] =	vst v63  }
0xbf: {  	_ =	swait.ge [sflag:s3], $0x2000  }
0xc0: {  	[sflag:s3] =	ssyncset.done $0x0  }
0xc1: {  	[sflag:s3] =	ssyncadd.s32 $0xFFFFE000  }
0xc2: {  	[spmem:s22] =	stream.linear.scatter [tilespmem:s2], [sflag:$0x2], $0x2000, $0x38;
	[tilespmem:$0x1A140] =	vst v63  }
0xc3: {  	_ =	swait.ge [sflag:s3], $0x2000  }
0xc4: {  	[sflag:s3] =	ssyncset.done $0x0  }
0xc5: {  	[sflag:s3] =	ssyncadd.s32 $0xFFFFE000  }
0xc6: {  	[spmem:s0] =	stream.linear.scatter [tilespmem:s2], [sflag:$0x2], $0x2000, $0x38;
	[tilespmem:$0x1A140] =	vst v63  }
0xc7: {  	_ =	swait.ge [sflag:s3], $0x2000  }
0xc8: {  	[sflag:s3] =	ssyncset.done $0x0  }
0xc9: {  	[sflag:s3] =	ssyncadd.s32 $0xFFFFE000  }
0xca: {  	[bflag:$0x0] =	sbarrier.arrive $0xFFFF  }
0xcb: {  	_ =	swait.ge [sflag:s4], $0x100  }
0xcc: {  	[sflag:s4] =	ssyncset.done $0x0  }
0xcd: {  	[sflag:s4] =	ssyncadd.s32 $0xFFFFFF00  }
0xce: {  	_ =	swait.ge [sflag:s4], $0x8000  }
0xcf: {  	[sflag:s4] =	ssyncset.done $0x0  }
0xd0: {  	[sflag:s4] =	ssyncadd.s32 $0xFFFF8000  }
0xd1: {  	[spmem:s23] =	stream.indirect.scatter.add.f32 [tilespmem:s1], [sflag:$0x2], $0x80, s9, s5, $0xb8;
	[tilespmem:$0x1A140] =	vst v63  }
0xd2: {  	_ =	swait.ge [sflag:s3], $0x4000  }
0xd3: {  	[sflag:s3] =	ssyncset.done $0x0  }
0xd4: {  	[sflag:s3] =	ssyncadd.s32 $0xFFFFC000  }
0xd5: {  	[spmem:s23] =	stream.indirect.scatter.add.f32 [tilespmem:s6], [sflag:$0x2], $0x80, s5, s5, $0xb8;
	[tilespmem:$0x1A140] =	vst v63  }
0xd6: {  	_ =	swait.ge [sflag:s3], $0x4000  }
0xd7: {  	[sflag:s3] =	ssyncset.done $0x0  }
0xd8: {  	[sflag:s3] =	ssyncadd.s32 $0xFFFFC000  }
0xd9: {  	[bflag:$0x0] =	sbarrier.arrive $0xFFFF  }
0xda: {  	[tilespmem:s1], [sflag:$0x2] =	stream.linear.gather [spmem:s29], $0x8000, $0x38;
	[tilespmem:$0x1A140] =	vst v63  }
0xdb: {  	_ =	swait.ge [sflag:s3], $0x8000  }
0xdc: {  	[sflag:s3] =	ssyncset.done $0x0  }
0xdd: {  	s9 =	simm.s32 $0x0;
	[sflag:s3] =	ssyncadd.s32 $0xFFFF8000  }
0xde: {  	v1 =	vld [tilespmem:s9+$0x130]  }
0xdf: {  	v2 =	vld [tilespmem:s9+$0x138]  }
0xe0: {  	v3 =	vld [tilespmem:s9+$0x100]  }
0xe1: {  	v4 =	vld [tilespmem:s9+$0x110]  }
0xe2: {  	s10 =	simm.s32 $0x200;
	v5 =	vld [tilespmem:s9+$0x120]  }
.LBB2_8:
0xe3: {  	s11 =	sshra.s32 s10, $0x2;
	[tilespmem:s9+$0xA130] =	vst v1;
	p0 =	sne.s32 s10, $0x1FE00  }
.Ltmp3:
0xe4: {  	s10 =	sadd.s32 $0x200, s10;
	v1 =	vld [tilespmem:s11+$0x130];
	[tilespmem:s9+$0xA138] =	vst v2;
	(pc) =	sbr.rel @p0 .LBB2_8-.Ltmp3, $4  }
0xe5: {  	v2 =	vld [tilespmem:s11+$0x138];
	[tilespmem:s9+$0xA100] =	vst v3  }
0xe6: {  	v3 =	vld [tilespmem:s11+$0x100];
	[tilespmem:s9+$0xA110] =	vst v4  }
0xe7: {  	v4 =	vld [tilespmem:s11+$0x110];
	[tilespmem:s9+$0xA120] =	vst v5;
	s9 =	smov.u32 s11  }
0xe8: {  	v5 =	vld [tilespmem:s9+$0x120]  }
0xe9: {  	[tilespmem:s9+$0xA130] =	vst v1  }
0xea: {  	[tilespmem:s9+$0xA138] =	vst v2  }
0xeb: {  	[tilespmem:s9+$0xA100] =	vst v3  }
0xec: {  	[tilespmem:s9+$0xA110] =	vst v4  }
0xed: {  	s10 =	rddreg [dreg:$0xc];
	[tilespmem:s9+$0xA120] =	vst v5;
	s9 =	simm.s32 $0x0  }
0xee: {  	[hbm4b:s10+s9] =	stream.linear.scatter [tilespmem:s7], [sflag:$0x2], $0x8000, $0x38;
	[tilespmem:$0x1A140] =	vst v63  }
0xef: {  	_ =	swait.ge [sflag:s3], $0x8000  }
0xf0: {  	[sflag:s3] =	ssyncset.done $0x0  }
0xf1: {  	s11 =	rddreg [dreg:$0xd];
	[sflag:s3] =	ssyncadd.s32 $0xFFFF8000  }
0xf2: {  	[tilespmem:s9], [sflag:$0x1] =	stream.linear.gather [hbm4b:s11+s9], $0x100, $0x38;
	[tilespmem:$0x1A140] =	vst v63  }
0xf3: {  	_ = 	snop  }
0xf4: {  	[tilespmem:s1], [sflag:$0x1] =	stream.linear.gather [hbm4b:s16+s9], $0x8000, $0x38;
	[tilespmem:$0x1A140] =	vst v63  }
0xf5: {  	_ = 	snop  }
0xf6: {  	[spmem:s29] =	stream.linear.scatter [tilespmem:s2], [sflag:$0x2], $0x2000, $0x38;
	[tilespmem:$0x1A140] =	vst v63  }
0xf7: {  	_ =	swait.ge [sflag:s3], $0x2000  }
0xf8: {  	[sflag:s3] =	ssyncset.done $0x0  }
0xf9: {  	[sflag:s3] =	ssyncadd.s32 $0xFFFFE000  }
0xfa: {  	[spmem:s31] =	stream.linear.scatter [tilespmem:s2], [sflag:$0x2], $0x2000, $0x38;
	[tilespmem:$0x1A140] =	vst v63  }
0xfb: {  	_ =	swait.ge [sflag:s3], $0x2000  }
0xfc: {  	[sflag:s3] =	ssyncset.done $0x0  }
0xfd: {  	[sflag:s3] =	ssyncadd.s32 $0xFFFFE000  }
0xfe: {  	[spmem:s22] =	stream.linear.scatter [tilespmem:s2], [sflag:$0x2], $0x2000, $0x38;
	[tilespmem:$0x1A140] =	vst v63  }
0xff: {  	_ =	swait.ge [sflag:s3], $0x2000  }
0x100: {  	[sflag:s3] =	ssyncset.done $0x0  }
0x101: {  	[sflag:s3] =	ssyncadd.s32 $0xFFFFE000  }
0x102: {  	[spmem:s0] =	stream.linear.scatter [tilespmem:s2], [sflag:$0x2], $0x2000, $0x38;
	[tilespmem:$0x1A140] =	vst v63  }
0x103: {  	_ =	swait.ge [sflag:s3], $0x2000  }
0x104: {  	[sflag:s3] =	ssyncset.done $0x0  }
0x105: {  	[sflag:s3] =	ssyncadd.s32 $0xFFFFE000  }
0x106: {  	[bflag:$0x0] =	sbarrier.arrive $0xFFFF  }
0x107: {  	_ =	swait.ge [sflag:s4], $0x100  }
0x108: {  	[sflag:s4] =	ssyncset.done $0x0  }
0x109: {  	[sflag:s4] =	ssyncadd.s32 $0xFFFFFF00  }
0x10a: {  	_ =	swait.ge [sflag:s4], $0x8000  }
0x10b: {  	[sflag:s4] =	ssyncset.done $0x0  }
0x10c: {  	[sflag:s4] =	ssyncadd.s32 $0xFFFF8000  }
0x10d: {  	[spmem:s23] =	stream.indirect.scatter.add.f32 [tilespmem:s1], [sflag:$0x2], $0x80, s9, s5, $0xb8;
	[tilespmem:$0x1A140] =	vst v63  }
0x10e: {  	_ =	swait.ge [sflag:s3], $0x4000  }
0x10f: {  	[sflag:s3] =	ssyncset.done $0x0  }
0x110: {  	[sflag:s3] =	ssyncadd.s32 $0xFFFFC000  }
0x111: {  	[spmem:s23] =	stream.indirect.scatter.add.f32 [tilespmem:s6], [sflag:$0x2], $0x80, s5, s5, $0xb8;
	[tilespmem:$0x1A140] =	vst v63  }
0x112: {  	_ =	swait.ge [sflag:s3], $0x4000  }
0x113: {  	[sflag:s3] =	ssyncset.done $0x0  }
0x114: {  	[sflag:s3] =	ssyncadd.s32 $0xFFFFC000  }
0x115: {  	[bflag:$0x0] =	sbarrier.arrive $0xFFFF  }
0x116: {  	[tilespmem:s1], [sflag:$0x2] =	stream.linear.gather [spmem:s29], $0x8000, $0x38;
	[tilespmem:$0x1A140] =	vst v63  }
0x117: {  	_ =	swait.ge [sflag:s3], $0x8000  }
0x118: {  	[sflag:s3] =	ssyncset.done $0x0  }
0x119: {  	s9 =	simm.s32 $0x0;
	[sflag:s3] =	ssyncadd.s32 $0xFFFF8000  }
0x11a: {  	v1 =	vld [tilespmem:s9+$0x130]  }
0x11b: {  	v2 =	vld [tilespmem:s9+$0x138]  }
0x11c: {  	v3 =	vld [tilespmem:s9+$0x100]  }
0x11d: {  	v4 =	vld [tilespmem:s9+$0x110]  }
0x11e: {  	s10 =	simm.s32 $0x200;
	v5 =	vld [tilespmem:s9+$0x120]  }
.LBB2_10:
0x11f: {  	s11 =	sshra.s32 s10, $0x2;
	[tilespmem:s9+$0xA130] =	vst v1;
	p0 =	sne.s32 s10, $0x1FE00  }
.Ltmp4:
0x120: {  	s10 =	sadd.s32 $0x200, s10;
	v1 =	vld [tilespmem:s11+$0x130];
	[tilespmem:s9+$0xA138] =	vst v2;
	(pc) =	sbr.rel @p0 .LBB2_10-.Ltmp4, $4  }
0x121: {  	v2 =	vld [tilespmem:s11+$0x138];
	[tilespmem:s9+$0xA100] =	vst v3  }
0x122: {  	v3 =	vld [tilespmem:s11+$0x100];
	[tilespmem:s9+$0xA110] =	vst v4  }
0x123: {  	v4 =	vld [tilespmem:s11+$0x110];
	[tilespmem:s9+$0xA120] =	vst v5;
	s9 =	smov.u32 s11  }
0x124: {  	v5 =	vld [tilespmem:s9+$0x120]  }
0x125: {  	[tilespmem:s9+$0xA130] =	vst v1  }
0x126: {  	[tilespmem:s9+$0xA138] =	vst v2  }
0x127: {  	[tilespmem:s9+$0xA100] =	vst v3  }
0x128: {  	[tilespmem:s9+$0xA110] =	vst v4  }
0x129: {  	s11 =	simm.s32 $0x0;
	[tilespmem:s9+$0xA120] =	vst v5  }
0x12a: {  	[hbm4b:s17+s11] =	stream.linear.scatter [tilespmem:s7], [sflag:$0x2], $0x8000, $0x38;
	[tilespmem:$0x1A140] =	vst v63  }
0x12b: {  	_ =	swait.ge [sflag:s3], $0x8000  }
0x12c: {  	[sflag:s3] =	ssyncset.done $0x0  }
0x12d: {  	[sflag:s3] =	ssyncadd.s32 $0xFFFF8000  }
0x12e: {  	[tilespmem:s11], [sflag:$0x1] =	stream.linear.gather [hbm4b:s12+s11], $0x100, $0x38;
	[tilespmem:$0x1A140] =	vst v63  }
0x12f: {  	_ = 	snop  }
0x130: {  	[tilespmem:s1], [sflag:$0x1] =	stream.linear.gather [hbm4b:s18+s11], $0x8000, $0x38;
	[tilespmem:$0x1A140] =	vst v63  }
0x131: {  	_ = 	snop  }
0x132: {  	[spmem:s29] =	stream.linear.scatter [tilespmem:s2], [sflag:$0x2], $0x2000, $0x38;
	[tilespmem:$0x1A140] =	vst v63  }
0x133: {  	_ =	swait.ge [sflag:s3], $0x2000  }
0x134: {  	[sflag:s3] =	ssyncset.done $0x0  }
0x135: {  	[sflag:s3] =	ssyncadd.s32 $0xFFFFE000  }
0x136: {  	[spmem:s31] =	stream.linear.scatter [tilespmem:s2], [sflag:$0x2], $0x2000, $0x38;
	[tilespmem:$0x1A140] =	vst v63  }
0x137: {  	_ =	swait.ge [sflag:s3], $0x2000  }
0x138: {  	[sflag:s3] =	ssyncset.done $0x0  }
0x139: {  	[sflag:s3] =	ssyncadd.s32 $0xFFFFE000  }
0x13a: {  	[spmem:s22] =	stream.linear.scatter [tilespmem:s2], [sflag:$0x2], $0x2000, $0x38;
	[tilespmem:$0x1A140] =	vst v63  }
0x13b: {  	_ =	swait.ge [sflag:s3], $0x2000  }
0x13c: {  	[sflag:s3] =	ssyncset.done $0x0  }
0x13d: {  	[sflag:s3] =	ssyncadd.s32 $0xFFFFE000  }
0x13e: {  	[spmem:s0] =	stream.linear.scatter [tilespmem:s2], [sflag:$0x2], $0x2000, $0x38;
	[tilespmem:$0x1A140] =	vst v63  }
0x13f: {  	_ =	swait.ge [sflag:s3], $0x2000  }
0x140: {  	[sflag:s3] =	ssyncset.done $0x0  }
0x141: {  	[sflag:s3] =	ssyncadd.s32 $0xFFFFE000  }
0x142: {  	[bflag:$0x0] =	sbarrier.arrive $0xFFFF  }
0x143: {  	_ =	swait.ge [sflag:s4], $0x100  }
0x144: {  	[sflag:s4] =	ssyncset.done $0x0  }
0x145: {  	[sflag:s4] =	ssyncadd.s32 $0xFFFFFF00  }
0x146: {  	_ =	swait.ge [sflag:s4], $0x8000  }
0x147: {  	[sflag:s4] =	ssyncset.done $0x0  }
0x148: {  	[sflag:s4] =	ssyncadd.s32 $0xFFFF8000  }
0x149: {  	[spmem:s23] =	stream.indirect.scatter.add.f32 [tilespmem:s1], [sflag:$0x2], $0x80, s11, s5, $0xb8;
	[tilespmem:$0x1A140] =	vst v63  }
0x14a: {  	_ =	swait.ge [sflag:s3], $0x4000  }
0x14b: {  	[sflag:s3] =	ssyncset.done $0x0  }
0x14c: {  	[sflag:s3] =	ssyncadd.s32 $0xFFFFC000  }
0x14d: {  	[spmem:s23] =	stream.indirect.scatter.add.f32 [tilespmem:s6], [sflag:$0x2], $0x80, s5, s5, $0xb8;
	[tilespmem:$0x1A140] =	vst v63  }
0x14e: {  	_ =	swait.ge [sflag:s3], $0x4000  }
0x14f: {  	[sflag:s3] =	ssyncset.done $0x0  }
0x150: {  	[sflag:s3] =	ssyncadd.s32 $0xFFFFC000  }
0x151: {  	[bflag:$0x0] =	sbarrier.arrive $0xFFFF  }
0x152: {  	[tilespmem:s1], [sflag:$0x2] =	stream.linear.gather [spmem:s29], $0x8000, $0x38;
	[tilespmem:$0x1A140] =	vst v63  }
0x153: {  	_ =	swait.ge [sflag:s3], $0x8000  }
0x154: {  	[sflag:s3] =	ssyncset.done $0x0  }
0x155: {  	s9 =	simm.s32 $0x0;
	[sflag:s3] =	ssyncadd.s32 $0xFFFF8000  }
0x156: {  	v1 =	vld [tilespmem:s9+$0x130]  }
0x157: {  	v2 =	vld [tilespmem:s9+$0x138]  }
0x158: {  	v3 =	vld [tilespmem:s9+$0x100]  }
0x159: {  	v4 =	vld [tilespmem:s9+$0x110]  }
0x15a: {  	s10 =	simm.s32 $0x200;
	v5 =	vld [tilespmem:s9+$0x120]  }
.LBB2_12:
0x15b: {  	s11 =	sshra.s32 s10, $0x2;
	[tilespmem:s9+$0xA130] =	vst v1;
	p0 =	sne.s32 s10, $0x1FE00  }
.Ltmp5:
0x15c: {  	s10 =	sadd.s32 $0x200, s10;
	v1 =	vld [tilespmem:s11+$0x130];
	[tilespmem:s9+$0xA138] =	vst v2;
	(pc) =	sbr.rel @p0 .LBB2_12-.Ltmp5, $4  }
0x15d: {  	v2 =	vld [tilespmem:s11+$0x138];
	[tilespmem:s9+$0xA100] =	vst v3  }
0x15e: {  	v3 =	vld [tilespmem:s11+$0x100];
	[tilespmem:s9+$0xA110] =	vst v4  }
0x15f: {  	v4 =	vld [tilespmem:s11+$0x110];
	[tilespmem:s9+$0xA120] =	vst v5;
	s9 =	smov.u32 s11  }
0x160: {  	v5 =	vld [tilespmem:s9+$0x120]  }
0x161: {  	[tilespmem:s9+$0xA130] =	vst v1  }
0x162: {  	[tilespmem:s9+$0xA138] =	vst v2  }
0x163: {  	[tilespmem:s9+$0xA100] =	vst v3  }
0x164: {  	[tilespmem:s9+$0xA110] =	vst v4  }
0x165: {  	s11 =	simm.s32 $0x0;
	[tilespmem:s9+$0xA120] =	vst v5  }
0x166: {  	[hbm4b:s19+s11] =	stream.linear.scatter [tilespmem:s7], [sflag:$0x2], $0x8000, $0x38;
	[tilespmem:$0x1A140] =	vst v63  }
0x167: {  	_ =	swait.ge [sflag:s3], $0x8000  }
0x168: {  	[sflag:s3] =	ssyncset.done $0x0  }
0x169: {  	[sflag:s3] =	ssyncadd.s32 $0xFFFF8000  }
0x16a: {  	[tilespmem:s11], [sflag:$0x1] =	stream.linear.gather [hbm4b:s13+s11], $0x100, $0x38;
	[tilespmem:$0x1A140] =	vst v63  }
0x16b: {  	_ = 	snop  }
0x16c: {  	[tilespmem:s1], [sflag:$0x1] =	stream.linear.gather [hbm4b:s20+s11], $0x8000, $0x38;
	[tilespmem:$0x1A140] =	vst v63  }
0x16d: {  	_ = 	snop  }
0x16e: {  	[spmem:s29] =	stream.linear.scatter [tilespmem:s2], [sflag:$0x2], $0x2000, $0x38;
	[tilespmem:$0x1A140] =	vst v63  }
0x16f: {  	_ =	swait.ge [sflag:s3], $0x2000  }
0x170: {  	[sflag:s3] =	ssyncset.done $0x0  }
0x171: {  	[sflag:s3] =	ssyncadd.s32 $0xFFFFE000  }
0x172: {  	[spmem:s31] =	stream.linear.scatter [tilespmem:s2], [sflag:$0x2], $0x2000, $0x38;
	[tilespmem:$0x1A140] =	vst v63  }
0x173: {  	_ =	swait.ge [sflag:s3], $0x2000  }
0x174: {  	[sflag:s3] =	ssyncset.done $0x0  }
0x175: {  	[sflag:s3] =	ssyncadd.s32 $0xFFFFE000  }
0x176: {  	[spmem:s22] =	stream.linear.scatter [tilespmem:s2], [sflag:$0x2], $0x2000, $0x38;
	[tilespmem:$0x1A140] =	vst v63  }
0x177: {  	_ =	swait.ge [sflag:s3], $0x2000  }
0x178: {  	[sflag:s3] =	ssyncset.done $0x0  }
0x179: {  	[sflag:s3] =	ssyncadd.s32 $0xFFFFE000  }
0x17a: {  	[spmem:s0] =	stream.linear.scatter [tilespmem:s2], [sflag:$0x2], $0x2000, $0x38;
	[tilespmem:$0x1A140] =	vst v63  }
0x17b: {  	_ =	swait.ge [sflag:s3], $0x2000  }
0x17c: {  	[sflag:s3] =	ssyncset.done $0x0  }
0x17d: {  	[sflag:s3] =	ssyncadd.s32 $0xFFFFE000  }
0x17e: {  	[bflag:$0x0] =	sbarrier.arrive $0xFFFF  }
0x17f: {  	_ =	swait.ge [sflag:s4], $0x100  }
0x180: {  	[sflag:s4] =	ssyncset.done $0x0  }
0x181: {  	[sflag:s4] =	ssyncadd.s32 $0xFFFFFF00  }
0x182: {  	_ =	swait.ge [sflag:s4], $0x8000  }
0x183: {  	[sflag:s4] =	ssyncset.done $0x0  }
0x184: {  	[sflag:s4] =	ssyncadd.s32 $0xFFFF8000  }
0x185: {  	[spmem:s23] =	stream.indirect.scatter.add.f32 [tilespmem:s1], [sflag:$0x2], $0x80, s11, s5, $0xb8;
	[tilespmem:$0x1A140] =	vst v63  }
0x186: {  	_ =	swait.ge [sflag:s3], $0x4000  }
0x187: {  	[sflag:s3] =	ssyncset.done $0x0  }
0x188: {  	[sflag:s3] =	ssyncadd.s32 $0xFFFFC000  }
0x189: {  	[spmem:s23] =	stream.indirect.scatter.add.f32 [tilespmem:s6], [sflag:$0x2], $0x80, s5, s5, $0xb8;
	[tilespmem:$0x1A140] =	vst v63  }
0x18a: {  	_ =	swait.ge [sflag:s3], $0x4000  }
0x18b: {  	[sflag:s3] =	ssyncset.done $0x0  }
0x18c: {  	[sflag:s3] =	ssyncadd.s32 $0xFFFFC000  }
0x18d: {  	[bflag:$0x0] =	sbarrier.arrive $0xFFFF  }
0x18e: {  	[tilespmem:s1], [sflag:$0x2] =	stream.linear.gather [spmem:s29], $0x8000, $0x38;
	[tilespmem:$0x1A140] =	vst v63  }
0x18f: {  	_ =	swait.ge [sflag:s3], $0x8000  }
0x190: {  	[sflag:s3] =	ssyncset.done $0x0  }
0x191: {  	s9 =	simm.s32 $0x0;
	[sflag:s3] =	ssyncadd.s32 $0xFFFF8000  }
0x192: {  	v1 =	vld [tilespmem:s9+$0x130]  }
0x193: {  	v2 =	vld [tilespmem:s9+$0x138]  }
0x194: {  	v3 =	vld [tilespmem:s9+$0x100]  }
0x195: {  	v4 =	vld [tilespmem:s9+$0x110]  }
0x196: {  	s10 =	simm.s32 $0x200;
	v5 =	vld [tilespmem:s9+$0x120]  }
.LBB2_14:
0x197: {  	s11 =	sshra.s32 s10, $0x2;
	[tilespmem:s9+$0xA130] =	vst v1;
	p0 =	sne.s32 s10, $0x1FE00  }
.Ltmp6:
0x198: {  	s10 =	sadd.s32 $0x200, s10;
	v1 =	vld [tilespmem:s11+$0x130];
	[tilespmem:s9+$0xA138] =	vst v2;
	(pc) =	sbr.rel @p0 .LBB2_14-.Ltmp6, $4  }
0x199: {  	v2 =	vld [tilespmem:s11+$0x138];
	[tilespmem:s9+$0xA100] =	vst v3  }
0x19a: {  	v3 =	vld [tilespmem:s11+$0x100];
	[tilespmem:s9+$0xA110] =	vst v4  }
0x19b: {  	v4 =	vld [tilespmem:s11+$0x110];
	[tilespmem:s9+$0xA120] =	vst v5;
	s9 =	smov.u32 s11  }
0x19c: {  	v5 =	vld [tilespmem:s9+$0x120]  }
0x19d: {  	[tilespmem:s9+$0xA130] =	vst v1  }
0x19e: {  	[tilespmem:s9+$0xA138] =	vst v2  }
0x19f: {  	[tilespmem:s9+$0xA100] =	vst v3  }
0x1a0: {  	[tilespmem:s9+$0xA110] =	vst v4  }
0x1a1: {  	s11 =	simm.s32 $0x0;
	[tilespmem:s9+$0xA120] =	vst v5  }
0x1a2: {  	[hbm4b:s21+s11] =	stream.linear.scatter [tilespmem:s7], [sflag:$0x2], $0x8000, $0x38;
	[tilespmem:$0x1A140] =	vst v63  }
0x1a3: {  	_ =	swait.ge [sflag:s3], $0x8000  }
0x1a4: {  	[sflag:s3] =	ssyncset.done $0x0  }
0x1a5: {  	[sflag:s3] =	ssyncadd.s32 $0xFFFF8000  }
0x1a6: {  	[tilespmem:s11], [sflag:$0x1] =	stream.linear.gather [hbm4b:s14+s11], $0x100, $0x38;
	[tilespmem:$0x1A140] =	vst v63  }
0x1a7: {  	_ = 	snop  }
0x1a8: {  	[tilespmem:s1], [sflag:$0x1] =	stream.linear.gather [hbm4b:s24+s11], $0x8000, $0x38;
	[tilespmem:$0x1A140] =	vst v63  }
0x1a9: {  	_ = 	snop  }
0x1aa: {  	[spmem:s29] =	stream.linear.scatter [tilespmem:s2], [sflag:$0x2], $0x2000, $0x38;
	[tilespmem:$0x1A140] =	vst v63  }
0x1ab: {  	_ =	swait.ge [sflag:s3], $0x2000  }
0x1ac: {  	[sflag:s3] =	ssyncset.done $0x0  }
0x1ad: {  	[sflag:s3] =	ssyncadd.s32 $0xFFFFE000  }
0x1ae: {  	[spmem:s31] =	stream.linear.scatter [tilespmem:s2], [sflag:$0x2], $0x2000, $0x38;
	[tilespmem:$0x1A140] =	vst v63  }
0x1af: {  	_ =	swait.ge [sflag:s3], $0x2000  }
0x1b0: {  	[sflag:s3] =	ssyncset.done $0x0  }
0x1b1: {  	[sflag:s3] =	ssyncadd.s32 $0xFFFFE000  }
0x1b2: {  	[spmem:s22] =	stream.linear.scatter [tilespmem:s2], [sflag:$0x2], $0x2000, $0x38;
	[tilespmem:$0x1A140] =	vst v63  }
0x1b3: {  	_ =	swait.ge [sflag:s3], $0x2000  }
0x1b4: {  	[sflag:s3] =	ssyncset.done $0x0  }
0x1b5: {  	[sflag:s3] =	ssyncadd.s32 $0xFFFFE000  }
0x1b6: {  	[spmem:s0] =	stream.linear.scatter [tilespmem:s2], [sflag:$0x2], $0x2000, $0x38;
	[tilespmem:$0x1A140] =	vst v63  }
0x1b7: {  	_ =	swait.ge [sflag:s3], $0x2000  }
0x1b8: {  	[sflag:s3] =	ssyncset.done $0x0  }
0x1b9: {  	[sflag:s3] =	ssyncadd.s32 $0xFFFFE000  }
0x1ba: {  	[bflag:$0x0] =	sbarrier.arrive $0xFFFF  }
0x1bb: {  	_ =	swait.ge [sflag:s4], $0x100  }
0x1bc: {  	[sflag:s4] =	ssyncset.done $0x0  }
0x1bd: {  	[sflag:s4] =	ssyncadd.s32 $0xFFFFFF00  }
0x1be: {  	_ =	swait.ge [sflag:s4], $0x8000  }
0x1bf: {  	[sflag:s4] =	ssyncset.done $0x0  }
0x1c0: {  	[sflag:s4] =	ssyncadd.s32 $0xFFFF8000  }
0x1c1: {  	[spmem:s23] =	stream.indirect.scatter.add.f32 [tilespmem:s1], [sflag:$0x2], $0x80, s11, s5, $0xb8;
	[tilespmem:$0x1A140] =	vst v63  }
0x1c2: {  	_ =	swait.ge [sflag:s3], $0x4000  }
0x1c3: {  	[sflag:s3] =	ssyncset.done $0x0  }
0x1c4: {  	[sflag:s3] =	ssyncadd.s32 $0xFFFFC000  }
0x1c5: {  	[spmem:s23] =	stream.indirect.scatter.add.f32 [tilespmem:s6], [sflag:$0x2], $0x80, s5, s5, $0xb8;
	[tilespmem:$0x1A140] =	vst v63  }
0x1c6: {  	_ =	swait.ge [sflag:s3], $0x4000  }
0x1c7: {  	[sflag:s3] =	ssyncset.done $0x0  }
0x1c8: {  	[sflag:s3] =	ssyncadd.s32 $0xFFFFC000  }
0x1c9: {  	[bflag:$0x0] =	sbarrier.arrive $0xFFFF  }
0x1ca: {  	[tilespmem:s1], [sflag:$0x2] =	stream.linear.gather [spmem:s29], $0x8000, $0x38;
	[tilespmem:$0x1A140] =	vst v63  }
0x1cb: {  	_ =	swait.ge [sflag:s3], $0x8000  }
0x1cc: {  	[sflag:s3] =	ssyncset.done $0x0  }
0x1cd: {  	s9 =	simm.s32 $0x0;
	[sflag:s3] =	ssyncadd.s32 $0xFFFF8000  }
0x1ce: {  	v1 =	vld [tilespmem:s9+$0x130]  }
0x1cf: {  	v2 =	vld [tilespmem:s9+$0x138]  }
0x1d0: {  	v3 =	vld [tilespmem:s9+$0x100]  }
0x1d1: {  	v4 =	vld [tilespmem:s9+$0x110]  }
0x1d2: {  	s10 =	simm.s32 $0x200;
	v5 =	vld [tilespmem:s9+$0x120]  }
.LBB2_16:
0x1d3: {  	s11 =	sshra.s32 s10, $0x2;
	[tilespmem:s9+$0xA130] =	vst v1;
	p0 =	sne.s32 s10, $0x1FE00  }
.Ltmp7:
0x1d4: {  	s10 =	sadd.s32 $0x200, s10;
	v1 =	vld [tilespmem:s11+$0x130];
	[tilespmem:s9+$0xA138] =	vst v2;
	(pc) =	sbr.rel @p0 .LBB2_16-.Ltmp7, $4  }
0x1d5: {  	v2 =	vld [tilespmem:s11+$0x138];
	[tilespmem:s9+$0xA100] =	vst v3  }
0x1d6: {  	v3 =	vld [tilespmem:s11+$0x100];
	[tilespmem:s9+$0xA110] =	vst v4  }
0x1d7: {  	v4 =	vld [tilespmem:s11+$0x110];
	[tilespmem:s9+$0xA120] =	vst v5;
	s9 =	smov.u32 s11  }
0x1d8: {  	v5 =	vld [tilespmem:s9+$0x120]  }
0x1d9: {  	[tilespmem:s9+$0xA130] =	vst v1  }
0x1da: {  	[tilespmem:s9+$0xA138] =	vst v2  }
0x1db: {  	[tilespmem:s9+$0xA100] =	vst v3  }
0x1dc: {  	[tilespmem:s9+$0xA110] =	vst v4  }
0x1dd: {  	s11 =	simm.s32 $0x0;
	[tilespmem:s9+$0xA120] =	vst v5  }
0x1de: {  	[hbm4b:s25+s11] =	stream.linear.scatter [tilespmem:s7], [sflag:$0x2], $0x8000, $0x38;
	[tilespmem:$0x1A140] =	vst v63  }
0x1df: {  	_ =	swait.ge [sflag:s3], $0x8000  }
0x1e0: {  	[sflag:s3] =	ssyncset.done $0x0  }
0x1e1: {  	[sflag:s3] =	ssyncadd.s32 $0xFFFF8000  }
0x1e2: {  	[tilespmem:s11], [sflag:$0x1] =	stream.linear.gather [hbm4b:s15+s11], $0x100, $0x38;
	[tilespmem:$0x1A140] =	vst v63  }
0x1e3: {  	_ = 	snop  }
0x1e4: {  	[tilespmem:s1], [sflag:$0x1] =	stream.linear.gather [hbm4b:s26+s11], $0x8000, $0x38;
	[tilespmem:$0x1A140] =	vst v63  }
0x1e5: {  	_ = 	snop  }
0x1e6: {  	[spmem:s29] =	stream.linear.scatter [tilespmem:s2], [sflag:$0x2], $0x2000, $0x38;
	[tilespmem:$0x1A140] =	vst v63  }
0x1e7: {  	_ =	swait.ge [sflag:s3], $0x2000  }
0x1e8: {  	[sflag:s3] =	ssyncset.done $0x0  }
0x1e9: {  	[sflag:s3] =	ssyncadd.s32 $0xFFFFE000  }
0x1ea: {  	[spmem:s31] =	stream.linear.scatter [tilespmem:s2], [sflag:$0x2], $0x2000, $0x38;
	[tilespmem:$0x1A140] =	vst v63  }
0x1eb: {  	_ =	swait.ge [sflag:s3], $0x2000  }
0x1ec: {  	[sflag:s3] =	ssyncset.done $0x0  }
0x1ed: {  	[sflag:s3] =	ssyncadd.s32 $0xFFFFE000  }
0x1ee: {  	[spmem:s22] =	stream.linear.scatter [tilespmem:s2], [sflag:$0x2], $0x2000, $0x38;
	[tilespmem:$0x1A140] =	vst v63  }
0x1ef: {  	_ =	swait.ge [sflag:s3], $0x2000  }
0x1f0: {  	[sflag:s3] =	ssyncset.done $0x0  }
0x1f1: {  	[sflag:s3] =	ssyncadd.s32 $0xFFFFE000  }
0x1f2: {  	[spmem:s0] =	stream.linear.scatter [tilespmem:s2], [sflag:$0x2], $0x2000, $0x38;
	[tilespmem:$0x1A140] =	vst v63  }
0x1f3: {  	_ =	swait.ge [sflag:s3], $0x2000  }
0x1f4: {  	[sflag:s3] =	ssyncset.done $0x0  }
0x1f5: {  	[sflag:s3] =	ssyncadd.s32 $0xFFFFE000  }
0x1f6: {  	[bflag:$0x0] =	sbarrier.arrive $0xFFFF  }
0x1f7: {  	_ =	swait.ge [sflag:s4], $0x100  }
0x1f8: {  	[sflag:s4] =	ssyncset.done $0x0  }
0x1f9: {  	[sflag:s4] =	ssyncadd.s32 $0xFFFFFF00  }
0x1fa: {  	_ =	swait.ge [sflag:s4], $0x8000  }
0x1fb: {  	[sflag:s4] =	ssyncset.done $0x0  }
0x1fc: {  	[sflag:s4] =	ssyncadd.s32 $0xFFFF8000  }
0x1fd: {  	[spmem:s23] =	stream.indirect.scatter.add.f32 [tilespmem:s1], [sflag:$0x2], $0x80, s11, s5, $0xb8;
	[tilespmem:$0x1A140] =	vst v63  }
0x1fe: {  	_ =	swait.ge [sflag:s3], $0x4000  }
0x1ff: {  	[sflag:s3] =	ssyncset.done $0x0  }
0x200: {  	[sflag:s3] =	ssyncadd.s32 $0xFFFFC000  }
0x201: {  	[spmem:s23] =	stream.indirect.scatter.add.f32 [tilespmem:s6], [sflag:$0x2], $0x80, s5, s5, $0xb8;
	[tilespmem:$0x1A140] =	vst v63  }
0x202: {  	_ =	swait.ge [sflag:s3], $0x4000  }
0x203: {  	[sflag:s3] =	ssyncset.done $0x0  }
0x204: {  	[sflag:s3] =	ssyncadd.s32 $0xFFFFC000  }
0x205: {  	[bflag:$0x0] =	sbarrier.arrive $0xFFFF  }
0x206: {  	[tilespmem:s1], [sflag:$0x2] =	stream.linear.gather [spmem:s29], $0x8000, $0x38;
	[tilespmem:$0x1A140] =	vst v63  }
0x207: {  	_ =	swait.ge [sflag:s3], $0x8000  }
0x208: {  	[sflag:s3] =	ssyncset.done $0x0  }
0x209: {  	s9 =	simm.s32 $0x0;
	[sflag:s3] =	ssyncadd.s32 $0xFFFF8000  }
0x20a: {  	v1 =	vld [tilespmem:s9+$0x130]  }
0x20b: {  	v2 =	vld [tilespmem:s9+$0x138]  }
0x20c: {  	v3 =	vld [tilespmem:s9+$0x100]  }
0x20d: {  	v4 =	vld [tilespmem:s9+$0x110]  }
0x20e: {  	s10 =	simm.s32 $0x200;
	v5 =	vld [tilespmem:s9+$0x120]  }
.LBB2_18:
0x20f: {  	s11 =	sshra.s32 s10, $0x2;
	[tilespmem:s9+$0xA130] =	vst v1;
	p0 =	sne.s32 s10, $0x1FE00  }
.Ltmp8:
0x210: {  	s10 =	sadd.s32 $0x200, s10;
	v1 =	vld [tilespmem:s11+$0x130];
	[tilespmem:s9+$0xA138] =	vst v2;
	(pc) =	sbr.rel @p0 .LBB2_18-.Ltmp8, $4  }
0x211: {  	v2 =	vld [tilespmem:s11+$0x138];
	[tilespmem:s9+$0xA100] =	vst v3  }
0x212: {  	v3 =	vld [tilespmem:s11+$0x100];
	[tilespmem:s9+$0xA110] =	vst v4  }
0x213: {  	v4 =	vld [tilespmem:s11+$0x110];
	[tilespmem:s9+$0xA120] =	vst v5;
	s9 =	smov.u32 s11  }
0x214: {  	v5 =	vld [tilespmem:s9+$0x120]  }
0x215: {  	[tilespmem:s9+$0xA130] =	vst v1  }
0x216: {  	[tilespmem:s9+$0xA138] =	vst v2  }
0x217: {  	s8 =	sadd.s32 $0x1, s8;
	[tilespmem:s9+$0xA100] =	vst v3  }
0x218: {  	p0 =	sne.s32 s8, s30;
	[tilespmem:s9+$0xA110] =	vst v4  }
.Ltmp9:
0x219: {  	s11 =	simm.s32 $0x0;
	[tilespmem:s9+$0xA120] =	vst v5;
	(pc) =	sbr.rel @p0 .LBB2_1-.Ltmp9, $4  }
0x21a: {  	[hbm4b:s28+s11] =	stream.linear.scatter [tilespmem:s7], [sflag:$0x2], $0x8000, $0x38;
	[tilespmem:$0x1A140] =	vst v63  }
0x21b: {  	_ =	swait.ge [sflag:s3], $0x8000  }
0x21c: {  	[sflag:s3] =	ssyncset.done $0x0  }
0x21d: {  	[sflag:s3] =	ssyncadd.s32 $0xFFFF8000  }
0x21e: {  	_ =	sfence.sel $0x180000  }
0x21f: {  	[bflag:$0x0] =	sbarrier.arrive $0xFFFF  }
0x220: {  	_ =	strace $0x90000047  }
0x221: {  	s0 =	stileid.u32;
	[bflag:$0x2] =	sbarrier.arrive $0xFFFF  }
0x222: {  	p0 =	sne.s32 s0, $0x0;
	s0 =	rddreg [dreg:$0x3]  }
0x223: {  	s0 =	sadd.s32 @!p0 $0x100000, s0  }
0x224: {  	[sflag:s0] =	ssyncadd.tile.s32 @!p0 $0x1;
	_ =	shalt  }
.Lfunc_end2:
_tile_overlayer_lowered:
.L_overlay_start_2:
0x225: {  	(tag) =	ssettag $0x2  }
0x226: {  	s0 =	rddreg [dreg:$0x0];
	s2 =	stileid.u32  }
0x227: {  	s1 =	rddreg [dreg:$0x1];
	p0 =	sne.s32 s2, $0x0  }
0x228: {  	s3 =	rddreg [dreg:$0x2];
	[bflag:$0x3] =	sbarrier.arrive $0xFFFF;
	s2 =	simm.s32 @!p0 $0x1C02  }
0x229: {  	[timem:s3], [sflag:s2] =	dma.local @!p0 [hbm:s0], s1  }
0x22a: {  	s0 =	simm.s32 @!p0 $0x2  }
0x22b: {  	_ =	swait.ge @!p0 [sflag:s0], s1  }
0x22c: {  	s1 =	ssub.s32 @!p0 $0x0, s1;
	[sflag:s0] =	ssyncset.done @!p0 $0x0  }
0x22d: {  	[sflag:s0] =	ssyncadd.s32 @!p0 s1  }
0x22e: {  	[bflag:$0x3] =	sbarrier.arrive $0xFFFF  }
0x22f: {  	_ =	shalt  }

</sc_bundles>
